<compile_context>
chip_gen: v7x
topology: tpu7x:2x2x1
jax: 0.10.2.dev20260603
libtpu: 0.0.44.dev20260713+nightly
codegen_flags: <defaults>
</compile_context>

<pallas_src>
import jax
import jax.numpy as jnp
from jax import lax
from jax.experimental import pallas as pl
from jax.experimental.pallas import tpu as pltpu
from jax.experimental.pallas import tpu_sc as plsc

E = 8
IN = 2048
MID = 8192
OUT = 2048
S = 4096
C = S // E

SCHUNK = 1024
NCH = S // SCHUNK

MID_T = 1024
KT = MID // MID_T

CP = C + 8
EOP = E * CP

NC, NS = 2, 16
NW = NC * NS
ROWS_W = S // NW
GCHUNK = 16
NGC = ROWS_W // GCHUNK

GL = 128


def _sc_mesh():
    return plsc.VectorSubcoreMesh(core_axis_name="c", subcore_axis_name="s")



def _routing_body(x_ref, wg_ref, slot_ref, gate_ref, laux_ref,
                  cnt_ref, me_ref, ce_ref, tri_ref):
    i = pl.program_id(0)

    @pl.when(i == 0)
    def _():
        cnt_ref[...] = jnp.zeros_like(cnt_ref)
        me_ref[...] = jnp.zeros_like(me_ref)
        ce_ref[...] = jnp.zeros_like(ce_ref)
        r = lax.broadcasted_iota(jnp.int32, (SCHUNK, SCHUNK), 0)
        cc = lax.broadcasted_iota(jnp.int32, (SCHUNK, SCHUNK), 1)
        tri_ref[...] = (r >= cc).astype(jnp.float32)

    x = x_ref[...]
    logits = jnp.dot(x, wg_ref[...], preferred_element_type=jnp.float32)
    m = jnp.max(logits, axis=1, keepdims=True)
    ex = jnp.exp(logits - m)
    gates = ex / jnp.sum(ex, axis=1, keepdims=True)

    gmax = jnp.max(gates, axis=1, keepdims=True)
    col = lax.broadcasted_iota(jnp.int32, (SCHUNK, E), 1)
    idx = jnp.min(jnp.where(gates == gmax, col, E), axis=1, keepdims=True)
    mask = (col == idx).astype(jnp.float32)

    me_ref[...] += jnp.sum(gates, axis=0, keepdims=True)
    ce_ref[...] += jnp.sum(mask, axis=0, keepdims=True)

    csum = jnp.dot(tri_ref[...], mask, preferred_element_type=jnp.float32)
    locs = csum - 1.0 + cnt_ref[...]
    cnt_ref[...] += jnp.sum(mask, axis=0, keepdims=True)

    keepm = mask * (locs < C).astype(jnp.float32)
    kept = jnp.sum(keepm, axis=1, keepdims=True)
    loc_i = jnp.sum(locs * keepm, axis=1, keepdims=True).astype(jnp.int32)
    gate_s = jnp.sum(gates * keepm, axis=1, keepdims=True)

    gate_ref[...] = gate_s
    slot_ref[...] = jnp.where(kept > 0.0, idx * CP + loc_i, C)

    @pl.when(i == NCH - 1)
    def _():
        laux_ref[...] = jnp.sum(
            (me_ref[...] / S) * (ce_ref[...] / S), axis=1, keepdims=True) * E


def _routing(feats, wg):
    return pl.pallas_call(
        _routing_body,
        grid=(NCH,),
        in_specs=[
            pl.BlockSpec((SCHUNK, IN), lambda i: (i, 0)),
            pl.BlockSpec((IN, E), lambda i: (0, 0)),
        ],
        out_specs=[
            pl.BlockSpec((SCHUNK, 1), lambda i: (i, 0)),
            pl.BlockSpec((SCHUNK, 1), lambda i: (i, 0)),
            pl.BlockSpec((1, 1), lambda i: (0, 0)),
        ],
        out_shape=[
            jax.ShapeDtypeStruct((S, 1), jnp.int32),
            jax.ShapeDtypeStruct((S, 1), jnp.float32),
            jax.ShapeDtypeStruct((1, 1), jnp.float32),
        ],
        scratch_shapes=[
            pltpu.VMEM((1, E), jnp.float32),
            pltpu.VMEM((1, E), jnp.float32),
            pltpu.VMEM((1, E), jnp.float32),
            pltpu.VMEM((SCHUNK, SCHUNK), jnp.float32),
        ],
        compiler_params=pltpu.CompilerParams(
            dimension_semantics=("arbitrary",)),
    )(feats, wg)



def _sc_dispatch_body(feats_hbm, slot_hbm, gate_hbm, disp_hbm, gos_hbm,
                      idx0, idx1, g0, g1, rows0, rows1, grows0, grows1,
                      sr0, sr1, sg0, sg1):
    wid = lax.axis_index("s") * NC + lax.axis_index("c")
    base = wid * ROWS_W
    idxs = (idx0, idx1)
    gs = (g0, g1)
    rows = (rows0, rows1)
    grows = (grows0, grows1)
    srs = (sr0, sr1)
    sgs = (sg0, sg1)
    lane = lax.iota(jnp.int32, 16)
    zero16 = jnp.zeros((16,), jnp.int32)

    pend = [None, None]
    for j in range(NGC):
        b = j % 2
        if pend[b] is not None:
            for cp in pend[b]:
                cp.wait()
            pend[b] = None
        off = base + j * GCHUNK
        pltpu.sync_copy(slot_hbm.at[pl.ds(off, GCHUNK)], idxs[b])
        pltpu.sync_copy(gate_hbm.at[pl.ds(off, GCHUNK)], gs[b])
        pltpu.sync_copy(feats_hbm.at[pl.ds(off, GCHUNK)], rows[b])
        plsc.store_scatter(grows[b], [lane, zero16], gs[b][...])
        cp1 = pltpu.async_copy(rows[b], disp_hbm.at[idxs[b]], srs[b])
        cp2 = pltpu.async_copy(grows[b], gos_hbm.at[idxs[b]], sgs[b])
        pend[b] = (cp1, cp2)
    for b in (0, 1):
        if pend[b] is not None:
            for cp in pend[b]:
                cp.wait()
            pend[b] = None


def _sc_dispatch(feats, slot1, gate1):
    f = pl.kernel(
        _sc_dispatch_body,
        out_type=[
            jax.ShapeDtypeStruct((EOP, IN), jnp.float32),
            jax.ShapeDtypeStruct((EOP, GL), jnp.float32),
        ],
        mesh=_sc_mesh(),
        scratch_types=[
            pltpu.VMEM((GCHUNK,), jnp.int32),
            pltpu.VMEM((GCHUNK,), jnp.int32),
            pltpu.VMEM((GCHUNK,), jnp.float32),
            pltpu.VMEM((GCHUNK,), jnp.float32),
            pltpu.VMEM((GCHUNK, IN), jnp.float32),
            pltpu.VMEM((GCHUNK, IN), jnp.float32),
            pltpu.VMEM((GCHUNK, GL), jnp.float32),
            pltpu.VMEM((GCHUNK, GL), jnp.float32),
            pltpu.SemaphoreType.DMA,
            pltpu.SemaphoreType.DMA,
            pltpu.SemaphoreType.DMA,
            pltpu.SemaphoreType.DMA,
        ],
        compiler_params=pltpu.CompilerParams(needs_layout_passes=False),
    )
    return f(feats, slot1, gate1)



def _sc_gather_body(table_hbm, idx_hbm, out_hbm,
                    idx0, idx1, rows0, rows1, sem0, sem1):
    wid = lax.axis_index("s") * NC + lax.axis_index("c")
    base = wid * ROWS_W
    idxs = (idx0, idx1)
    rows = (rows0, rows1)
    sems = (sem0, sem1)

    pend = [None, None]
    for j in range(NGC):
        b = j % 2
        off = base + j * GCHUNK
        pltpu.sync_copy(idx_hbm.at[pl.ds(off, GCHUNK)], idxs[b])
        cp = pltpu.async_copy(table_hbm.at[idxs[b]], rows[b], sems[b])
        ob = 1 - b
        if pend[ob] is not None:
            poff, pcp = pend[ob]
            pcp.wait()
            pltpu.sync_copy(rows[ob], out_hbm.at[pl.ds(poff, GCHUNK)])
            pend[ob] = None
        pend[b] = (off, cp)
    for b in (NGC % 2, 1 - (NGC % 2)):
        if pend[b] is not None:
            poff, pcp = pend[b]
            pcp.wait()
            pltpu.sync_copy(rows[b], out_hbm.at[pl.ds(poff, GCHUNK)])
            pend[b] = None


def _sc_gather(table, idx1):
    f = pl.kernel(
        _sc_gather_body,
        out_type=jax.ShapeDtypeStruct((S, OUT), jnp.float32),
        mesh=_sc_mesh(),
        scratch_types=[
            pltpu.VMEM((GCHUNK,), jnp.int32),
            pltpu.VMEM((GCHUNK,), jnp.int32),
            pltpu.VMEM((GCHUNK, OUT), jnp.float32),
            pltpu.VMEM((GCHUNK, OUT), jnp.float32),
            pltpu.SemaphoreType.DMA,
            pltpu.SemaphoreType.DMA,
        ],
    )
    return f(table, idx1)



def _mlp_body(x_ref, w1_ref, b1_ref, w2_ref, b2_ref, g_ref, out_ref):
    k = pl.program_id(1)
    x = x_ref[...].astype(jnp.bfloat16)
    w1 = w1_ref[0].astype(jnp.bfloat16)
    h = jnp.dot(x, w1, preferred_element_type=jnp.float32)
    h = jnp.maximum(h + b1_ref[0], 0.0)
    w2 = w2_ref[0].astype(jnp.bfloat16)
    p = jnp.dot(h.astype(jnp.bfloat16), w2, preferred_element_type=jnp.float32)

    @pl.when(k == 0)
    def _():
        out_ref[...] = p

    @pl.when(k > 0)
    def _():
        out_ref[...] = out_ref[...] + p

    @pl.when(k == KT - 1)
    def _():
        out_ref[...] = (out_ref[...] + b2_ref[0]) * g_ref[:, :1]
        out_ref[pl.ds(C, CP - C), :] = jnp.zeros((CP - C, OUT), jnp.float32)


def _mlp(disp, W1, b1, W2, b2, gos):
    return pl.pallas_call(
        _mlp_body,
        grid=(E, KT),
        in_specs=[
            pl.BlockSpec((CP, IN), lambda e, k: (e, 0)),
            pl.BlockSpec((1, IN, MID_T), lambda e, k: (e, 0, k)),
            pl.BlockSpec((1, 1, MID_T), lambda e, k: (e, 0, k)),
            pl.BlockSpec((1, MID_T, OUT), lambda e, k: (e, k, 0)),
            pl.BlockSpec((1, 1, OUT), lambda e, k: (e, 0, 0)),
            pl.BlockSpec((CP, GL), lambda e, k: (e, 0)),
        ],
        out_specs=pl.BlockSpec((CP, OUT), lambda e, k: (e, 0)),
        out_shape=jax.ShapeDtypeStruct((EOP, OUT), jnp.float32),
        compiler_params=pltpu.CompilerParams(
            dimension_semantics=("parallel", "arbitrary"),
            vmem_limit_bytes=63 * 1024 * 1024),
    )(disp, W1, b1.reshape(E, 1, MID), W2, b2.reshape(E, 1, OUT), gos)



def kernel(hidden_states, wg, W1, b1, W2, b2):
    B, T, M = hidden_states.shape
    feats = hidden_states.reshape(S, M)

    slot, gate, laux = _routing(feats, wg)
    slot1 = slot.reshape(S)
    gate1 = gate.reshape(S)

    disp, gos = _sc_dispatch(feats, slot1, gate1)
    eout = _mlp(disp, W1, b1, W2, b2, gos)
    comb = _sc_gather(eout, slot1)
    return comb.reshape(B, T, OUT), laux.reshape(())

# --- scband reference (transcript-rebuilt; emitter-appended) ---
"""Pipeline reference for scband-base-layer-1864015807157 (READ-ONLY COPY).

The authoritative reference and input builder live on the scoring server;
editing this copy changes nothing except your own understanding.
"""

import jax, jax.numpy as jnp
import numpy as np

E = 8
IN = 2048
MID = 8192
OUT = 2048


def setup_inputs(seed: int = 0) -> dict:
    key = jax.random.key(seed)
    ks = jax.random.split(key, 6)
    hidden_states = jax.random.normal(ks[0], (2, 2048, IN), dtype=jnp.float32)
    wg = jax.random.normal(ks[1], (IN, E), dtype=jnp.float32) * 0.02
    W1 = jax.random.normal(ks[2], (E, IN, MID), dtype=jnp.float32) * 0.02
    b1 = jnp.zeros((E, MID), dtype=jnp.float32)
    W2 = jax.random.normal(ks[3], (E, MID, OUT), dtype=jnp.float32) * 0.02
    b2 = jnp.zeros((E, OUT), dtype=jnp.float32)
    return {"hidden_states": hidden_states, "wg": wg, "W1": W1, "b1": b1, "W2": W2, "b2": b2}


def reference(hidden_states, wg, W1, b1, W2, b2):
    # BaseLayer.forward (eval mode: base_shuffle inactive since is_training=False)
    B, T, M = hidden_states.shape
    features = hidden_states.reshape(-1, M)  # [S, M]
    S = features.shape[0]
    C = S // E  # capacity per expert (capacity_factor = 1.0)

    # ---- Top1Gate (fairseq-style top-1 gating) ----
    logits = features @ wg                     # [S, E]
    gates = jax.nn.softmax(logits, axis=-1)    # [S, E]
    idx = jnp.argmax(gates, axis=-1)           # [S]
    mask = jax.nn.one_hot(idx, E, dtype=gates.dtype)  # [S, E]
    # load-balancing auxiliary loss
    me = jnp.mean(gates, axis=0)
    ce = jnp.mean(mask, axis=0)
    l_aux = jnp.sum(me * ce) * E
    # position of each token within its expert's capacity buffer
    locations = jnp.cumsum(mask, axis=0) - 1.0            # [S, E]
    mask = mask * (locations < C).astype(mask.dtype)      # drop overflow tokens
    locations_s = jnp.sum(locations * mask, axis=1).astype(jnp.int32)  # [S]
    gates_s = jnp.sum(gates * mask, axis=1)                # [S]
    combine_weights = (gates_s[:, None, None]
                       * mask[:, :, None]
                       * jax.nn.one_hot(locations_s, C, dtype=gates.dtype)[:, None, :])  # [S, E, C]
    dispatch_mask = (combine_weights > 0).astype(hidden_states.dtype)  # [S, E, C]

    # ---- dispatch: dispatch_mask.permute(1,2,0) -> [E, C, S]; mm with features ----
    dm = jnp.transpose(dispatch_mask, (1, 2, 0))           # [E, C, S]
    dispatched = (dm.reshape(E * C, S) @ features).reshape(E, C, M)

    # ---- per-expert BaseSublayer: 2-layer MLP (Linear -> ReLU -> Linear) ----
    h = jax.nn.relu(jnp.einsum('ecm,emf->ecf', dispatched, W1) + b1[:, None, :])
    expert_output = jnp.einsum('ecf,efo->eco', h, W2) + b2[:, None, :]  # [E, C, OUT]

    # ---- combine ----
    combined = combine_weights.reshape(S, E * C) @ expert_output.reshape(E * C, OUT)
    return combined.reshape(B, T, OUT), l_aux

if __name__ == "__main__":
    import jax
    _d = setup_inputs()
    print(jax.jit(kernel)(*tuple(_d.values())))

</pallas_src>

<mosaic_0001>
#map = affine_map<(d0, d1) -> (0, 0)>
#map1 = affine_map<(d0, d1) -> (0)>
module attributes {stable_mosaic.version = 14 : i64} {
  func.func @_sc_dispatch_body(%arg0: i32, %arg1: i32, %arg2: memref<4096x2048xf32, #tpu.memory_space<hbm>>, %arg3: memref<4096xi32, #tpu.memory_space<hbm>>, %arg4: memref<4096xf32, #tpu.memory_space<hbm>>, %arg5: memref<4160x2048xf32, #tpu.memory_space<hbm>>, %arg6: memref<4160x128xf32, #tpu.memory_space<hbm>>, %arg7: memref<16xi32, #tpu.memory_space<vmem>>, %arg8: memref<16xi32, #tpu.memory_space<vmem>>, %arg9: memref<16xf32, #tpu.memory_space<vmem>>, %arg10: memref<16xf32, #tpu.memory_space<vmem>>, %arg11: memref<16x2048xf32, #tpu.memory_space<vmem>>, %arg12: memref<16x2048xf32, #tpu.memory_space<vmem>>, %arg13: memref<16x128xf32, #tpu.memory_space<vmem>>, %arg14: memref<16x128xf32, #tpu.memory_space<vmem>>, %arg15: memref<!tpu.dma_semaphore, #tpu.memory_space<semaphore_mem>>, %arg16: memref<!tpu.dma_semaphore, #tpu.memory_space<semaphore_mem>>, %arg17: memref<!tpu.dma_semaphore, #tpu.memory_space<semaphore_mem>>, %arg18: memref<!tpu.dma_semaphore, #tpu.memory_space<semaphore_mem>>) attributes {dimension_semantics = [#tpu.dimension_semantics<core_parallel>, #tpu.dimension_semantics<subcore_parallel>], iteration_bounds = array<i64: 2, 16>, scalar_prefetch = 0 : i64, scratch_operands = 12 : i64, tpu.core_type = #tpu.core_type<sc_vector_subcore>, window_params = [{transform_indices = #map}, {transform_indices = #map1}, {transform_indices = #map1}, {transform_indices = #map}, {transform_indices = #map}]} {
    %mul3A = arith.constant 2 : i32
    %mul3A_0 = arith.muli %arg1, %mul3A : i32
    %add3A = arith.addi %mul3A_0, %arg0 : i32
    %mul3A_1 = arith.constant 128 : i32
    %mul3A_2 = arith.muli %add3A, %mul3A_1 : i32
    %iota3A = tpu.iota {dimensions = array<i32: 0>} : vector<16xi32>
    %broadcast_in_dim3A = arith.constant 0 : i32
    %broadcast_in_dim3A_3 = vector.broadcast %broadcast_in_dim3A : i32 to vector<16xi32>
    %add3A_4 = arith.constant 0 : i32
    %add3A_5 = arith.addi %mul3A_2, %add3A_4 : i32
    "tpu.region"() ({
      %run_scoped3A = tpu.sem_alloc : memref<!tpu.dma_semaphore, #tpu.memory_space<semaphore_mem>>
      %dma_start3A_129 = tpu.memref_slice %arg3[%add3A_5] : memref<4096xi32, #tpu.memory_space<hbm>> -> memref<16xi32, #tpu.memory_space<hbm>>
      %dma_start3A_130 = tpu.memref_slice %arg3[%add3A_5] : memref<4096xi32, #tpu.memory_space<hbm>> -> memref<16xi32, #tpu.memory_space<hbm>>
      tpu.enqueue_dma source(%dma_start3A_130 : memref<16xi32, #tpu.memory_space<hbm>>) target(%arg7 : memref<16xi32, #tpu.memory_space<vmem>>) target_semaphore(%run_scoped3A : memref<!tpu.dma_semaphore, #tpu.memory_space<semaphore_mem>>)
      %dma_wait3A_131 = tpu.memref_slice %arg3[%add3A_5] : memref<4096xi32, #tpu.memory_space<hbm>> -> memref<16xi32, #tpu.memory_space<hbm>>
      %dma_wait3A_132 = tpu.memref_slice %arg3[%add3A_5] : memref<4096xi32, #tpu.memory_space<hbm>> -> memref<16xi32, #tpu.memory_space<hbm>>
      tpu.wait_dma2 semaphore(%run_scoped3A : memref<!tpu.dma_semaphore, #tpu.memory_space<semaphore_mem>>) src(%dma_wait3A_132 : memref<16xi32, #tpu.memory_space<hbm>>) dst(%arg7 : memref<16xi32, #tpu.memory_space<vmem>>)
      tpu.yield
    }) : () -> ()
    "tpu.region"() ({
      %run_scoped3A = tpu.sem_alloc : memref<!tpu.dma_semaphore, #tpu.memory_space<semaphore_mem>>
      %dma_start3A_129 = tpu.memref_slice %arg4[%add3A_5] : memref<4096xf32, #tpu.memory_space<hbm>> -> memref<16xf32, #tpu.memory_space<hbm>>
      %dma_start3A_130 = tpu.memref_slice %arg4[%add3A_5] : memref<4096xf32, #tpu.memory_space<hbm>> -> memref<16xf32, #tpu.memory_space<hbm>>
      tpu.enqueue_dma source(%dma_start3A_130 : memref<16xf32, #tpu.memory_space<hbm>>) target(%arg9 : memref<16xf32, #tpu.memory_space<vmem>>) target_semaphore(%run_scoped3A : memref<!tpu.dma_semaphore, #tpu.memory_space<semaphore_mem>>)
      %dma_wait3A_131 = tpu.memref_slice %arg4[%add3A_5] : memref<4096xf32, #tpu.memory_space<hbm>> -> memref<16xf32, #tpu.memory_space<hbm>>
      %dma_wait3A_132 = tpu.memref_slice %arg4[%add3A_5] : memref<4096xf32, #tpu.memory_space<hbm>> -> memref<16xf32, #tpu.memory_space<hbm>>
      tpu.wait_dma2 semaphore(%run_scoped3A : memref<!tpu.dma_semaphore, #tpu.memory_space<semaphore_mem>>) src(%dma_wait3A_132 : memref<16xf32, #tpu.memory_space<hbm>>) dst(%arg9 : memref<16xf32, #tpu.memory_space<vmem>>)
      tpu.yield
    }) : () -> ()
    "tpu.region"() ({
      %run_scoped3A = tpu.sem_alloc : memref<!tpu.dma_semaphore, #tpu.memory_space<semaphore_mem>>
      %dma_start3A_129 = arith.constant 0 : i32
      %dma_start3A_130 = tpu.memref_slice %arg2[%add3A_5, %dma_start3A_129] : memref<4096x2048xf32, #tpu.memory_space<hbm>> -> memref<16x2048xf32, #tpu.memory_space<hbm>>
      %dma_start3A_131 = arith.constant 0 : i32
      %dma_start3A_132 = tpu.memref_slice %arg2[%add3A_5, %dma_start3A_131] : memref<4096x2048xf32, #tpu.memory_space<hbm>> -> memref<16x2048xf32, #tpu.memory_space<hbm>>
      tpu.enqueue_dma source(%dma_start3A_132 : memref<16x2048xf32, #tpu.memory_space<hbm>>) target(%arg11 : memref<16x2048xf32, #tpu.memory_space<vmem>>) target_semaphore(%run_scoped3A : memref<!tpu.dma_semaphore, #tpu.memory_space<semaphore_mem>>)
      %dma_wait3A_133 = arith.constant 0 : i32
      %dma_wait3A_134 = tpu.memref_slice %arg2[%add3A_5, %dma_wait3A_133] : memref<4096x2048xf32, #tpu.memory_space<hbm>> -> memref<16x2048xf32, #tpu.memory_space<hbm>>
      %dma_wait3A_135 = arith.constant 0 : i32
      %dma_wait3A_136 = tpu.memref_slice %arg2[%add3A_5, %dma_wait3A_135] : memref<4096x2048xf32, #tpu.memory_space<hbm>> -> memref<16x2048xf32, #tpu.memory_space<hbm>>
      tpu.wait_dma2 semaphore(%run_scoped3A : memref<!tpu.dma_semaphore, #tpu.memory_space<semaphore_mem>>) src(%dma_wait3A_136 : memref<16x2048xf32, #tpu.memory_space<hbm>>) dst(%arg11 : memref<16x2048xf32, #tpu.memory_space<vmem>>)
      tpu.yield
    }) : () -> ()
    %get3A = arith.constant 0 : index
    %get3A_6 = tpu.vector_load %arg9[%get3A] {strides = array<i32>} : memref<16xf32, #tpu.memory_space<vmem>>, vector<16xf32>,
    tpu.vector_store_idx %arg13[%iota3A, %broadcast_in_dim3A_3], %get3A_6 : memref<16x128xf32, #tpu.memory_space<vmem>>[vector<16xi32>, vector<16xi32>], vector<16xf32>,
    %dma_start3A = arith.constant 0 : i32
    %dma_start3A_7 = arith.constant 0 : i32
    %dma_start3A_8 = tpu.memref_slice %arg5[%dma_start3A, %dma_start3A_7] : memref<4160x2048xf32, #tpu.memory_space<hbm>> -> memref<4160x2048xf32, #tpu.memory_space<hbm>>
    tpu.enqueue_indirect_dma source(%arg11 : memref<16x2048xf32, #tpu.memory_space<vmem>>) target(%dma_start3A_8 : memref<4160x2048xf32, #tpu.memory_space<hbm>>) offsets(%arg7 : memref<16xi32, #tpu.memory_space<vmem>>) semaphore(%arg15 : memref<!tpu.dma_semaphore, #tpu.memory_space<semaphore_mem>>)
    %dma_start3A_9 = arith.constant 0 : i32
    %dma_start3A_10 = arith.constant 0 : i32
    %dma_start3A_11 = tpu.memref_slice %arg6[%dma_start3A_9, %dma_start3A_10] : memref<4160x128xf32, #tpu.memory_space<hbm>> -> memref<4160x128xf32, #tpu.memory_space<hbm>>
    tpu.enqueue_indirect_dma source(%arg13 : memref<16x128xf32, #tpu.memory_space<vmem>>) target(%dma_start3A_11 : memref<4160x128xf32, #tpu.memory_space<hbm>>) offsets(%arg7 : memref<16xi32, #tpu.memory_space<vmem>>) semaphore(%arg17 : memref<!tpu.dma_semaphore, #tpu.memory_space<semaphore_mem>>)
    %add3A_12 = arith.constant 16 : i32
    %add3A_13 = arith.addi %mul3A_2, %add3A_12 : i32
    "tpu.region"() ({
      %run_scoped3A = tpu.sem_alloc : memref<!tpu.dma_semaphore, #tpu.memory_space<semaphore_mem>>
      %dma_start3A_129 = tpu.memref_slice %arg3[%add3A_13] : memref<4096xi32, #tpu.memory_space<hbm>> -> memref<16xi32, #tpu.memory_space<hbm>>
      %dma_start3A_130 = tpu.memref_slice %arg3[%add3A_13] : memref<4096xi32, #tpu.memory_space<hbm>> -> memref<16xi32, #tpu.memory_space<hbm>>
      tpu.enqueue_dma source(%dma_start3A_130 : memref<16xi32, #tpu.memory_space<hbm>>) target(%arg8 : memref<16xi32, #tpu.memory_space<vmem>>) target_semaphore(%run_scoped3A : memref<!tpu.dma_semaphore, #tpu.memory_space<semaphore_mem>>)
      %dma_wait3A_131 = tpu.memref_slice %arg3[%add3A_13] : memref<4096xi32, #tpu.memory_space<hbm>> -> memref<16xi32, #tpu.memory_space<hbm>>
      %dma_wait3A_132 = tpu.memref_slice %arg3[%add3A_13] : memref<4096xi32, #tpu.memory_space<hbm>> -> memref<16xi32, #tpu.memory_space<hbm>>
      tpu.wait_dma2 semaphore(%run_scoped3A : memref<!tpu.dma_semaphore, #tpu.memory_space<semaphore_mem>>) src(%dma_wait3A_132 : memref<16xi32, #tpu.memory_space<hbm>>) dst(%arg8 : memref<16xi32, #tpu.memory_space<vmem>>)
      tpu.yield
    }) : () -> ()
    "tpu.region"() ({
      %run_scoped3A = tpu.sem_alloc : memref<!tpu.dma_semaphore, #tpu.memory_space<semaphore_mem>>
      %dma_start3A_129 = tpu.memref_slice %arg4[%add3A_13] : memref<4096xf32, #tpu.memory_space<hbm>> -> memref<16xf32, #tpu.memory_space<hbm>>
      %dma_start3A_130 = tpu.memref_slice %arg4[%add3A_13] : memref<4096xf32, #tpu.memory_space<hbm>> -> memref<16xf32, #tpu.memory_space<hbm>>
      tpu.enqueue_dma source(%dma_start3A_130 : memref<16xf32, #tpu.memory_space<hbm>>) target(%arg10 : memref<16xf32, #tpu.memory_space<vmem>>) target_semaphore(%run_scoped3A : memref<!tpu.dma_semaphore, #tpu.memory_space<semaphore_mem>>)
      %dma_wait3A_131 = tpu.memref_slice %arg4[%add3A_13] : memref<4096xf32, #tpu.memory_space<hbm>> -> memref<16xf32, #tpu.memory_space<hbm>>
      %dma_wait3A_132 = tpu.memref_slice %arg4[%add3A_13] : memref<4096xf32, #tpu.memory_space<hbm>> -> memref<16xf32, #tpu.memory_space<hbm>>
      tpu.wait_dma2 semaphore(%run_scoped3A : memref<!tpu.dma_semaphore, #tpu.memory_space<semaphore_mem>>) src(%dma_wait3A_132 : memref<16xf32, #tpu.memory_space<hbm>>) dst(%arg10 : memref<16xf32, #tpu.memory_space<vmem>>)
      tpu.yield
    }) : () -> ()
    "tpu.region"() ({
      %run_scoped3A = tpu.sem_alloc : memref<!tpu.dma_semaphore, #tpu.memory_space<semaphore_mem>>
      %dma_start3A_129 = arith.constant 0 : i32
      %dma_start3A_130 = tpu.memref_slice %arg2[%add3A_13, %dma_start3A_129] : memref<4096x2048xf32, #tpu.memory_space<hbm>> -> memref<16x2048xf32, #tpu.memory_space<hbm>>
      %dma_start3A_131 = arith.constant 0 : i32
      %dma_start3A_132 = tpu.memref_slice %arg2[%add3A_13, %dma_start3A_131] : memref<4096x2048xf32, #tpu.memory_space<hbm>> -> memref<16x2048xf32, #tpu.memory_space<hbm>>
      tpu.enqueue_dma source(%dma_start3A_132 : memref<16x2048xf32, #tpu.memory_space<hbm>>) target(%arg12 : memref<16x2048xf32, #tpu.memory_space<vmem>>) target_semaphore(%run_scoped3A : memref<!tpu.dma_semaphore, #tpu.memory_space<semaphore_mem>>)
      %dma_wait3A_133 = arith.constant 0 : i32
      %dma_wait3A_134 = tpu.memref_slice %arg2[%add3A_13, %dma_wait3A_133] : memref<4096x2048xf32, #tpu.memory_space<hbm>> -> memref<16x2048xf32, #tpu.memory_space<hbm>>
      %dma_wait3A_135 = arith.constant 0 : i32
      %dma_wait3A_136 = tpu.memref_slice %arg2[%add3A_13, %dma_wait3A_135] : memref<4096x2048xf32, #tpu.memory_space<hbm>> -> memref<16x2048xf32, #tpu.memory_space<hbm>>
      tpu.wait_dma2 semaphore(%run_scoped3A : memref<!tpu.dma_semaphore, #tpu.memory_space<semaphore_mem>>) src(%dma_wait3A_136 : memref<16x2048xf32, #tpu.memory_space<hbm>>) dst(%arg12 : memref<16x2048xf32, #tpu.memory_space<vmem>>)
      tpu.yield
    }) : () -> ()
    %get3A_14 = arith.constant 0 : index
    %get3A_15 = tpu.vector_load %arg10[%get3A_14] {strides = array<i32>} : memref<16xf32, #tpu.memory_space<vmem>>, vector<16xf32>,
    tpu.vector_store_idx %arg14[%iota3A, %broadcast_in_dim3A_3], %get3A_15 : memref<16x128xf32, #tpu.memory_space<vmem>>[vector<16xi32>, vector<16xi32>], vector<16xf32>,
    %dma_start3A_16 = arith.constant 0 : i32
    %dma_start3A_17 = arith.constant 0 : i32
    %dma_start3A_18 = tpu.memref_slice %arg5[%dma_start3A_16, %dma_start3A_17] : memref<4160x2048xf32, #tpu.memory_space<hbm>> -> memref<4160x2048xf32, #tpu.memory_space<hbm>>
    tpu.enqueue_indirect_dma source(%arg12 : memref<16x2048xf32, #tpu.memory_space<vmem>>) target(%dma_start3A_18 : memref<4160x2048xf32, #tpu.memory_space<hbm>>) offsets(%arg8 : memref<16xi32, #tpu.memory_space<vmem>>) semaphore(%arg16 : memref<!tpu.dma_semaphore, #tpu.memory_space<semaphore_mem>>)
    %dma_start3A_19 = arith.constant 0 : i32
    %dma_start3A_20 = arith.constant 0 : i32
    %dma_start3A_21 = tpu.memref_slice %arg6[%dma_start3A_19, %dma_start3A_20] : memref<4160x128xf32, #tpu.memory_space<hbm>> -> memref<4160x128xf32, #tpu.memory_space<hbm>>
    tpu.enqueue_indirect_dma source(%arg14 : memref<16x128xf32, #tpu.memory_space<vmem>>) target(%dma_start3A_21 : memref<4160x128xf32, #tpu.memory_space<hbm>>) offsets(%arg8 : memref<16xi32, #tpu.memory_space<vmem>>) semaphore(%arg18 : memref<!tpu.dma_semaphore, #tpu.memory_space<semaphore_mem>>)
    %dma_wait3A = arith.constant 0 : i32
    %dma_wait3A_22 = arith.constant 0 : i32
    %dma_wait3A_23 = tpu.memref_slice %arg5[%dma_wait3A, %dma_wait3A_22] : memref<4160x2048xf32, #tpu.memory_space<hbm>> -> memref<4160x2048xf32, #tpu.memory_space<hbm>>
    tpu.wait_indirect_dma semaphore(%arg15 : memref<!tpu.dma_semaphore, #tpu.memory_space<semaphore_mem>>) src(%arg11 : memref<16x2048xf32, #tpu.memory_space<vmem>>) dst(%dma_wait3A_23 : memref<4160x2048xf32, #tpu.memory_space<hbm>>)
    %dma_wait3A_24 = arith.constant 0 : i32
    %dma_wait3A_25 = arith.constant 0 : i32
    %dma_wait3A_26 = tpu.memref_slice %arg6[%dma_wait3A_24, %dma_wait3A_25] : memref<4160x128xf32, #tpu.memory_space<hbm>> -> memref<4160x128xf32, #tpu.memory_space<hbm>>
    tpu.wait_indirect_dma semaphore(%arg17 : memref<!tpu.dma_semaphore, #tpu.memory_space<semaphore_mem>>) src(%arg13 : memref<16x128xf32, #tpu.memory_space<vmem>>) dst(%dma_wait3A_26 : memref<4160x128xf32, #tpu.memory_space<hbm>>)
    %add3A_27 = arith.constant 32 : i32
    %add3A_28 = arith.addi %mul3A_2, %add3A_27 : i32
    "tpu.region"() ({
      %run_scoped3A = tpu.sem_alloc : memref<!tpu.dma_semaphore, #tpu.memory_space<semaphore_mem>>
      %dma_start3A_129 = tpu.memref_slice %arg3[%add3A_28] : memref<4096xi32, #tpu.memory_space<hbm>> -> memref<16xi32, #tpu.memory_space<hbm>>
      %dma_start3A_130 = tpu.memref_slice %arg3[%add3A_28] : memref<4096xi32, #tpu.memory_space<hbm>> -> memref<16xi32, #tpu.memory_space<hbm>>
      tpu.enqueue_dma source(%dma_start3A_130 : memref<16xi32, #tpu.memory_space<hbm>>) target(%arg7 : memref<16xi32, #tpu.memory_space<vmem>>) target_semaphore(%run_scoped3A : memref<!tpu.dma_semaphore, #tpu.memory_space<semaphore_mem>>)
      %dma_wait3A_131 = tpu.memref_slice %arg3[%add3A_28] : memref<4096xi32, #tpu.memory_space<hbm>> -> memref<16xi32, #tpu.memory_space<hbm>>
      %dma_wait3A_132 = tpu.memref_slice %arg3[%add3A_28] : memref<4096xi32, #tpu.memory_space<hbm>> -> memref<16xi32, #tpu.memory_space<hbm>>
      tpu.wait_dma2 semaphore(%run_scoped3A : memref<!tpu.dma_semaphore, #tpu.memory_space<semaphore_mem>>) src(%dma_wait3A_132 : memref<16xi32, #tpu.memory_space<hbm>>) dst(%arg7 : memref<16xi32, #tpu.memory_space<vmem>>)
      tpu.yield
    }) : () -> ()
    "tpu.region"() ({
      %run_scoped3A = tpu.sem_alloc : memref<!tpu.dma_semaphore, #tpu.memory_space<semaphore_mem>>
      %dma_start3A_129 = tpu.memref_slice %arg4[%add3A_28] : memref<4096xf32, #tpu.memory_space<hbm>> -> memref<16xf32, #tpu.memory_space<hbm>>
      %dma_start3A_130 = tpu.memref_slice %arg4[%add3A_28] : memref<4096xf32, #tpu.memory_space<hbm>> -> memref<16xf32, #tpu.memory_space<hbm>>
      tpu.enqueue_dma source(%dma_start3A_130 : memref<16xf32, #tpu.memory_space<hbm>>) target(%arg9 : memref<16xf32, #tpu.memory_space<vmem>>) target_semaphore(%run_scoped3A : memref<!tpu.dma_semaphore, #tpu.memory_space<semaphore_mem>>)
      %dma_wait3A_131 = tpu.memref_slice %arg4[%add3A_28] : memref<4096xf32, #tpu.memory_space<hbm>> -> memref<16xf32, #tpu.memory_space<hbm>>
      %dma_wait3A_132 = tpu.memref_slice %arg4[%add3A_28] : memref<4096xf32, #tpu.memory_space<hbm>> -> memref<16xf32, #tpu.memory_space<hbm>>
      tpu.wait_dma2 semaphore(%run_scoped3A : memref<!tpu.dma_semaphore, #tpu.memory_space<semaphore_mem>>) src(%dma_wait3A_132 : memref<16xf32, #tpu.memory_space<hbm>>) dst(%arg9 : memref<16xf32, #tpu.memory_space<vmem>>)
      tpu.yield
    }) : () -> ()
    "tpu.region"() ({
      %run_scoped3A = tpu.sem_alloc : memref<!tpu.dma_semaphore, #tpu.memory_space<semaphore_mem>>
      %dma_start3A_129 = arith.constant 0 : i32
      %dma_start3A_130 = tpu.memref_slice %arg2[%add3A_28, %dma_start3A_129] : memref<4096x2048xf32, #tpu.memory_space<hbm>> -> memref<16x2048xf32, #tpu.memory_space<hbm>>
      %dma_start3A_131 = arith.constant 0 : i32
      %dma_start3A_132 = tpu.memref_slice %arg2[%add3A_28, %dma_start3A_131] : memref<4096x2048xf32, #tpu.memory_space<hbm>> -> memref<16x2048xf32, #tpu.memory_space<hbm>>
      tpu.enqueue_dma source(%dma_start3A_132 : memref<16x2048xf32, #tpu.memory_space<hbm>>) target(%arg11 : memref<16x2048xf32, #tpu.memory_space<vmem>>) target_semaphore(%run_scoped3A : memref<!tpu.dma_semaphore, #tpu.memory_space<semaphore_mem>>)
      %dma_wait3A_133 = arith.constant 0 : i32
      %dma_wait3A_134 = tpu.memref_slice %arg2[%add3A_28, %dma_wait3A_133] : memref<4096x2048xf32, #tpu.memory_space<hbm>> -> memref<16x2048xf32, #tpu.memory_space<hbm>>
      %dma_wait3A_135 = arith.constant 0 : i32
      %dma_wait3A_136 = tpu.memref_slice %arg2[%add3A_28, %dma_wait3A_135] : memref<4096x2048xf32, #tpu.memory_space<hbm>> -> memref<16x2048xf32, #tpu.memory_space<hbm>>
      tpu.wait_dma2 semaphore(%run_scoped3A : memref<!tpu.dma_semaphore, #tpu.memory_space<semaphore_mem>>) src(%dma_wait3A_136 : memref<16x2048xf32, #tpu.memory_space<hbm>>) dst(%arg11 : memref<16x2048xf32, #tpu.memory_space<vmem>>)
      tpu.yield
    }) : () -> ()
    %get3A_29 = arith.constant 0 : index
    %get3A_30 = tpu.vector_load %arg9[%get3A_29] {strides = array<i32>} : memref<16xf32, #tpu.memory_space<vmem>>, vector<16xf32>,
    tpu.vector_store_idx %arg13[%iota3A, %broadcast_in_dim3A_3], %get3A_30 : memref<16x128xf32, #tpu.memory_space<vmem>>[vector<16xi32>, vector<16xi32>], vector<16xf32>,
    %dma_start3A_31 = arith.constant 0 : i32
    %dma_start3A_32 = arith.constant 0 : i32
    %dma_start3A_33 = tpu.memref_slice %arg5[%dma_start3A_31, %dma_start3A_32] : memref<4160x2048xf32, #tpu.memory_space<hbm>> -> memref<4160x2048xf32, #tpu.memory_space<hbm>>
    tpu.enqueue_indirect_dma source(%arg11 : memref<16x2048xf32, #tpu.memory_space<vmem>>) target(%dma_start3A_33 : memref<4160x2048xf32, #tpu.memory_space<hbm>>) offsets(%arg7 : memref<16xi32, #tpu.memory_space<vmem>>) semaphore(%arg15 : memref<!tpu.dma_semaphore, #tpu.memory_space<semaphore_mem>>)
    %dma_start3A_34 = arith.constant 0 : i32
    %dma_start3A_35 = arith.constant 0 : i32
    %dma_start3A_36 = tpu.memref_slice %arg6[%dma_start3A_34, %dma_start3A_35] : memref<4160x128xf32, #tpu.memory_space<hbm>> -> memref<4160x128xf32, #tpu.memory_space<hbm>>
    tpu.enqueue_indirect_dma source(%arg13 : memref<16x128xf32, #tpu.memory_space<vmem>>) target(%dma_start3A_36 : memref<4160x128xf32, #tpu.memory_space<hbm>>) offsets(%arg7 : memref<16xi32, #tpu.memory_space<vmem>>) semaphore(%arg17 : memref<!tpu.dma_semaphore, #tpu.memory_space<semaphore_mem>>)
    %dma_wait3A_37 = arith.constant 0 : i32
    %dma_wait3A_38 = arith.constant 0 : i32
    %dma_wait3A_39 = tpu.memref_slice %arg5[%dma_wait3A_37, %dma_wait3A_38] : memref<4160x2048xf32, #tpu.memory_space<hbm>> -> memref<4160x2048xf32, #tpu.memory_space<hbm>>
    tpu.wait_indirect_dma semaphore(%arg16 : memref<!tpu.dma_semaphore, #tpu.memory_space<semaphore_mem>>) src(%arg12 : memref<16x2048xf32, #tpu.memory_space<vmem>>) dst(%dma_wait3A_39 : memref<4160x2048xf32, #tpu.memory_space<hbm>>)
    %dma_wait3A_40 = arith.constant 0 : i32
    %dma_wait3A_41 = arith.constant 0 : i32
    %dma_wait3A_42 = tpu.memref_slice %arg6[%dma_wait3A_40, %dma_wait3A_41] : memref<4160x128xf32, #tpu.memory_space<hbm>> -> memref<4160x128xf32, #tpu.memory_space<hbm>>
    tpu.wait_indirect_dma semaphore(%arg18 : memref<!tpu.dma_semaphore, #tpu.memory_space<semaphore_mem>>) src(%arg14 : memref<16x128xf32, #tpu.memory_space<vmem>>) dst(%dma_wait3A_42 : memref<4160x128xf32, #tpu.memory_space<hbm>>)
    %add3A_43 = arith.constant 48 : i32
    %add3A_44 = arith.addi %mul3A_2, %add3A_43 : i32
    "tpu.region"() ({
      %run_scoped3A = tpu.sem_alloc : memref<!tpu.dma_semaphore, #tpu.memory_space<semaphore_mem>>
      %dma_start3A_129 = tpu.memref_slice %arg3[%add3A_44] : memref<4096xi32, #tpu.memory_space<hbm>> -> memref<16xi32, #tpu.memory_space<hbm>>
      %dma_start3A_130 = tpu.memref_slice %arg3[%add3A_44] : memref<4096xi32, #tpu.memory_space<hbm>> -> memref<16xi32, #tpu.memory_space<hbm>>
      tpu.enqueue_dma source(%dma_start3A_130 : memref<16xi32, #tpu.memory_space<hbm>>) target(%arg8 : memref<16xi32, #tpu.memory_space<vmem>>) target_semaphore(%run_scoped3A : memref<!tpu.dma_semaphore, #tpu.memory_space<semaphore_mem>>)
      %dma_wait3A_131 = tpu.memref_slice %arg3[%add3A_44] : memref<4096xi32, #tpu.memory_space<hbm>> -> memref<16xi32, #tpu.memory_space<hbm>>
      %dma_wait3A_132 = tpu.memref_slice %arg3[%add3A_44] : memref<4096xi32, #tpu.memory_space<hbm>> -> memref<16xi32, #tpu.memory_space<hbm>>
      tpu.wait_dma2 semaphore(%run_scoped3A : memref<!tpu.dma_semaphore, #tpu.memory_space<semaphore_mem>>) src(%dma_wait3A_132 : memref<16xi32, #tpu.memory_space<hbm>>) dst(%arg8 : memref<16xi32, #tpu.memory_space<vmem>>)
      tpu.yield
    }) : () -> ()
    "tpu.region"() ({
      %run_scoped3A = tpu.sem_alloc : memref<!tpu.dma_semaphore, #tpu.memory_space<semaphore_mem>>
      %dma_start3A_129 = tpu.memref_slice %arg4[%add3A_44] : memref<4096xf32, #tpu.memory_space<hbm>> -> memref<16xf32, #tpu.memory_space<hbm>>
      %dma_start3A_130 = tpu.memref_slice %arg4[%add3A_44] : memref<4096xf32, #tpu.memory_space<hbm>> -> memref<16xf32, #tpu.memory_space<hbm>>
      tpu.enqueue_dma source(%dma_start3A_130 : memref<16xf32, #tpu.memory_space<hbm>>) target(%arg10 : memref<16xf32, #tpu.memory_space<vmem>>) target_semaphore(%run_scoped3A : memref<!tpu.dma_semaphore, #tpu.memory_space<semaphore_mem>>)
      %dma_wait3A_131 = tpu.memref_slice %arg4[%add3A_44] : memref<4096xf32, #tpu.memory_space<hbm>> -> memref<16xf32, #tpu.memory_space<hbm>>
      %dma_wait3A_132 = tpu.memref_slice %arg4[%add3A_44] : memref<4096xf32, #tpu.memory_space<hbm>> -> memref<16xf32, #tpu.memory_space<hbm>>
      tpu.wait_dma2 semaphore(%run_scoped3A : memref<!tpu.dma_semaphore, #tpu.memory_space<semaphore_mem>>) src(%dma_wait3A_132 : memref<16xf32, #tpu.memory_space<hbm>>) dst(%arg10 : memref<16xf32, #tpu.memory_space<vmem>>)
      tpu.yield
    }) : () -> ()
    "tpu.region"() ({
      %run_scoped3A = tpu.sem_alloc : memref<!tpu.dma_semaphore, #tpu.memory_space<semaphore_mem>>
      %dma_start3A_129 = arith.constant 0 : i32
      %dma_start3A_130 = tpu.memref_slice %arg2[%add3A_44, %dma_start3A_129] : memref<4096x2048xf32, #tpu.memory_space<hbm>> -> memref<16x2048xf32, #tpu.memory_space<hbm>>
      %dma_start3A_131 = arith.constant 0 : i32
      %dma_start3A_132 = tpu.memref_slice %arg2[%add3A_44, %dma_start3A_131] : memref<4096x2048xf32, #tpu.memory_space<hbm>> -> memref<16x2048xf32, #tpu.memory_space<hbm>>
      tpu.enqueue_dma source(%dma_start3A_132 : memref<16x2048xf32, #tpu.memory_space<hbm>>) target(%arg12 : memref<16x2048xf32, #tpu.memory_space<vmem>>) target_semaphore(%run_scoped3A : memref<!tpu.dma_semaphore, #tpu.memory_space<semaphore_mem>>)
      %dma_wait3A_133 = arith.constant 0 : i32
      %dma_wait3A_134 = tpu.memref_slice %arg2[%add3A_44, %dma_wait3A_133] : memref<4096x2048xf32, #tpu.memory_space<hbm>> -> memref<16x2048xf32, #tpu.memory_space<hbm>>
      %dma_wait3A_135 = arith.constant 0 : i32
      %dma_wait3A_136 = tpu.memref_slice %arg2[%add3A_44, %dma_wait3A_135] : memref<4096x2048xf32, #tpu.memory_space<hbm>> -> memref<16x2048xf32, #tpu.memory_space<hbm>>
      tpu.wait_dma2 semaphore(%run_scoped3A : memref<!tpu.dma_semaphore, #tpu.memory_space<semaphore_mem>>) src(%dma_wait3A_136 : memref<16x2048xf32, #tpu.memory_space<hbm>>) dst(%arg12 : memref<16x2048xf32, #tpu.memory_space<vmem>>)
      tpu.yield
    }) : () -> ()
    %get3A_45 = arith.constant 0 : index
    %get3A_46 = tpu.vector_load %arg10[%get3A_45] {strides = array<i32>} : memref<16xf32, #tpu.memory_space<vmem>>, vector<16xf32>,
    tpu.vector_store_idx %arg14[%iota3A, %broadcast_in_dim3A_3], %get3A_46 : memref<16x128xf32, #tpu.memory_space<vmem>>[vector<16xi32>, vector<16xi32>], vector<16xf32>,
    %dma_start3A_47 = arith.constant 0 : i32
    %dma_start3A_48 = arith.constant 0 : i32
    %dma_start3A_49 = tpu.memref_slice %arg5[%dma_start3A_47, %dma_start3A_48] : memref<4160x2048xf32, #tpu.memory_space<hbm>> -> memref<4160x2048xf32, #tpu.memory_space<hbm>>
    tpu.enqueue_indirect_dma source(%arg12 : memref<16x2048xf32, #tpu.memory_space<vmem>>) target(%dma_start3A_49 : memref<4160x2048xf32, #tpu.memory_space<hbm>>) offsets(%arg8 : memref<16xi32, #tpu.memory_space<vmem>>) semaphore(%arg16 : memref<!tpu.dma_semaphore, #tpu.memory_space<semaphore_mem>>)
    %dma_start3A_50 = arith.constant 0 : i32
    %dma_start3A_51 = arith.constant 0 : i32
    %dma_start3A_52 = tpu.memref_slice %arg6[%dma_start3A_50, %dma_start3A_51] : memref<4160x128xf32, #tpu.memory_space<hbm>> -> memref<4160x128xf32, #tpu.memory_space<hbm>>
    tpu.enqueue_indirect_dma source(%arg14 : memref<16x128xf32, #tpu.memory_space<vmem>>) target(%dma_start3A_52 : memref<4160x128xf32, #tpu.memory_space<hbm>>) offsets(%arg8 : memref<16xi32, #tpu.memory_space<vmem>>) semaphore(%arg18 : memref<!tpu.dma_semaphore, #tpu.memory_space<semaphore_mem>>)
    %dma_wait3A_53 = arith.constant 0 : i32
    %dma_wait3A_54 = arith.constant 0 : i32
    %dma_wait3A_55 = tpu.memref_slice %arg5[%dma_wait3A_53, %dma_wait3A_54] : memref<4160x2048xf32, #tpu.memory_space<hbm>> -> memref<4160x2048xf32, #tpu.memory_space<hbm>>
    tpu.wait_indirect_dma semaphore(%arg15 : memref<!tpu.dma_semaphore, #tpu.memory_space<semaphore_mem>>) src(%arg11 : memref<16x2048xf32, #tpu.memory_space<vmem>>) dst(%dma_wait3A_55 : memref<4160x2048xf32, #tpu.memory_space<hbm>>)
    %dma_wait3A_56 = arith.constant 0 : i32
    %dma_wait3A_57 = arith.constant 0 : i32
    %dma_wait3A_58 = tpu.memref_slice %arg6[%dma_wait3A_56, %dma_wait3A_57] : memref<4160x128xf32, #tpu.memory_space<hbm>> -> memref<4160x128xf32, #tpu.memory_space<hbm>>
    tpu.wait_indirect_dma semaphore(%arg17 : memref<!tpu.dma_semaphore, #tpu.memory_space<semaphore_mem>>) src(%arg13 : memref<16x128xf32, #tpu.memory_space<vmem>>) dst(%dma_wait3A_58 : memref<4160x128xf32, #tpu.memory_space<hbm>>)
    %add3A_59 = arith.constant 64 : i32
    %add3A_60 = arith.addi %mul3A_2, %add3A_59 : i32
    "tpu.region"() ({
      %run_scoped3A = tpu.sem_alloc : memref<!tpu.dma_semaphore, #tpu.memory_space<semaphore_mem>>
      %dma_start3A_129 = tpu.memref_slice %arg3[%add3A_60] : memref<4096xi32, #tpu.memory_space<hbm>> -> memref<16xi32, #tpu.memory_space<hbm>>
      %dma_start3A_130 = tpu.memref_slice %arg3[%add3A_60] : memref<4096xi32, #tpu.memory_space<hbm>> -> memref<16xi32, #tpu.memory_space<hbm>>
      tpu.enqueue_dma source(%dma_start3A_130 : memref<16xi32, #tpu.memory_space<hbm>>) target(%arg7 : memref<16xi32, #tpu.memory_space<vmem>>) target_semaphore(%run_scoped3A : memref<!tpu.dma_semaphore, #tpu.memory_space<semaphore_mem>>)
      %dma_wait3A_131 = tpu.memref_slice %arg3[%add3A_60] : memref<4096xi32, #tpu.memory_space<hbm>> -> memref<16xi32, #tpu.memory_space<hbm>>
      %dma_wait3A_132 = tpu.memref_slice %arg3[%add3A_60] : memref<4096xi32, #tpu.memory_space<hbm>> -> memref<16xi32, #tpu.memory_space<hbm>>
      tpu.wait_dma2 semaphore(%run_scoped3A : memref<!tpu.dma_semaphore, #tpu.memory_space<semaphore_mem>>) src(%dma_wait3A_132 : memref<16xi32, #tpu.memory_space<hbm>>) dst(%arg7 : memref<16xi32, #tpu.memory_space<vmem>>)
      tpu.yield
    }) : () -> ()
    "tpu.region"() ({
      %run_scoped3A = tpu.sem_alloc : memref<!tpu.dma_semaphore, #tpu.memory_space<semaphore_mem>>
      %dma_start3A_129 = tpu.memref_slice %arg4[%add3A_60] : memref<4096xf32, #tpu.memory_space<hbm>> -> memref<16xf32, #tpu.memory_space<hbm>>
      %dma_start3A_130 = tpu.memref_slice %arg4[%add3A_60] : memref<4096xf32, #tpu.memory_space<hbm>> -> memref<16xf32, #tpu.memory_space<hbm>>
      tpu.enqueue_dma source(%dma_start3A_130 : memref<16xf32, #tpu.memory_space<hbm>>) target(%arg9 : memref<16xf32, #tpu.memory_space<vmem>>) target_semaphore(%run_scoped3A : memref<!tpu.dma_semaphore, #tpu.memory_space<semaphore_mem>>)
      %dma_wait3A_131 = tpu.memref_slice %arg4[%add3A_60] : memref<4096xf32, #tpu.memory_space<hbm>> -> memref<16xf32, #tpu.memory_space<hbm>>
      %dma_wait3A_132 = tpu.memref_slice %arg4[%add3A_60] : memref<4096xf32, #tpu.memory_space<hbm>> -> memref<16xf32, #tpu.memory_space<hbm>>
      tpu.wait_dma2 semaphore(%run_scoped3A : memref<!tpu.dma_semaphore, #tpu.memory_space<semaphore_mem>>) src(%dma_wait3A_132 : memref<16xf32, #tpu.memory_space<hbm>>) dst(%arg9 : memref<16xf32, #tpu.memory_space<vmem>>)
      tpu.yield
    }) : () -> ()
    "tpu.region"() ({
      %run_scoped3A = tpu.sem_alloc : memref<!tpu.dma_semaphore, #tpu.memory_space<semaphore_mem>>
      %dma_start3A_129 = arith.constant 0 : i32
      %dma_start3A_130 = tpu.memref_slice %arg2[%add3A_60, %dma_start3A_129] : memref<4096x2048xf32, #tpu.memory_space<hbm>> -> memref<16x2048xf32, #tpu.memory_space<hbm>>
      %dma_start3A_131 = arith.constant 0 : i32
      %dma_start3A_132 = tpu.memref_slice %arg2[%add3A_60, %dma_start3A_131] : memref<4096x2048xf32, #tpu.memory_space<hbm>> -> memref<16x2048xf32, #tpu.memory_space<hbm>>
      tpu.enqueue_dma source(%dma_start3A_132 : memref<16x2048xf32, #tpu.memory_space<hbm>>) target(%arg11 : memref<16x2048xf32, #tpu.memory_space<vmem>>) target_semaphore(%run_scoped3A : memref<!tpu.dma_semaphore, #tpu.memory_space<semaphore_mem>>)
      %dma_wait3A_133 = arith.constant 0 : i32
      %dma_wait3A_134 = tpu.memref_slice %arg2[%add3A_60, %dma_wait3A_133] : memref<4096x2048xf32, #tpu.memory_space<hbm>> -> memref<16x2048xf32, #tpu.memory_space<hbm>>
      %dma_wait3A_135 = arith.constant 0 : i32
      %dma_wait3A_136 = tpu.memref_slice %arg2[%add3A_60, %dma_wait3A_135] : memref<4096x2048xf32, #tpu.memory_space<hbm>> -> memref<16x2048xf32, #tpu.memory_space<hbm>>
      tpu.wait_dma2 semaphore(%run_scoped3A : memref<!tpu.dma_semaphore, #tpu.memory_space<semaphore_mem>>) src(%dma_wait3A_136 : memref<16x2048xf32, #tpu.memory_space<hbm>>) dst(%arg11 : memref<16x2048xf32, #tpu.memory_space<vmem>>)
      tpu.yield
    }) : () -> ()
    %get3A_61 = arith.constant 0 : index
    %get3A_62 = tpu.vector_load %arg9[%get3A_61] {strides = array<i32>} : memref<16xf32, #tpu.memory_space<vmem>>, vector<16xf32>,
    tpu.vector_store_idx %arg13[%iota3A, %broadcast_in_dim3A_3], %get3A_62 : memref<16x128xf32, #tpu.memory_space<vmem>>[vector<16xi32>, vector<16xi32>], vector<16xf32>,
    %dma_start3A_63 = arith.constant 0 : i32
    %dma_start3A_64 = arith.constant 0 : i32
    %dma_start3A_65 = tpu.memref_slice %arg5[%dma_start3A_63, %dma_start3A_64] : memref<4160x2048xf32, #tpu.memory_space<hbm>> -> memref<4160x2048xf32, #tpu.memory_space<hbm>>
    tpu.enqueue_indirect_dma source(%arg11 : memref<16x2048xf32, #tpu.memory_space<vmem>>) target(%dma_start3A_65 : memref<4160x2048xf32, #tpu.memory_space<hbm>>) offsets(%arg7 : memref<16xi32, #tpu.memory_space<vmem>>) semaphore(%arg15 : memref<!tpu.dma_semaphore, #tpu.memory_space<semaphore_mem>>)
    %dma_start3A_66 = arith.constant 0 : i32
    %dma_start3A_67 = arith.constant 0 : i32
    %dma_start3A_68 = tpu.memref_slice %arg6[%dma_start3A_66, %dma_start3A_67] : memref<4160x128xf32, #tpu.memory_space<hbm>> -> memref<4160x128xf32, #tpu.memory_space<hbm>>
    tpu.enqueue_indirect_dma source(%arg13 : memref<16x128xf32, #tpu.memory_space<vmem>>) target(%dma_start3A_68 : memref<4160x128xf32, #tpu.memory_space<hbm>>) offsets(%arg7 : memref<16xi32, #tpu.memory_space<vmem>>) semaphore(%arg17 : memref<!tpu.dma_semaphore, #tpu.memory_space<semaphore_mem>>)
    %dma_wait3A_69 = arith.constant 0 : i32
    %dma_wait3A_70 = arith.constant 0 : i32
    %dma_wait3A_71 = tpu.memref_slice %arg5[%dma_wait3A_69, %dma_wait3A_70] : memref<4160x2048xf32, #tpu.memory_space<hbm>> -> memref<4160x2048xf32, #tpu.memory_space<hbm>>
    tpu.wait_indirect_dma semaphore(%arg16 : memref<!tpu.dma_semaphore, #tpu.memory_space<semaphore_mem>>) src(%arg12 : memref<16x2048xf32, #tpu.memory_space<vmem>>) dst(%dma_wait3A_71 : memref<4160x2048xf32, #tpu.memory_space<hbm>>)
    %dma_wait3A_72 = arith.constant 0 : i32
    %dma_wait3A_73 = arith.constant 0 : i32
    %dma_wait3A_74 = tpu.memref_slice %arg6[%dma_wait3A_72, %dma_wait3A_73] : memref<4160x128xf32, #tpu.memory_space<hbm>> -> memref<4160x128xf32, #tpu.memory_space<hbm>>
    tpu.wait_indirect_dma semaphore(%arg18 : memref<!tpu.dma_semaphore, #tpu.memory_space<semaphore_mem>>) src(%arg14 : memref<16x128xf32, #tpu.memory_space<vmem>>) dst(%dma_wait3A_74 : memref<4160x128xf32, #tpu.memory_space<hbm>>)
    %add3A_75 = arith.constant 80 : i32
    %add3A_76 = arith.addi %mul3A_2, %add3A_75 : i32
    "tpu.region"() ({
      %run_scoped3A = tpu.sem_alloc : memref<!tpu.dma_semaphore, #tpu.memory_space<semaphore_mem>>
      %dma_start3A_129 = tpu.memref_slice %arg3[%add3A_76] : memref<4096xi32, #tpu.memory_space<hbm>> -> memref<16xi32, #tpu.memory_space<hbm>>
      %dma_start3A_130 = tpu.memref_slice %arg3[%add3A_76] : memref<4096xi32, #tpu.memory_space<hbm>> -> memref<16xi32, #tpu.memory_space<hbm>>
      tpu.enqueue_dma source(%dma_start3A_130 : memref<16xi32, #tpu.memory_space<hbm>>) target(%arg8 : memref<16xi32, #tpu.memory_space<vmem>>) target_semaphore(%run_scoped3A : memref<!tpu.dma_semaphore, #tpu.memory_space<semaphore_mem>>)
      %dma_wait3A_131 = tpu.memref_slice %arg3[%add3A_76] : memref<4096xi32, #tpu.memory_space<hbm>> -> memref<16xi32, #tpu.memory_space<hbm>>
      %dma_wait3A_132 = tpu.memref_slice %arg3[%add3A_76] : memref<4096xi32, #tpu.memory_space<hbm>> -> memref<16xi32, #tpu.memory_space<hbm>>
      tpu.wait_dma2 semaphore(%run_scoped3A : memref<!tpu.dma_semaphore, #tpu.memory_space<semaphore_mem>>) src(%dma_wait3A_132 : memref<16xi32, #tpu.memory_space<hbm>>) dst(%arg8 : memref<16xi32, #tpu.memory_space<vmem>>)
      tpu.yield
    }) : () -> ()
    "tpu.region"() ({
      %run_scoped3A = tpu.sem_alloc : memref<!tpu.dma_semaphore, #tpu.memory_space<semaphore_mem>>
      %dma_start3A_129 = tpu.memref_slice %arg4[%add3A_76] : memref<4096xf32, #tpu.memory_space<hbm>> -> memref<16xf32, #tpu.memory_space<hbm>>
      %dma_start3A_130 = tpu.memref_slice %arg4[%add3A_76] : memref<4096xf32, #tpu.memory_space<hbm>> -> memref<16xf32, #tpu.memory_space<hbm>>
      tpu.enqueue_dma source(%dma_start3A_130 : memref<16xf32, #tpu.memory_space<hbm>>) target(%arg10 : memref<16xf32, #tpu.memory_space<vmem>>) target_semaphore(%run_scoped3A : memref<!tpu.dma_semaphore, #tpu.memory_space<semaphore_mem>>)
      %dma_wait3A_131 = tpu.memref_slice %arg4[%add3A_76] : memref<4096xf32, #tpu.memory_space<hbm>> -> memref<16xf32, #tpu.memory_space<hbm>>
      %dma_wait3A_132 = tpu.memref_slice %arg4[%add3A_76] : memref<4096xf32, #tpu.memory_space<hbm>> -> memref<16xf32, #tpu.memory_space<hbm>>
      tpu.wait_dma2 semaphore(%run_scoped3A : memref<!tpu.dma_semaphore, #tpu.memory_space<semaphore_mem>>) src(%dma_wait3A_132 : memref<16xf32, #tpu.memory_space<hbm>>) dst(%arg10 : memref<16xf32, #tpu.memory_space<vmem>>)
      tpu.yield
    }) : () -> ()
    "tpu.region"() ({
      %run_scoped3A = tpu.sem_alloc : memref<!tpu.dma_semaphore, #tpu.memory_space<semaphore_mem>>
      %dma_start3A_129 = arith.constant 0 : i32
      %dma_start3A_130 = tpu.memref_slice %arg2[%add3A_76, %dma_start3A_129] : memref<4096x2048xf32, #tpu.memory_space<hbm>> -> memref<16x2048xf32, #tpu.memory_space<hbm>>
      %dma_start3A_131 = arith.constant 0 : i32
      %dma_start3A_132 = tpu.memref_slice %arg2[%add3A_76, %dma_start3A_131] : memref<4096x2048xf32, #tpu.memory_space<hbm>> -> memref<16x2048xf32, #tpu.memory_space<hbm>>
      tpu.enqueue_dma source(%dma_start3A_132 : memref<16x2048xf32, #tpu.memory_space<hbm>>) target(%arg12 : memref<16x2048xf32, #tpu.memory_space<vmem>>) target_semaphore(%run_scoped3A : memref<!tpu.dma_semaphore, #tpu.memory_space<semaphore_mem>>)
      %dma_wait3A_133 = arith.constant 0 : i32
      %dma_wait3A_134 = tpu.memref_slice %arg2[%add3A_76, %dma_wait3A_133] : memref<4096x2048xf32, #tpu.memory_space<hbm>> -> memref<16x2048xf32, #tpu.memory_space<hbm>>
      %dma_wait3A_135 = arith.constant 0 : i32
      %dma_wait3A_136 = tpu.memref_slice %arg2[%add3A_76, %dma_wait3A_135] : memref<4096x2048xf32, #tpu.memory_space<hbm>> -> memref<16x2048xf32, #tpu.memory_space<hbm>>
      tpu.wait_dma2 semaphore(%run_scoped3A : memref<!tpu.dma_semaphore, #tpu.memory_space<semaphore_mem>>) src(%dma_wait3A_136 : memref<16x2048xf32, #tpu.memory_space<hbm>>) dst(%arg12 : memref<16x2048xf32, #tpu.memory_space<vmem>>)
      tpu.yield
    }) : () -> ()
    %get3A_77 = arith.constant 0 : index
    %get3A_78 = tpu.vector_load %arg10[%get3A_77] {strides = array<i32>} : memref<16xf32, #tpu.memory_space<vmem>>, vector<16xf32>,
    tpu.vector_store_idx %arg14[%iota3A, %broadcast_in_dim3A_3], %get3A_78 : memref<16x128xf32, #tpu.memory_space<vmem>>[vector<16xi32>, vector<16xi32>], vector<16xf32>,
    %dma_start3A_79 = arith.constant 0 : i32
    %dma_start3A_80 = arith.constant 0 : i32
    %dma_start3A_81 = tpu.memref_slice %arg5[%dma_start3A_79, %dma_start3A_80] : memref<4160x2048xf32, #tpu.memory_space<hbm>> -> memref<4160x2048xf32, #tpu.memory_space<hbm>>
    tpu.enqueue_indirect_dma source(%arg12 : memref<16x2048xf32, #tpu.memory_space<vmem>>) target(%dma_start3A_81 : memref<4160x2048xf32, #tpu.memory_space<hbm>>) offsets(%arg8 : memref<16xi32, #tpu.memory_space<vmem>>) semaphore(%arg16 : memref<!tpu.dma_semaphore, #tpu.memory_space<semaphore_mem>>)
    %dma_start3A_82 = arith.constant 0 : i32
    %dma_start3A_83 = arith.constant 0 : i32
    %dma_start3A_84 = tpu.memref_slice %arg6[%dma_start3A_82, %dma_start3A_83] : memref<4160x128xf32, #tpu.memory_space<hbm>> -> memref<4160x128xf32, #tpu.memory_space<hbm>>
    tpu.enqueue_indirect_dma source(%arg14 : memref<16x128xf32, #tpu.memory_space<vmem>>) target(%dma_start3A_84 : memref<4160x128xf32, #tpu.memory_space<hbm>>) offsets(%arg8 : memref<16xi32, #tpu.memory_space<vmem>>) semaphore(%arg18 : memref<!tpu.dma_semaphore, #tpu.memory_space<semaphore_mem>>)
    %dma_wait3A_85 = arith.constant 0 : i32
    %dma_wait3A_86 = arith.constant 0 : i32
    %dma_wait3A_87 = tpu.memref_slice %arg5[%dma_wait3A_85, %dma_wait3A_86] : memref<4160x2048xf32, #tpu.memory_space<hbm>> -> memref<4160x2048xf32, #tpu.memory_space<hbm>>
    tpu.wait_indirect_dma semaphore(%arg15 : memref<!tpu.dma_semaphore, #tpu.memory_space<semaphore_mem>>) src(%arg11 : memref<16x2048xf32, #tpu.memory_space<vmem>>) dst(%dma_wait3A_87 : memref<4160x2048xf32, #tpu.memory_space<hbm>>)
    %dma_wait3A_88 = arith.constant 0 : i32
    %dma_wait3A_89 = arith.constant 0 : i32
    %dma_wait3A_90 = tpu.memref_slice %arg6[%dma_wait3A_88, %dma_wait3A_89] : memref<4160x128xf32, #tpu.memory_space<hbm>> -> memref<4160x128xf32, #tpu.memory_space<hbm>>
    tpu.wait_indirect_dma semaphore(%arg17 : memref<!tpu.dma_semaphore, #tpu.memory_space<semaphore_mem>>) src(%arg13 : memref<16x128xf32, #tpu.memory_space<vmem>>) dst(%dma_wait3A_90 : memref<4160x128xf32, #tpu.memory_space<hbm>>)
    %add3A_91 = arith.constant 96 : i32
    %add3A_92 = arith.addi %mul3A_2, %add3A_91 : i32
    "tpu.region"() ({
      %run_scoped3A = tpu.sem_alloc : memref<!tpu.dma_semaphore, #tpu.memory_space<semaphore_mem>>
      %dma_start3A_129 = tpu.memref_slice %arg3[%add3A_92] : memref<4096xi32, #tpu.memory_space<hbm>> -> memref<16xi32, #tpu.memory_space<hbm>>
      %dma_start3A_130 = tpu.memref_slice %arg3[%add3A_92] : memref<4096xi32, #tpu.memory_space<hbm>> -> memref<16xi32, #tpu.memory_space<hbm>>
      tpu.enqueue_dma source(%dma_start3A_130 : memref<16xi32, #tpu.memory_space<hbm>>) target(%arg7 : memref<16xi32, #tpu.memory_space<vmem>>) target_semaphore(%run_scoped3A : memref<!tpu.dma_semaphore, #tpu.memory_space<semaphore_mem>>)
      %dma_wait3A_131 = tpu.memref_slice %arg3[%add3A_92] : memref<4096xi32, #tpu.memory_space<hbm>> -> memref<16xi32, #tpu.memory_space<hbm>>
      %dma_wait3A_132 = tpu.memref_slice %arg3[%add3A_92] : memref<4096xi32, #tpu.memory_space<hbm>> -> memref<16xi32, #tpu.memory_space<hbm>>
      tpu.wait_dma2 semaphore(%run_scoped3A : memref<!tpu.dma_semaphore, #tpu.memory_space<semaphore_mem>>) src(%dma_wait3A_132 : memref<16xi32, #tpu.memory_space<hbm>>) dst(%arg7 : memref<16xi32, #tpu.memory_space<vmem>>)
      tpu.yield
    }) : () -> ()
    "tpu.region"() ({
      %run_scoped3A = tpu.sem_alloc : memref<!tpu.dma_semaphore, #tpu.memory_space<semaphore_mem>>
      %dma_start3A_129 = tpu.memref_slice %arg4[%add3A_92] : memref<4096xf32, #tpu.memory_space<hbm>> -> memref<16xf32, #tpu.memory_space<hbm>>
      %dma_start3A_130 = tpu.memref_slice %arg4[%add3A_92] : memref<4096xf32, #tpu.memory_space<hbm>> -> memref<16xf32, #tpu.memory_space<hbm>>
      tpu.enqueue_dma source(%dma_start3A_130 : memref<16xf32, #tpu.memory_space<hbm>>) target(%arg9 : memref<16xf32, #tpu.memory_space<vmem>>) target_semaphore(%run_scoped3A : memref<!tpu.dma_semaphore, #tpu.memory_space<semaphore_mem>>)
      %dma_wait3A_131 = tpu.memref_slice %arg4[%add3A_92] : memref<4096xf32, #tpu.memory_space<hbm>> -> memref<16xf32, #tpu.memory_space<hbm>>
      %dma_wait3A_132 = tpu.memref_slice %arg4[%add3A_92] : memref<4096xf32, #tpu.memory_space<hbm>> -> memref<16xf32, #tpu.memory_space<hbm>>
      tpu.wait_dma2 semaphore(%run_scoped3A : memref<!tpu.dma_semaphore, #tpu.memory_space<semaphore_mem>>) src(%dma_wait3A_132 : memref<16xf32, #tpu.memory_space<hbm>>) dst(%arg9 : memref<16xf32, #tpu.memory_space<vmem>>)
      tpu.yield
    }) : () -> ()
    "tpu.region"() ({
      %run_scoped3A = tpu.sem_alloc : memref<!tpu.dma_semaphore, #tpu.memory_space<semaphore_mem>>
      %dma_start3A_129 = arith.constant 0 : i32
      %dma_start3A_130 = tpu.memref_slice %arg2[%add3A_92, %dma_start3A_129] : memref<4096x2048xf32, #tpu.memory_space<hbm>> -> memref<16x2048xf32, #tpu.memory_space<hbm>>
      %dma_start3A_131 = arith.constant 0 : i32
      %dma_start3A_132 = tpu.memref_slice %arg2[%add3A_92, %dma_start3A_131] : memref<4096x2048xf32, #tpu.memory_space<hbm>> -> memref<16x2048xf32, #tpu.memory_space<hbm>>
      tpu.enqueue_dma source(%dma_start3A_132 : memref<16x2048xf32, #tpu.memory_space<hbm>>) target(%arg11 : memref<16x2048xf32, #tpu.memory_space<vmem>>) target_semaphore(%run_scoped3A : memref<!tpu.dma_semaphore, #tpu.memory_space<semaphore_mem>>)
      %dma_wait3A_133 = arith.constant 0 : i32
      %dma_wait3A_134 = tpu.memref_slice %arg2[%add3A_92, %dma_wait3A_133] : memref<4096x2048xf32, #tpu.memory_space<hbm>> -> memref<16x2048xf32, #tpu.memory_space<hbm>>
      %dma_wait3A_135 = arith.constant 0 : i32
      %dma_wait3A_136 = tpu.memref_slice %arg2[%add3A_92, %dma_wait3A_135] : memref<4096x2048xf32, #tpu.memory_space<hbm>> -> memref<16x2048xf32, #tpu.memory_space<hbm>>
      tpu.wait_dma2 semaphore(%run_scoped3A : memref<!tpu.dma_semaphore, #tpu.memory_space<semaphore_mem>>) src(%dma_wait3A_136 : memref<16x2048xf32, #tpu.memory_space<hbm>>) dst(%arg11 : memref<16x2048xf32, #tpu.memory_space<vmem>>)
      tpu.yield
    }) : () -> ()
    %get3A_93 = arith.constant 0 : index
    %get3A_94 = tpu.vector_load %arg9[%get3A_93] {strides = array<i32>} : memref<16xf32, #tpu.memory_space<vmem>>, vector<16xf32>,
    tpu.vector_store_idx %arg13[%iota3A, %broadcast_in_dim3A_3], %get3A_94 : memref<16x128xf32, #tpu.memory_space<vmem>>[vector<16xi32>, vector<16xi32>], vector<16xf32>,
    %dma_start3A_95 = arith.constant 0 : i32
    %dma_start3A_96 = arith.constant 0 : i32
    %dma_start3A_97 = tpu.memref_slice %arg5[%dma_start3A_95, %dma_start3A_96] : memref<4160x2048xf32, #tpu.memory_space<hbm>> -> memref<4160x2048xf32, #tpu.memory_space<hbm>>
    tpu.enqueue_indirect_dma source(%arg11 : memref<16x2048xf32, #tpu.memory_space<vmem>>) target(%dma_start3A_97 : memref<4160x2048xf32, #tpu.memory_space<hbm>>) offsets(%arg7 : memref<16xi32, #tpu.memory_space<vmem>>) semaphore(%arg15 : memref<!tpu.dma_semaphore, #tpu.memory_space<semaphore_mem>>)
    %dma_start3A_98 = arith.constant 0 : i32
    %dma_start3A_99 = arith.constant 0 : i32
    %dma_start3A_100 = tpu.memref_slice %arg6[%dma_start3A_98, %dma_start3A_99] : memref<4160x128xf32, #tpu.memory_space<hbm>> -> memref<4160x128xf32, #tpu.memory_space<hbm>>
    tpu.enqueue_indirect_dma source(%arg13 : memref<16x128xf32, #tpu.memory_space<vmem>>) target(%dma_start3A_100 : memref<4160x128xf32, #tpu.memory_space<hbm>>) offsets(%arg7 : memref<16xi32, #tpu.memory_space<vmem>>) semaphore(%arg17 : memref<!tpu.dma_semaphore, #tpu.memory_space<semaphore_mem>>)
    %dma_wait3A_101 = arith.constant 0 : i32
    %dma_wait3A_102 = arith.constant 0 : i32
    %dma_wait3A_103 = tpu.memref_slice %arg5[%dma_wait3A_101, %dma_wait3A_102] : memref<4160x2048xf32, #tpu.memory_space<hbm>> -> memref<4160x2048xf32, #tpu.memory_space<hbm>>
    tpu.wait_indirect_dma semaphore(%arg16 : memref<!tpu.dma_semaphore, #tpu.memory_space<semaphore_mem>>) src(%arg12 : memref<16x2048xf32, #tpu.memory_space<vmem>>) dst(%dma_wait3A_103 : memref<4160x2048xf32, #tpu.memory_space<hbm>>)
    %dma_wait3A_104 = arith.constant 0 : i32
    %dma_wait3A_105 = arith.constant 0 : i32
    %dma_wait3A_106 = tpu.memref_slice %arg6[%dma_wait3A_104, %dma_wait3A_105] : memref<4160x128xf32, #tpu.memory_space<hbm>> -> memref<4160x128xf32, #tpu.memory_space<hbm>>
    tpu.wait_indirect_dma semaphore(%arg18 : memref<!tpu.dma_semaphore, #tpu.memory_space<semaphore_mem>>) src(%arg14 : memref<16x128xf32, #tpu.memory_space<vmem>>) dst(%dma_wait3A_106 : memref<4160x128xf32, #tpu.memory_space<hbm>>)
    %add3A_107 = arith.constant 112 : i32
    %add3A_108 = arith.addi %mul3A_2, %add3A_107 : i32
    "tpu.region"() ({
      %run_scoped3A = tpu.sem_alloc : memref<!tpu.dma_semaphore, #tpu.memory_space<semaphore_mem>>
      %dma_start3A_129 = tpu.memref_slice %arg3[%add3A_108] : memref<4096xi32, #tpu.memory_space<hbm>> -> memref<16xi32, #tpu.memory_space<hbm>>
      %dma_start3A_130 = tpu.memref_slice %arg3[%add3A_108] : memref<4096xi32, #tpu.memory_space<hbm>> -> memref<16xi32, #tpu.memory_space<hbm>>
      tpu.enqueue_dma source(%dma_start3A_130 : memref<16xi32, #tpu.memory_space<hbm>>) target(%arg8 : memref<16xi32, #tpu.memory_space<vmem>>) target_semaphore(%run_scoped3A : memref<!tpu.dma_semaphore, #tpu.memory_space<semaphore_mem>>)
      %dma_wait3A_131 = tpu.memref_slice %arg3[%add3A_108] : memref<4096xi32, #tpu.memory_space<hbm>> -> memref<16xi32, #tpu.memory_space<hbm>>
      %dma_wait3A_132 = tpu.memref_slice %arg3[%add3A_108] : memref<4096xi32, #tpu.memory_space<hbm>> -> memref<16xi32, #tpu.memory_space<hbm>>
      tpu.wait_dma2 semaphore(%run_scoped3A : memref<!tpu.dma_semaphore, #tpu.memory_space<semaphore_mem>>) src(%dma_wait3A_132 : memref<16xi32, #tpu.memory_space<hbm>>) dst(%arg8 : memref<16xi32, #tpu.memory_space<vmem>>)
      tpu.yield
    }) : () -> ()
    "tpu.region"() ({
      %run_scoped3A = tpu.sem_alloc : memref<!tpu.dma_semaphore, #tpu.memory_space<semaphore_mem>>
      %dma_start3A_129 = tpu.memref_slice %arg4[%add3A_108] : memref<4096xf32, #tpu.memory_space<hbm>> -> memref<16xf32, #tpu.memory_space<hbm>>
      %dma_start3A_130 = tpu.memref_slice %arg4[%add3A_108] : memref<4096xf32, #tpu.memory_space<hbm>> -> memref<16xf32, #tpu.memory_space<hbm>>
      tpu.enqueue_dma source(%dma_start3A_130 : memref<16xf32, #tpu.memory_space<hbm>>) target(%arg10 : memref<16xf32, #tpu.memory_space<vmem>>) target_semaphore(%run_scoped3A : memref<!tpu.dma_semaphore, #tpu.memory_space<semaphore_mem>>)
      %dma_wait3A_131 = tpu.memref_slice %arg4[%add3A_108] : memref<4096xf32, #tpu.memory_space<hbm>> -> memref<16xf32, #tpu.memory_space<hbm>>
      %dma_wait3A_132 = tpu.memref_slice %arg4[%add3A_108] : memref<4096xf32, #tpu.memory_space<hbm>> -> memref<16xf32, #tpu.memory_space<hbm>>
      tpu.wait_dma2 semaphore(%run_scoped3A : memref<!tpu.dma_semaphore, #tpu.memory_space<semaphore_mem>>) src(%dma_wait3A_132 : memref<16xf32, #tpu.memory_space<hbm>>) dst(%arg10 : memref<16xf32, #tpu.memory_space<vmem>>)
      tpu.yield
    }) : () -> ()
    "tpu.region"() ({
      %run_scoped3A = tpu.sem_alloc : memref<!tpu.dma_semaphore, #tpu.memory_space<semaphore_mem>>
      %dma_start3A_129 = arith.constant 0 : i32
      %dma_start3A_130 = tpu.memref_slice %arg2[%add3A_108, %dma_start3A_129] : memref<4096x2048xf32, #tpu.memory_space<hbm>> -> memref<16x2048xf32, #tpu.memory_space<hbm>>
      %dma_start3A_131 = arith.constant 0 : i32
      %dma_start3A_132 = tpu.memref_slice %arg2[%add3A_108, %dma_start3A_131] : memref<4096x2048xf32, #tpu.memory_space<hbm>> -> memref<16x2048xf32, #tpu.memory_space<hbm>>
      tpu.enqueue_dma source(%dma_start3A_132 : memref<16x2048xf32, #tpu.memory_space<hbm>>) target(%arg12 : memref<16x2048xf32, #tpu.memory_space<vmem>>) target_semaphore(%run_scoped3A : memref<!tpu.dma_semaphore, #tpu.memory_space<semaphore_mem>>)
      %dma_wait3A_133 = arith.constant 0 : i32
      %dma_wait3A_134 = tpu.memref_slice %arg2[%add3A_108, %dma_wait3A_133] : memref<4096x2048xf32, #tpu.memory_space<hbm>> -> memref<16x2048xf32, #tpu.memory_space<hbm>>
      %dma_wait3A_135 = arith.constant 0 : i32
      %dma_wait3A_136 = tpu.memref_slice %arg2[%add3A_108, %dma_wait3A_135] : memref<4096x2048xf32, #tpu.memory_space<hbm>> -> memref<16x2048xf32, #tpu.memory_space<hbm>>
      tpu.wait_dma2 semaphore(%run_scoped3A : memref<!tpu.dma_semaphore, #tpu.memory_space<semaphore_mem>>) src(%dma_wait3A_136 : memref<16x2048xf32, #tpu.memory_space<hbm>>) dst(%arg12 : memref<16x2048xf32, #tpu.memory_space<vmem>>)
      tpu.yield
    }) : () -> ()
    %get3A_109 = arith.constant 0 : index
    %get3A_110 = tpu.vector_load %arg10[%get3A_109] {strides = array<i32>} : memref<16xf32, #tpu.memory_space<vmem>>, vector<16xf32>,
    tpu.vector_store_idx %arg14[%iota3A, %broadcast_in_dim3A_3], %get3A_110 : memref<16x128xf32, #tpu.memory_space<vmem>>[vector<16xi32>, vector<16xi32>], vector<16xf32>,
    %dma_start3A_111 = arith.constant 0 : i32
    %dma_start3A_112 = arith.constant 0 : i32
    %dma_start3A_113 = tpu.memref_slice %arg5[%dma_start3A_111, %dma_start3A_112] : memref<4160x2048xf32, #tpu.memory_space<hbm>> -> memref<4160x2048xf32, #tpu.memory_space<hbm>>
    tpu.enqueue_indirect_dma source(%arg12 : memref<16x2048xf32, #tpu.memory_space<vmem>>) target(%dma_start3A_113 : memref<4160x2048xf32, #tpu.memory_space<hbm>>) offsets(%arg8 : memref<16xi32, #tpu.memory_space<vmem>>) semaphore(%arg16 : memref<!tpu.dma_semaphore, #tpu.memory_space<semaphore_mem>>)
    %dma_start3A_114 = arith.constant 0 : i32
    %dma_start3A_115 = arith.constant 0 : i32
    %dma_start3A_116 = tpu.memref_slice %arg6[%dma_start3A_114, %dma_start3A_115] : memref<4160x128xf32, #tpu.memory_space<hbm>> -> memref<4160x128xf32, #tpu.memory_space<hbm>>
    tpu.enqueue_indirect_dma source(%arg14 : memref<16x128xf32, #tpu.memory_space<vmem>>) target(%dma_start3A_116 : memref<4160x128xf32, #tpu.memory_space<hbm>>) offsets(%arg8 : memref<16xi32, #tpu.memory_space<vmem>>) semaphore(%arg18 : memref<!tpu.dma_semaphore, #tpu.memory_space<semaphore_mem>>)
    %dma_wait3A_117 = arith.constant 0 : i32
    %dma_wait3A_118 = arith.constant 0 : i32
    %dma_wait3A_119 = tpu.memref_slice %arg5[%dma_wait3A_117, %dma_wait3A_118] : memref<4160x2048xf32, #tpu.memory_space<hbm>> -> memref<4160x2048xf32, #tpu.memory_space<hbm>>
    tpu.wait_indirect_dma semaphore(%arg15 : memref<!tpu.dma_semaphore, #tpu.memory_space<semaphore_mem>>) src(%arg11 : memref<16x2048xf32, #tpu.memory_space<vmem>>) dst(%dma_wait3A_119 : memref<4160x2048xf32, #tpu.memory_space<hbm>>)
    %dma_wait3A_120 = arith.constant 0 : i32
    %dma_wait3A_121 = arith.constant 0 : i32
    %dma_wait3A_122 = tpu.memref_slice %arg6[%dma_wait3A_120, %dma_wait3A_121] : memref<4160x128xf32, #tpu.memory_space<hbm>> -> memref<4160x128xf32, #tpu.memory_space<hbm>>
    tpu.wait_indirect_dma semaphore(%arg17 : memref<!tpu.dma_semaphore, #tpu.memory_space<semaphore_mem>>) src(%arg13 : memref<16x128xf32, #tpu.memory_space<vmem>>) dst(%dma_wait3A_122 : memref<4160x128xf32, #tpu.memory_space<hbm>>)
    %dma_wait3A_123 = arith.constant 0 : i32
    %dma_wait3A_124 = arith.constant 0 : i32
    %dma_wait3A_125 = tpu.memref_slice %arg5[%dma_wait3A_123, %dma_wait3A_124] : memref<4160x2048xf32, #tpu.memory_space<hbm>> -> memref<4160x2048xf32, #tpu.memory_space<hbm>>
    tpu.wait_indirect_dma semaphore(%arg16 : memref<!tpu.dma_semaphore, #tpu.memory_space<semaphore_mem>>) src(%arg12 : memref<16x2048xf32, #tpu.memory_space<vmem>>) dst(%dma_wait3A_125 : memref<4160x2048xf32, #tpu.memory_space<hbm>>)
    %dma_wait3A_126 = arith.constant 0 : i32
    %dma_wait3A_127 = arith.constant 0 : i32
    %dma_wait3A_128 = tpu.memref_slice %arg6[%dma_wait3A_126, %dma_wait3A_127] : memref<4160x128xf32, #tpu.memory_space<hbm>> -> memref<4160x128xf32, #tpu.memory_space<hbm>>
    tpu.wait_indirect_dma semaphore(%arg18 : memref<!tpu.dma_semaphore, #tpu.memory_space<semaphore_mem>>) src(%arg14 : memref<16x128xf32, #tpu.memory_space<vmem>>) dst(%dma_wait3A_128 : memref<4160x128xf32, #tpu.memory_space<hbm>>)
    return
  }
}

#map = affine_map<(d0, d1) -> (0, 0)>
#map1 = affine_map<(d0, d1) -> (0)>
module attributes {stable_mosaic.version = 14 : i64} {
  func.func @_sc_gather_body(%arg0: i32, %arg1: i32, %arg2: memref<4160x2048xf32, #tpu.memory_space<hbm>>, %arg3: memref<4096xi32, #tpu.memory_space<hbm>>, %arg4: memref<4096x2048xf32, #tpu.memory_space<hbm>>, %arg5: memref<16xi32, #tpu.memory_space<vmem>>, %arg6: memref<16xi32, #tpu.memory_space<vmem>>, %arg7: memref<16x2048xf32, #tpu.memory_space<vmem>>, %arg8: memref<16x2048xf32, #tpu.memory_space<vmem>>, %arg9: memref<!tpu.dma_semaphore, #tpu.memory_space<semaphore_mem>>, %arg10: memref<!tpu.dma_semaphore, #tpu.memory_space<semaphore_mem>>) attributes {dimension_semantics = [#tpu.dimension_semantics<core_parallel>, #tpu.dimension_semantics<subcore_parallel>], iteration_bounds = array<i64: 2, 16>, scalar_prefetch = 0 : i64, scratch_operands = 6 : i64, tpu.core_type = #tpu.core_type<sc_vector_subcore>, window_params = [{transform_indices = #map}, {transform_indices = #map1}, {transform_indices = #map}]} {
    %mul3A = arith.constant 2 : i32
    %mul3A_0 = arith.muli %arg1, %mul3A : i32
    %add3A = arith.addi %mul3A_0, %arg0 : i32
    %mul3A_1 = arith.constant 128 : i32
    %mul3A_2 = arith.muli %add3A, %mul3A_1 : i32
    %add3A_3 = arith.constant 0 : i32
    %add3A_4 = arith.addi %mul3A_2, %add3A_3 : i32
    "tpu.region"() ({
      %run_scoped3A = tpu.sem_alloc : memref<!tpu.dma_semaphore, #tpu.memory_space<semaphore_mem>>
      %dma_start3A_65 = tpu.memref_slice %arg3[%add3A_4] : memref<4096xi32, #tpu.memory_space<hbm>> -> memref<16xi32, #tpu.memory_space<hbm>>
      %dma_start3A_66 = tpu.memref_slice %arg3[%add3A_4] : memref<4096xi32, #tpu.memory_space<hbm>> -> memref<16xi32, #tpu.memory_space<hbm>>
      tpu.enqueue_dma source(%dma_start3A_66 : memref<16xi32, #tpu.memory_space<hbm>>) target(%arg5 : memref<16xi32, #tpu.memory_space<vmem>>) target_semaphore(%run_scoped3A : memref<!tpu.dma_semaphore, #tpu.memory_space<semaphore_mem>>)
      %dma_wait3A_67 = tpu.memref_slice %arg3[%add3A_4] : memref<4096xi32, #tpu.memory_space<hbm>> -> memref<16xi32, #tpu.memory_space<hbm>>
      %dma_wait3A_68 = tpu.memref_slice %arg3[%add3A_4] : memref<4096xi32, #tpu.memory_space<hbm>> -> memref<16xi32, #tpu.memory_space<hbm>>
      tpu.wait_dma2 semaphore(%run_scoped3A : memref<!tpu.dma_semaphore, #tpu.memory_space<semaphore_mem>>) src(%dma_wait3A_68 : memref<16xi32, #tpu.memory_space<hbm>>) dst(%arg5 : memref<16xi32, #tpu.memory_space<vmem>>)
      tpu.yield
    }) : () -> ()
    %dma_start3A = arith.constant 0 : i32
    %dma_start3A_5 = arith.constant 0 : i32
    %dma_start3A_6 = tpu.memref_slice %arg2[%dma_start3A, %dma_start3A_5] : memref<4160x2048xf32, #tpu.memory_space<hbm>> -> memref<4160x2048xf32, #tpu.memory_space<hbm>>
    tpu.enqueue_indirect_dma source(%dma_start3A_6 : memref<4160x2048xf32, #tpu.memory_space<hbm>>) target(%arg7 : memref<16x2048xf32, #tpu.memory_space<vmem>>) offsets(%arg5 : memref<16xi32, #tpu.memory_space<vmem>>) semaphore(%arg9 : memref<!tpu.dma_semaphore, #tpu.memory_space<semaphore_mem>>)
    %add3A_7 = arith.constant 16 : i32
    %add3A_8 = arith.addi %mul3A_2, %add3A_7 : i32
    "tpu.region"() ({
      %run_scoped3A = tpu.sem_alloc : memref<!tpu.dma_semaphore, #tpu.memory_space<semaphore_mem>>
      %dma_start3A_65 = tpu.memref_slice %arg3[%add3A_8] : memref<4096xi32, #tpu.memory_space<hbm>> -> memref<16xi32, #tpu.memory_space<hbm>>
      %dma_start3A_66 = tpu.memref_slice %arg3[%add3A_8] : memref<4096xi32, #tpu.memory_space<hbm>> -> memref<16xi32, #tpu.memory_space<hbm>>
      tpu.enqueue_dma source(%dma_start3A_66 : memref<16xi32, #tpu.memory_space<hbm>>) target(%arg6 : memref<16xi32, #tpu.memory_space<vmem>>) target_semaphore(%run_scoped3A : memref<!tpu.dma_semaphore, #tpu.memory_space<semaphore_mem>>)
      %dma_wait3A_67 = tpu.memref_slice %arg3[%add3A_8] : memref<4096xi32, #tpu.memory_space<hbm>> -> memref<16xi32, #tpu.memory_space<hbm>>
      %dma_wait3A_68 = tpu.memref_slice %arg3[%add3A_8] : memref<4096xi32, #tpu.memory_space<hbm>> -> memref<16xi32, #tpu.memory_space<hbm>>
      tpu.wait_dma2 semaphore(%run_scoped3A : memref<!tpu.dma_semaphore, #tpu.memory_space<semaphore_mem>>) src(%dma_wait3A_68 : memref<16xi32, #tpu.memory_space<hbm>>) dst(%arg6 : memref<16xi32, #tpu.memory_space<vmem>>)
      tpu.yield
    }) : () -> ()
    %dma_start3A_9 = arith.constant 0 : i32
    %dma_start3A_10 = arith.constant 0 : i32
    %dma_start3A_11 = tpu.memref_slice %arg2[%dma_start3A_9, %dma_start3A_10] : memref<4160x2048xf32, #tpu.memory_space<hbm>> -> memref<4160x2048xf32, #tpu.memory_space<hbm>>
    tpu.enqueue_indirect_dma source(%dma_start3A_11 : memref<4160x2048xf32, #tpu.memory_space<hbm>>) target(%arg8 : memref<16x2048xf32, #tpu.memory_space<vmem>>) offsets(%arg6 : memref<16xi32, #tpu.memory_space<vmem>>) semaphore(%arg10 : memref<!tpu.dma_semaphore, #tpu.memory_space<semaphore_mem>>)
    %dma_wait3A = arith.constant 0 : i32
    %dma_wait3A_12 = arith.constant 0 : i32
    %dma_wait3A_13 = tpu.memref_slice %arg2[%dma_wait3A, %dma_wait3A_12] : memref<4160x2048xf32, #tpu.memory_space<hbm>> -> memref<4160x2048xf32, #tpu.memory_space<hbm>>
    tpu.wait_indirect_dma semaphore(%arg9 : memref<!tpu.dma_semaphore, #tpu.memory_space<semaphore_mem>>) src(%dma_wait3A_13 : memref<4160x2048xf32, #tpu.memory_space<hbm>>) dst(%arg7 : memref<16x2048xf32, #tpu.memory_space<vmem>>)
    "tpu.region"() ({
      %run_scoped3A = tpu.sem_alloc : memref<!tpu.dma_semaphore, #tpu.memory_space<semaphore_mem>>
      %dma_start3A_65 = arith.constant 0 : i32
      %dma_start3A_66 = tpu.memref_slice %arg4[%add3A_4, %dma_start3A_65] : memref<4096x2048xf32, #tpu.memory_space<hbm>> -> memref<16x2048xf32, #tpu.memory_space<hbm>>
      %dma_start3A_67 = arith.constant 0 : i32
      %dma_start3A_68 = tpu.memref_slice %arg4[%add3A_4, %dma_start3A_67] : memref<4096x2048xf32, #tpu.memory_space<hbm>> -> memref<16x2048xf32, #tpu.memory_space<hbm>>
      tpu.enqueue_dma source(%arg7 : memref<16x2048xf32, #tpu.memory_space<vmem>>) target(%dma_start3A_68 : memref<16x2048xf32, #tpu.memory_space<hbm>>) target_semaphore(%run_scoped3A : memref<!tpu.dma_semaphore, #tpu.memory_space<semaphore_mem>>)
      %dma_wait3A_69 = arith.constant 0 : i32
      %dma_wait3A_70 = tpu.memref_slice %arg4[%add3A_4, %dma_wait3A_69] : memref<4096x2048xf32, #tpu.memory_space<hbm>> -> memref<16x2048xf32, #tpu.memory_space<hbm>>
      %dma_wait3A_71 = arith.constant 0 : i32
      %dma_wait3A_72 = tpu.memref_slice %arg4[%add3A_4, %dma_wait3A_71] : memref<4096x2048xf32, #tpu.memory_space<hbm>> -> memref<16x2048xf32, #tpu.memory_space<hbm>>
      tpu.wait_dma2 semaphore(%run_scoped3A : memref<!tpu.dma_semaphore, #tpu.memory_space<semaphore_mem>>) src(%arg7 : memref<16x2048xf32, #tpu.memory_space<vmem>>) dst(%dma_wait3A_72 : memref<16x2048xf32, #tpu.memory_space<hbm>>)
      tpu.yield
    }) : () -> ()
    %add3A_14 = arith.constant 32 : i32
    %add3A_15 = arith.addi %mul3A_2, %add3A_14 : i32
    "tpu.region"() ({
      %run_scoped3A = tpu.sem_alloc : memref<!tpu.dma_semaphore, #tpu.memory_space<semaphore_mem>>
      %dma_start3A_65 = tpu.memref_slice %arg3[%add3A_15] : memref<4096xi32, #tpu.memory_space<hbm>> -> memref<16xi32, #tpu.memory_space<hbm>>
      %dma_start3A_66 = tpu.memref_slice %arg3[%add3A_15] : memref<4096xi32, #tpu.memory_space<hbm>> -> memref<16xi32, #tpu.memory_space<hbm>>
      tpu.enqueue_dma source(%dma_start3A_66 : memref<16xi32, #tpu.memory_space<hbm>>) target(%arg5 : memref<16xi32, #tpu.memory_space<vmem>>) target_semaphore(%run_scoped3A : memref<!tpu.dma_semaphore, #tpu.memory_space<semaphore_mem>>)
      %dma_wait3A_67 = tpu.memref_slice %arg3[%add3A_15] : memref<4096xi32, #tpu.memory_space<hbm>> -> memref<16xi32, #tpu.memory_space<hbm>>
      %dma_wait3A_68 = tpu.memref_slice %arg3[%add3A_15] : memref<4096xi32, #tpu.memory_space<hbm>> -> memref<16xi32, #tpu.memory_space<hbm>>
      tpu.wait_dma2 semaphore(%run_scoped3A : memref<!tpu.dma_semaphore, #tpu.memory_space<semaphore_mem>>) src(%dma_wait3A_68 : memref<16xi32, #tpu.memory_space<hbm>>) dst(%arg5 : memref<16xi32, #tpu.memory_space<vmem>>)
      tpu.yield
    }) : () -> ()
    %dma_start3A_16 = arith.constant 0 : i32
    %dma_start3A_17 = arith.constant 0 : i32
    %dma_start3A_18 = tpu.memref_slice %arg2[%dma_start3A_16, %dma_start3A_17] : memref<4160x2048xf32, #tpu.memory_space<hbm>> -> memref<4160x2048xf32, #tpu.memory_space<hbm>>
    tpu.enqueue_indirect_dma source(%dma_start3A_18 : memref<4160x2048xf32, #tpu.memory_space<hbm>>) target(%arg7 : memref<16x2048xf32, #tpu.memory_space<vmem>>) offsets(%arg5 : memref<16xi32, #tpu.memory_space<vmem>>) semaphore(%arg9 : memref<!tpu.dma_semaphore, #tpu.memory_space<semaphore_mem>>)
    %dma_wait3A_19 = arith.constant 0 : i32
    %dma_wait3A_20 = arith.constant 0 : i32
    %dma_wait3A_21 = tpu.memref_slice %arg2[%dma_wait3A_19, %dma_wait3A_20] : memref<4160x2048xf32, #tpu.memory_space<hbm>> -> memref<4160x2048xf32, #tpu.memory_space<hbm>>
    tpu.wait_indirect_dma semaphore(%arg10 : memref<!tpu.dma_semaphore, #tpu.memory_space<semaphore_mem>>) src(%dma_wait3A_21 : memref<4160x2048xf32, #tpu.memory_space<hbm>>) dst(%arg8 : memref<16x2048xf32, #tpu.memory_space<vmem>>)
    "tpu.region"() ({
      %run_scoped3A = tpu.sem_alloc : memref<!tpu.dma_semaphore, #tpu.memory_space<semaphore_mem>>
      %dma_start3A_65 = arith.constant 0 : i32
      %dma_start3A_66 = tpu.memref_slice %arg4[%add3A_8, %dma_start3A_65] : memref<4096x2048xf32, #tpu.memory_space<hbm>> -> memref<16x2048xf32, #tpu.memory_space<hbm>>
      %dma_start3A_67 = arith.constant 0 : i32
      %dma_start3A_68 = tpu.memref_slice %arg4[%add3A_8, %dma_start3A_67] : memref<4096x2048xf32, #tpu.memory_space<hbm>> -> memref<16x2048xf32, #tpu.memory_space<hbm>>
      tpu.enqueue_dma source(%arg8 : memref<16x2048xf32, #tpu.memory_space<vmem>>) target(%dma_start3A_68 : memref<16x2048xf32, #tpu.memory_space<hbm>>) target_semaphore(%run_scoped3A : memref<!tpu.dma_semaphore, #tpu.memory_space<semaphore_mem>>)
      %dma_wait3A_69 = arith.constant 0 : i32
      %dma_wait3A_70 = tpu.memref_slice %arg4[%add3A_8, %dma_wait3A_69] : memref<4096x2048xf32, #tpu.memory_space<hbm>> -> memref<16x2048xf32, #tpu.memory_space<hbm>>
      %dma_wait3A_71 = arith.constant 0 : i32
      %dma_wait3A_72 = tpu.memref_slice %arg4[%add3A_8, %dma_wait3A_71] : memref<4096x2048xf32, #tpu.memory_space<hbm>> -> memref<16x2048xf32, #tpu.memory_space<hbm>>
      tpu.wait_dma2 semaphore(%run_scoped3A : memref<!tpu.dma_semaphore, #tpu.memory_space<semaphore_mem>>) src(%arg8 : memref<16x2048xf32, #tpu.memory_space<vmem>>) dst(%dma_wait3A_72 : memref<16x2048xf32, #tpu.memory_space<hbm>>)
      tpu.yield
    }) : () -> ()
    %add3A_22 = arith.constant 48 : i32
    %add3A_23 = arith.addi %mul3A_2, %add3A_22 : i32
    "tpu.region"() ({
      %run_scoped3A = tpu.sem_alloc : memref<!tpu.dma_semaphore, #tpu.memory_space<semaphore_mem>>
      %dma_start3A_65 = tpu.memref_slice %arg3[%add3A_23] : memref<4096xi32, #tpu.memory_space<hbm>> -> memref<16xi32, #tpu.memory_space<hbm>>
      %dma_start3A_66 = tpu.memref_slice %arg3[%add3A_23] : memref<4096xi32, #tpu.memory_space<hbm>> -> memref<16xi32, #tpu.memory_space<hbm>>
      tpu.enqueue_dma source(%dma_start3A_66 : memref<16xi32, #tpu.memory_space<hbm>>) target(%arg6 : memref<16xi32, #tpu.memory_space<vmem>>) target_semaphore(%run_scoped3A : memref<!tpu.dma_semaphore, #tpu.memory_space<semaphore_mem>>)
      %dma_wait3A_67 = tpu.memref_slice %arg3[%add3A_23] : memref<4096xi32, #tpu.memory_space<hbm>> -> memref<16xi32, #tpu.memory_space<hbm>>
      %dma_wait3A_68 = tpu.memref_slice %arg3[%add3A_23] : memref<4096xi32, #tpu.memory_space<hbm>> -> memref<16xi32, #tpu.memory_space<hbm>>
      tpu.wait_dma2 semaphore(%run_scoped3A : memref<!tpu.dma_semaphore, #tpu.memory_space<semaphore_mem>>) src(%dma_wait3A_68 : memref<16xi32, #tpu.memory_space<hbm>>) dst(%arg6 : memref<16xi32, #tpu.memory_space<vmem>>)
      tpu.yield
    }) : () -> ()
    %dma_start3A_24 = arith.constant 0 : i32
    %dma_start3A_25 = arith.constant 0 : i32
    %dma_start3A_26 = tpu.memref_slice %arg2[%dma_start3A_24, %dma_start3A_25] : memref<4160x2048xf32, #tpu.memory_space<hbm>> -> memref<4160x2048xf32, #tpu.memory_space<hbm>>
    tpu.enqueue_indirect_dma source(%dma_start3A_26 : memref<4160x2048xf32, #tpu.memory_space<hbm>>) target(%arg8 : memref<16x2048xf32, #tpu.memory_space<vmem>>) offsets(%arg6 : memref<16xi32, #tpu.memory_space<vmem>>) semaphore(%arg10 : memref<!tpu.dma_semaphore, #tpu.memory_space<semaphore_mem>>)
    %dma_wait3A_27 = arith.constant 0 : i32
    %dma_wait3A_28 = arith.constant 0 : i32
    %dma_wait3A_29 = tpu.memref_slice %arg2[%dma_wait3A_27, %dma_wait3A_28] : memref<4160x2048xf32, #tpu.memory_space<hbm>> -> memref<4160x2048xf32, #tpu.memory_space<hbm>>
    tpu.wait_indirect_dma semaphore(%arg9 : memref<!tpu.dma_semaphore, #tpu.memory_space<semaphore_mem>>) src(%dma_wait3A_29 : memref<4160x2048xf32, #tpu.memory_space<hbm>>) dst(%arg7 : memref<16x2048xf32, #tpu.memory_space<vmem>>)
    "tpu.region"() ({
      %run_scoped3A = tpu.sem_alloc : memref<!tpu.dma_semaphore, #tpu.memory_space<semaphore_mem>>
      %dma_start3A_65 = arith.constant 0 : i32
      %dma_start3A_66 = tpu.memref_slice %arg4[%add3A_15, %dma_start3A_65] : memref<4096x2048xf32, #tpu.memory_space<hbm>> -> memref<16x2048xf32, #tpu.memory_space<hbm>>
      %dma_start3A_67 = arith.constant 0 : i32
      %dma_start3A_68 = tpu.memref_slice %arg4[%add3A_15, %dma_start3A_67] : memref<4096x2048xf32, #tpu.memory_space<hbm>> -> memref<16x2048xf32, #tpu.memory_space<hbm>>
      tpu.enqueue_dma source(%arg7 : memref<16x2048xf32, #tpu.memory_space<vmem>>) target(%dma_start3A_68 : memref<16x2048xf32, #tpu.memory_space<hbm>>) target_semaphore(%run_scoped3A : memref<!tpu.dma_semaphore, #tpu.memory_space<semaphore_mem>>)
      %dma_wait3A_69 = arith.constant 0 : i32
      %dma_wait3A_70 = tpu.memref_slice %arg4[%add3A_15, %dma_wait3A_69] : memref<4096x2048xf32, #tpu.memory_space<hbm>> -> memref<16x2048xf32, #tpu.memory_space<hbm>>
      %dma_wait3A_71 = arith.constant 0 : i32
      %dma_wait3A_72 = tpu.memref_slice %arg4[%add3A_15, %dma_wait3A_71] : memref<4096x2048xf32, #tpu.memory_space<hbm>> -> memref<16x2048xf32, #tpu.memory_space<hbm>>
      tpu.wait_dma2 semaphore(%run_scoped3A : memref<!tpu.dma_semaphore, #tpu.memory_space<semaphore_mem>>) src(%arg7 : memref<16x2048xf32, #tpu.memory_space<vmem>>) dst(%dma_wait3A_72 : memref<16x2048xf32, #tpu.memory_space<hbm>>)
      tpu.yield
    }) : () -> ()
    %add3A_30 = arith.constant 64 : i32
    %add3A_31 = arith.addi %mul3A_2, %add3A_30 : i32
    "tpu.region"() ({
      %run_scoped3A = tpu.sem_alloc : memref<!tpu.dma_semaphore, #tpu.memory_space<semaphore_mem>>
      %dma_start3A_65 = tpu.memref_slice %arg3[%add3A_31] : memref<4096xi32, #tpu.memory_space<hbm>> -> memref<16xi32, #tpu.memory_space<hbm>>
      %dma_start3A_66 = tpu.memref_slice %arg3[%add3A_31] : memref<4096xi32, #tpu.memory_space<hbm>> -> memref<16xi32, #tpu.memory_space<hbm>>
      tpu.enqueue_dma source(%dma_start3A_66 : memref<16xi32, #tpu.memory_space<hbm>>) target(%arg5 : memref<16xi32, #tpu.memory_space<vmem>>) target_semaphore(%run_scoped3A : memref<!tpu.dma_semaphore, #tpu.memory_space<semaphore_mem>>)
      %dma_wait3A_67 = tpu.memref_slice %arg3[%add3A_31] : memref<4096xi32, #tpu.memory_space<hbm>> -> memref<16xi32, #tpu.memory_space<hbm>>
      %dma_wait3A_68 = tpu.memref_slice %arg3[%add3A_31] : memref<4096xi32, #tpu.memory_space<hbm>> -> memref<16xi32, #tpu.memory_space<hbm>>
      tpu.wait_dma2 semaphore(%run_scoped3A : memref<!tpu.dma_semaphore, #tpu.memory_space<semaphore_mem>>) src(%dma_wait3A_68 : memref<16xi32, #tpu.memory_space<hbm>>) dst(%arg5 : memref<16xi32, #tpu.memory_space<vmem>>)
      tpu.yield
    }) : () -> ()
    %dma_start3A_32 = arith.constant 0 : i32
    %dma_start3A_33 = arith.constant 0 : i32
    %dma_start3A_34 = tpu.memref_slice %arg2[%dma_start3A_32, %dma_start3A_33] : memref<4160x2048xf32, #tpu.memory_space<hbm>> -> memref<4160x2048xf32, #tpu.memory_space<hbm>>
    tpu.enqueue_indirect_dma source(%dma_start3A_34 : memref<4160x2048xf32, #tpu.memory_space<hbm>>) target(%arg7 : memref<16x2048xf32, #tpu.memory_space<vmem>>) offsets(%arg5 : memref<16xi32, #tpu.memory_space<vmem>>) semaphore(%arg9 : memref<!tpu.dma_semaphore, #tpu.memory_space<semaphore_mem>>)
    %dma_wait3A_35 = arith.constant 0 : i32
    %dma_wait3A_36 = arith.constant 0 : i32
    %dma_wait3A_37 = tpu.memref_slice %arg2[%dma_wait3A_35, %dma_wait3A_36] : memref<4160x2048xf32, #tpu.memory_space<hbm>> -> memref<4160x2048xf32, #tpu.memory_space<hbm>>
    tpu.wait_indirect_dma semaphore(%arg10 : memref<!tpu.dma_semaphore, #tpu.memory_space<semaphore_mem>>) src(%dma_wait3A_37 : memref<4160x2048xf32, #tpu.memory_space<hbm>>) dst(%arg8 : memref<16x2048xf32, #tpu.memory_space<vmem>>)
    "tpu.region"() ({
      %run_scoped3A = tpu.sem_alloc : memref<!tpu.dma_semaphore, #tpu.memory_space<semaphore_mem>>
      %dma_start3A_65 = arith.constant 0 : i32
      %dma_start3A_66 = tpu.memref_slice %arg4[%add3A_23, %dma_start3A_65] : memref<4096x2048xf32, #tpu.memory_space<hbm>> -> memref<16x2048xf32, #tpu.memory_space<hbm>>
      %dma_start3A_67 = arith.constant 0 : i32
      %dma_start3A_68 = tpu.memref_slice %arg4[%add3A_23, %dma_start3A_67] : memref<4096x2048xf32, #tpu.memory_space<hbm>> -> memref<16x2048xf32, #tpu.memory_space<hbm>>
      tpu.enqueue_dma source(%arg8 : memref<16x2048xf32, #tpu.memory_space<vmem>>) target(%dma_start3A_68 : memref<16x2048xf32, #tpu.memory_space<hbm>>) target_semaphore(%run_scoped3A : memref<!tpu.dma_semaphore, #tpu.memory_space<semaphore_mem>>)
      %dma_wait3A_69 = arith.constant 0 : i32
      %dma_wait3A_70 = tpu.memref_slice %arg4[%add3A_23, %dma_wait3A_69] : memref<4096x2048xf32, #tpu.memory_space<hbm>> -> memref<16x2048xf32, #tpu.memory_space<hbm>>
      %dma_wait3A_71 = arith.constant 0 : i32
      %dma_wait3A_72 = tpu.memref_slice %arg4[%add3A_23, %dma_wait3A_71] : memref<4096x2048xf32, #tpu.memory_space<hbm>> -> memref<16x2048xf32, #tpu.memory_space<hbm>>
      tpu.wait_dma2 semaphore(%run_scoped3A : memref<!tpu.dma_semaphore, #tpu.memory_space<semaphore_mem>>) src(%arg8 : memref<16x2048xf32, #tpu.memory_space<vmem>>) dst(%dma_wait3A_72 : memref<16x2048xf32, #tpu.memory_space<hbm>>)
      tpu.yield
    }) : () -> ()
    %add3A_38 = arith.constant 80 : i32
    %add3A_39 = arith.addi %mul3A_2, %add3A_38 : i32
    "tpu.region"() ({
      %run_scoped3A = tpu.sem_alloc : memref<!tpu.dma_semaphore, #tpu.memory_space<semaphore_mem>>
      %dma_start3A_65 = tpu.memref_slice %arg3[%add3A_39] : memref<4096xi32, #tpu.memory_space<hbm>> -> memref<16xi32, #tpu.memory_space<hbm>>
      %dma_start3A_66 = tpu.memref_slice %arg3[%add3A_39] : memref<4096xi32, #tpu.memory_space<hbm>> -> memref<16xi32, #tpu.memory_space<hbm>>
      tpu.enqueue_dma source(%dma_start3A_66 : memref<16xi32, #tpu.memory_space<hbm>>) target(%arg6 : memref<16xi32, #tpu.memory_space<vmem>>) target_semaphore(%run_scoped3A : memref<!tpu.dma_semaphore, #tpu.memory_space<semaphore_mem>>)
      %dma_wait3A_67 = tpu.memref_slice %arg3[%add3A_39] : memref<4096xi32, #tpu.memory_space<hbm>> -> memref<16xi32, #tpu.memory_space<hbm>>
      %dma_wait3A_68 = tpu.memref_slice %arg3[%add3A_39] : memref<4096xi32, #tpu.memory_space<hbm>> -> memref<16xi32, #tpu.memory_space<hbm>>
      tpu.wait_dma2 semaphore(%run_scoped3A : memref<!tpu.dma_semaphore, #tpu.memory_space<semaphore_mem>>) src(%dma_wait3A_68 : memref<16xi32, #tpu.memory_space<hbm>>) dst(%arg6 : memref<16xi32, #tpu.memory_space<vmem>>)
      tpu.yield
    }) : () -> ()
    %dma_start3A_40 = arith.constant 0 : i32
    %dma_start3A_41 = arith.constant 0 : i32
    %dma_start3A_42 = tpu.memref_slice %arg2[%dma_start3A_40, %dma_start3A_41] : memref<4160x2048xf32, #tpu.memory_space<hbm>> -> memref<4160x2048xf32, #tpu.memory_space<hbm>>
    tpu.enqueue_indirect_dma source(%dma_start3A_42 : memref<4160x2048xf32, #tpu.memory_space<hbm>>) target(%arg8 : memref<16x2048xf32, #tpu.memory_space<vmem>>) offsets(%arg6 : memref<16xi32, #tpu.memory_space<vmem>>) semaphore(%arg10 : memref<!tpu.dma_semaphore, #tpu.memory_space<semaphore_mem>>)
    %dma_wait3A_43 = arith.constant 0 : i32
    %dma_wait3A_44 = arith.constant 0 : i32
    %dma_wait3A_45 = tpu.memref_slice %arg2[%dma_wait3A_43, %dma_wait3A_44] : memref<4160x2048xf32, #tpu.memory_space<hbm>> -> memref<4160x2048xf32, #tpu.memory_space<hbm>>
    tpu.wait_indirect_dma semaphore(%arg9 : memref<!tpu.dma_semaphore, #tpu.memory_space<semaphore_mem>>) src(%dma_wait3A_45 : memref<4160x2048xf32, #tpu.memory_space<hbm>>) dst(%arg7 : memref<16x2048xf32, #tpu.memory_space<vmem>>)
    "tpu.region"() ({
      %run_scoped3A = tpu.sem_alloc : memref<!tpu.dma_semaphore, #tpu.memory_space<semaphore_mem>>
      %dma_start3A_65 = arith.constant 0 : i32
      %dma_start3A_66 = tpu.memref_slice %arg4[%add3A_31, %dma_start3A_65] : memref<4096x2048xf32, #tpu.memory_space<hbm>> -> memref<16x2048xf32, #tpu.memory_space<hbm>>
      %dma_start3A_67 = arith.constant 0 : i32
      %dma_start3A_68 = tpu.memref_slice %arg4[%add3A_31, %dma_start3A_67] : memref<4096x2048xf32, #tpu.memory_space<hbm>> -> memref<16x2048xf32, #tpu.memory_space<hbm>>
      tpu.enqueue_dma source(%arg7 : memref<16x2048xf32, #tpu.memory_space<vmem>>) target(%dma_start3A_68 : memref<16x2048xf32, #tpu.memory_space<hbm>>) target_semaphore(%run_scoped3A : memref<!tpu.dma_semaphore, #tpu.memory_space<semaphore_mem>>)
      %dma_wait3A_69 = arith.constant 0 : i32
      %dma_wait3A_70 = tpu.memref_slice %arg4[%add3A_31, %dma_wait3A_69] : memref<4096x2048xf32, #tpu.memory_space<hbm>> -> memref<16x2048xf32, #tpu.memory_space<hbm>>
      %dma_wait3A_71 = arith.constant 0 : i32
      %dma_wait3A_72 = tpu.memref_slice %arg4[%add3A_31, %dma_wait3A_71] : memref<4096x2048xf32, #tpu.memory_space<hbm>> -> memref<16x2048xf32, #tpu.memory_space<hbm>>
      tpu.wait_dma2 semaphore(%run_scoped3A : memref<!tpu.dma_semaphore, #tpu.memory_space<semaphore_mem>>) src(%arg7 : memref<16x2048xf32, #tpu.memory_space<vmem>>) dst(%dma_wait3A_72 : memref<16x2048xf32, #tpu.memory_space<hbm>>)
      tpu.yield
    }) : () -> ()
    %add3A_46 = arith.constant 96 : i32
    %add3A_47 = arith.addi %mul3A_2, %add3A_46 : i32
    "tpu.region"() ({
      %run_scoped3A = tpu.sem_alloc : memref<!tpu.dma_semaphore, #tpu.memory_space<semaphore_mem>>
      %dma_start3A_65 = tpu.memref_slice %arg3[%add3A_47] : memref<4096xi32, #tpu.memory_space<hbm>> -> memref<16xi32, #tpu.memory_space<hbm>>
      %dma_start3A_66 = tpu.memref_slice %arg3[%add3A_47] : memref<4096xi32, #tpu.memory_space<hbm>> -> memref<16xi32, #tpu.memory_space<hbm>>
      tpu.enqueue_dma source(%dma_start3A_66 : memref<16xi32, #tpu.memory_space<hbm>>) target(%arg5 : memref<16xi32, #tpu.memory_space<vmem>>) target_semaphore(%run_scoped3A : memref<!tpu.dma_semaphore, #tpu.memory_space<semaphore_mem>>)
      %dma_wait3A_67 = tpu.memref_slice %arg3[%add3A_47] : memref<4096xi32, #tpu.memory_space<hbm>> -> memref<16xi32, #tpu.memory_space<hbm>>
      %dma_wait3A_68 = tpu.memref_slice %arg3[%add3A_47] : memref<4096xi32, #tpu.memory_space<hbm>> -> memref<16xi32, #tpu.memory_space<hbm>>
      tpu.wait_dma2 semaphore(%run_scoped3A : memref<!tpu.dma_semaphore, #tpu.memory_space<semaphore_mem>>) src(%dma_wait3A_68 : memref<16xi32, #tpu.memory_space<hbm>>) dst(%arg5 : memref<16xi32, #tpu.memory_space<vmem>>)
      tpu.yield
    }) : () -> ()
    %dma_start3A_48 = arith.constant 0 : i32
    %dma_start3A_49 = arith.constant 0 : i32
    %dma_start3A_50 = tpu.memref_slice %arg2[%dma_start3A_48, %dma_start3A_49] : memref<4160x2048xf32, #tpu.memory_space<hbm>> -> memref<4160x2048xf32, #tpu.memory_space<hbm>>
    tpu.enqueue_indirect_dma source(%dma_start3A_50 : memref<4160x2048xf32, #tpu.memory_space<hbm>>) target(%arg7 : memref<16x2048xf32, #tpu.memory_space<vmem>>) offsets(%arg5 : memref<16xi32, #tpu.memory_space<vmem>>) semaphore(%arg9 : memref<!tpu.dma_semaphore, #tpu.memory_space<semaphore_mem>>)
    %dma_wait3A_51 = arith.constant 0 : i32
    %dma_wait3A_52 = arith.constant 0 : i32
    %dma_wait3A_53 = tpu.memref_slice %arg2[%dma_wait3A_51, %dma_wait3A_52] : memref<4160x2048xf32, #tpu.memory_space<hbm>> -> memref<4160x2048xf32, #tpu.memory_space<hbm>>
    tpu.wait_indirect_dma semaphore(%arg10 : memref<!tpu.dma_semaphore, #tpu.memory_space<semaphore_mem>>) src(%dma_wait3A_53 : memref<4160x2048xf32, #tpu.memory_space<hbm>>) dst(%arg8 : memref<16x2048xf32, #tpu.memory_space<vmem>>)
    "tpu.region"() ({
      %run_scoped3A = tpu.sem_alloc : memref<!tpu.dma_semaphore, #tpu.memory_space<semaphore_mem>>
      %dma_start3A_65 = arith.constant 0 : i32
      %dma_start3A_66 = tpu.memref_slice %arg4[%add3A_39, %dma_start3A_65] : memref<4096x2048xf32, #tpu.memory_space<hbm>> -> memref<16x2048xf32, #tpu.memory_space<hbm>>
      %dma_start3A_67 = arith.constant 0 : i32
      %dma_start3A_68 = tpu.memref_slice %arg4[%add3A_39, %dma_start3A_67] : memref<4096x2048xf32, #tpu.memory_space<hbm>> -> memref<16x2048xf32, #tpu.memory_space<hbm>>
      tpu.enqueue_dma source(%arg8 : memref<16x2048xf32, #tpu.memory_space<vmem>>) target(%dma_start3A_68 : memref<16x2048xf32, #tpu.memory_space<hbm>>) target_semaphore(%run_scoped3A : memref<!tpu.dma_semaphore, #tpu.memory_space<semaphore_mem>>)
      %dma_wait3A_69 = arith.constant 0 : i32
      %dma_wait3A_70 = tpu.memref_slice %arg4[%add3A_39, %dma_wait3A_69] : memref<4096x2048xf32, #tpu.memory_space<hbm>> -> memref<16x2048xf32, #tpu.memory_space<hbm>>
      %dma_wait3A_71 = arith.constant 0 : i32
      %dma_wait3A_72 = tpu.memref_slice %arg4[%add3A_39, %dma_wait3A_71] : memref<4096x2048xf32, #tpu.memory_space<hbm>> -> memref<16x2048xf32, #tpu.memory_space<hbm>>
      tpu.wait_dma2 semaphore(%run_scoped3A : memref<!tpu.dma_semaphore, #tpu.memory_space<semaphore_mem>>) src(%arg8 : memref<16x2048xf32, #tpu.memory_space<vmem>>) dst(%dma_wait3A_72 : memref<16x2048xf32, #tpu.memory_space<hbm>>)
      tpu.yield
    }) : () -> ()
    %add3A_54 = arith.constant 112 : i32
    %add3A_55 = arith.addi %mul3A_2, %add3A_54 : i32
    "tpu.region"() ({
      %run_scoped3A = tpu.sem_alloc : memref<!tpu.dma_semaphore, #tpu.memory_space<semaphore_mem>>
      %dma_start3A_65 = tpu.memref_slice %arg3[%add3A_55] : memref<4096xi32, #tpu.memory_space<hbm>> -> memref<16xi32, #tpu.memory_space<hbm>>
      %dma_start3A_66 = tpu.memref_slice %arg3[%add3A_55] : memref<4096xi32, #tpu.memory_space<hbm>> -> memref<16xi32, #tpu.memory_space<hbm>>
      tpu.enqueue_dma source(%dma_start3A_66 : memref<16xi32, #tpu.memory_space<hbm>>) target(%arg6 : memref<16xi32, #tpu.memory_space<vmem>>) target_semaphore(%run_scoped3A : memref<!tpu.dma_semaphore, #tpu.memory_space<semaphore_mem>>)
      %dma_wait3A_67 = tpu.memref_slice %arg3[%add3A_55] : memref<4096xi32, #tpu.memory_space<hbm>> -> memref<16xi32, #tpu.memory_space<hbm>>
      %dma_wait3A_68 = tpu.memref_slice %arg3[%add3A_55] : memref<4096xi32, #tpu.memory_space<hbm>> -> memref<16xi32, #tpu.memory_space<hbm>>
      tpu.wait_dma2 semaphore(%run_scoped3A : memref<!tpu.dma_semaphore, #tpu.memory_space<semaphore_mem>>) src(%dma_wait3A_68 : memref<16xi32, #tpu.memory_space<hbm>>) dst(%arg6 : memref<16xi32, #tpu.memory_space<vmem>>)
      tpu.yield
    }) : () -> ()
    %dma_start3A_56 = arith.constant 0 : i32
    %dma_start3A_57 = arith.constant 0 : i32
    %dma_start3A_58 = tpu.memref_slice %arg2[%dma_start3A_56, %dma_start3A_57] : memref<4160x2048xf32, #tpu.memory_space<hbm>> -> memref<4160x2048xf32, #tpu.memory_space<hbm>>
    tpu.enqueue_indirect_dma source(%dma_start3A_58 : memref<4160x2048xf32, #tpu.memory_space<hbm>>) target(%arg8 : memref<16x2048xf32, #tpu.memory_space<vmem>>) offsets(%arg6 : memref<16xi32, #tpu.memory_space<vmem>>) semaphore(%arg10 : memref<!tpu.dma_semaphore, #tpu.memory_space<semaphore_mem>>)
    %dma_wait3A_59 = arith.constant 0 : i32
    %dma_wait3A_60 = arith.constant 0 : i32
    %dma_wait3A_61 = tpu.memref_slice %arg2[%dma_wait3A_59, %dma_wait3A_60] : memref<4160x2048xf32, #tpu.memory_space<hbm>> -> memref<4160x2048xf32, #tpu.memory_space<hbm>>
    tpu.wait_indirect_dma semaphore(%arg9 : memref<!tpu.dma_semaphore, #tpu.memory_space<semaphore_mem>>) src(%dma_wait3A_61 : memref<4160x2048xf32, #tpu.memory_space<hbm>>) dst(%arg7 : memref<16x2048xf32, #tpu.memory_space<vmem>>)
    "tpu.region"() ({
      %run_scoped3A = tpu.sem_alloc : memref<!tpu.dma_semaphore, #tpu.memory_space<semaphore_mem>>
      %dma_start3A_65 = arith.constant 0 : i32
      %dma_start3A_66 = tpu.memref_slice %arg4[%add3A_47, %dma_start3A_65] : memref<4096x2048xf32, #tpu.memory_space<hbm>> -> memref<16x2048xf32, #tpu.memory_space<hbm>>
      %dma_start3A_67 = arith.constant 0 : i32
      %dma_start3A_68 = tpu.memref_slice %arg4[%add3A_47, %dma_start3A_67] : memref<4096x2048xf32, #tpu.memory_space<hbm>> -> memref<16x2048xf32, #tpu.memory_space<hbm>>
      tpu.enqueue_dma source(%arg7 : memref<16x2048xf32, #tpu.memory_space<vmem>>) target(%dma_start3A_68 : memref<16x2048xf32, #tpu.memory_space<hbm>>) target_semaphore(%run_scoped3A : memref<!tpu.dma_semaphore, #tpu.memory_space<semaphore_mem>>)
      %dma_wait3A_69 = arith.constant 0 : i32
      %dma_wait3A_70 = tpu.memref_slice %arg4[%add3A_47, %dma_wait3A_69] : memref<4096x2048xf32, #tpu.memory_space<hbm>> -> memref<16x2048xf32, #tpu.memory_space<hbm>>
      %dma_wait3A_71 = arith.constant 0 : i32
      %dma_wait3A_72 = tpu.memref_slice %arg4[%add3A_47, %dma_wait3A_71] : memref<4096x2048xf32, #tpu.memory_space<hbm>> -> memref<16x2048xf32, #tpu.memory_space<hbm>>
      tpu.wait_dma2 semaphore(%run_scoped3A : memref<!tpu.dma_semaphore, #tpu.memory_space<semaphore_mem>>) src(%arg7 : memref<16x2048xf32, #tpu.memory_space<vmem>>) dst(%dma_wait3A_72 : memref<16x2048xf32, #tpu.memory_space<hbm>>)
      tpu.yield
    }) : () -> ()
    %dma_wait3A_62 = arith.constant 0 : i32
    %dma_wait3A_63 = arith.constant 0 : i32
    %dma_wait3A_64 = tpu.memref_slice %arg2[%dma_wait3A_62, %dma_wait3A_63] : memref<4160x2048xf32, #tpu.memory_space<hbm>> -> memref<4160x2048xf32, #tpu.memory_space<hbm>>
    tpu.wait_indirect_dma semaphore(%arg10 : memref<!tpu.dma_semaphore, #tpu.memory_space<semaphore_mem>>) src(%dma_wait3A_64 : memref<4160x2048xf32, #tpu.memory_space<hbm>>) dst(%arg8 : memref<16x2048xf32, #tpu.memory_space<vmem>>)
    "tpu.region"() ({
      %run_scoped3A = tpu.sem_alloc : memref<!tpu.dma_semaphore, #tpu.memory_space<semaphore_mem>>
      %dma_start3A_65 = arith.constant 0 : i32
      %dma_start3A_66 = tpu.memref_slice %arg4[%add3A_55, %dma_start3A_65] : memref<4096x2048xf32, #tpu.memory_space<hbm>> -> memref<16x2048xf32, #tpu.memory_space<hbm>>
      %dma_start3A_67 = arith.constant 0 : i32
      %dma_start3A_68 = tpu.memref_slice %arg4[%add3A_55, %dma_start3A_67] : memref<4096x2048xf32, #tpu.memory_space<hbm>> -> memref<16x2048xf32, #tpu.memory_space<hbm>>
      tpu.enqueue_dma source(%arg8 : memref<16x2048xf32, #tpu.memory_space<vmem>>) target(%dma_start3A_68 : memref<16x2048xf32, #tpu.memory_space<hbm>>) target_semaphore(%run_scoped3A : memref<!tpu.dma_semaphore, #tpu.memory_space<semaphore_mem>>)
      %dma_wait3A_69 = arith.constant 0 : i32
      %dma_wait3A_70 = tpu.memref_slice %arg4[%add3A_55, %dma_wait3A_69] : memref<4096x2048xf32, #tpu.memory_space<hbm>> -> memref<16x2048xf32, #tpu.memory_space<hbm>>
      %dma_wait3A_71 = arith.constant 0 : i32
      %dma_wait3A_72 = tpu.memref_slice %arg4[%add3A_55, %dma_wait3A_71] : memref<4096x2048xf32, #tpu.memory_space<hbm>> -> memref<16x2048xf32, #tpu.memory_space<hbm>>
      tpu.wait_dma2 semaphore(%run_scoped3A : memref<!tpu.dma_semaphore, #tpu.memory_space<semaphore_mem>>) src(%arg8 : memref<16x2048xf32, #tpu.memory_space<vmem>>) dst(%dma_wait3A_72 : memref<16x2048xf32, #tpu.memory_space<hbm>>)
      tpu.yield
    }) : () -> ()
    return
  }
}

module attributes {stable_mosaic.version = 14 : i64} {
  func.func @_routing_body(%arg0: i32, %arg1: memref<1024x2048xf32, #tpu.memory_space<vmem>>, %arg2: memref<2048x8xf32, #tpu.memory_space<vmem>>, %arg3: memref<1024x1xi32, #tpu.memory_space<vmem>>, %arg4: memref<1024x1xf32, #tpu.memory_space<vmem>>, %arg5: memref<1x1xf32, #tpu.memory_space<vmem>>, %arg6: memref<1x8xf32, #tpu.memory_space<vmem>>, %arg7: memref<1x8xf32, #tpu.memory_space<vmem>>, %arg8: memref<1x8xf32, #tpu.memory_space<vmem>>, %arg9: memref<1024x1024xf32, #tpu.memory_space<vmem>>) attributes {dimension_semantics = [#tpu.dimension_semantics<arbitrary>], iteration_bounds = array<i64: 4>, scalar_prefetch = 0 : i64, scratch_operands = 4 : i64, tpu.core_type = #tpu.core_type<tc>, window_params = [{transform_indices = @transform_0, window_bounds = array<i64: 1024, 2048>}, {pipeline_mode = #tpu.pipeline_mode<synchronous>, transform_indices = @transform_1, window_bounds = array<i64: 2048, 8>}, {transform_indices = @transform_2, window_bounds = array<i64: 1024, 1>}, {transform_indices = @transform_3, window_bounds = array<i64: 1024, 1>}, {pipeline_mode = #tpu.pipeline_mode<synchronous>, transform_indices = @transform_4, window_bounds = array<i64: 1, 1>}]} {
    %eq3A = arith.constant 0 : i32
    %eq3A_0 = arith.cmpi eq, %arg0, %eq3A : i32
    %convert_element_type3A = arith.extui %eq3A_0 : i1 to i32
    %cond3A = arith.constant 0 : i32
    %cond3A_1 = arith.cmpi ne, %convert_element_type3A, %cond3A : i32
    scf.if %cond3A_1 {
      %broadcast_in_dim3A_102 = arith.constant 0.000000e+00 : f32
      %broadcast_in_dim3A_103 = vector.broadcast %broadcast_in_dim3A_102 : f32 to vector<1x8xf32>
      %swap3A_104 = arith.constant 0 : index
      %swap3A_105 = arith.constant 0 : index
      %swap3A_106 = vector.load %arg6[%swap3A_104, %swap3A_105] : memref<1x8xf32, #tpu.memory_space<vmem>>, vector<1x8xf32>
      tpu.vector_store %arg6[%swap3A_104, %swap3A_105], %broadcast_in_dim3A_103 {strides = array<i32>} : memref<1x8xf32, #tpu.memory_space<vmem>>, vector<1x8xf32>,
      %broadcast_in_dim3A_107 = arith.constant 0.000000e+00 : f32
      %broadcast_in_dim3A_108 = vector.broadcast %broadcast_in_dim3A_107 : f32 to vector<1x8xf32>
      %swap3A_109 = arith.constant 0 : index
      %swap3A_110 = arith.constant 0 : index
      %swap3A_111 = vector.load %arg7[%swap3A_109, %swap3A_110] : memref<1x8xf32, #tpu.memory_space<vmem>>, vector<1x8xf32>
      tpu.vector_store %arg7[%swap3A_109, %swap3A_110], %broadcast_in_dim3A_108 {strides = array<i32>} : memref<1x8xf32, #tpu.memory_space<vmem>>, vector<1x8xf32>,
      %broadcast_in_dim3A_112 = arith.constant 0.000000e+00 : f32
      %broadcast_in_dim3A_113 = vector.broadcast %broadcast_in_dim3A_112 : f32 to vector<1x8xf32>
      %swap3A_114 = arith.constant 0 : index
      %swap3A_115 = arith.constant 0 : index
      %swap3A_116 = vector.load %arg8[%swap3A_114, %swap3A_115] : memref<1x8xf32, #tpu.memory_space<vmem>>, vector<1x8xf32>
      tpu.vector_store %arg8[%swap3A_114, %swap3A_115], %broadcast_in_dim3A_113 {strides = array<i32>} : memref<1x8xf32, #tpu.memory_space<vmem>>, vector<1x8xf32>,
      %iota3A_117 = tpu.iota {dimensions = array<i32: 0>} : vector<1024x1024xi32>
      %iota3A_118 = tpu.iota {dimensions = array<i32: 1>} : vector<1024x1024xi32>
      %ge3A = arith.cmpi sge, %iota3A_117, %iota3A_118 : vector<1024x1024xi32>
      %convert_element_type3A_119 = arith.extui %ge3A : vector<1024x1024xi1> to vector<1024x1024xi32>
      %convert_element_type3A_120 = arith.sitofp %convert_element_type3A_119 : vector<1024x1024xi32> to vector<1024x1024xf32>
      %swap3A_121 = arith.constant 0 : index
      %swap3A_122 = arith.constant 0 : index
      %swap3A_123 = vector.load %arg9[%swap3A_121, %swap3A_122] : memref<1024x1024xf32, #tpu.memory_space<vmem>>, vector<1024x1024xf32>
      tpu.vector_store %arg9[%swap3A_121, %swap3A_122], %convert_element_type3A_120 {strides = array<i32>} : memref<1024x1024xf32, #tpu.memory_space<vmem>>, vector<1024x1024xf32>,
    } else {
    }
    %get3A = arith.constant 0 : index
    %get3A_2 = arith.constant 0 : index
    %get3A_3 = vector.load %arg1[%get3A, %get3A_2] : memref<1024x2048xf32, #tpu.memory_space<vmem>>, vector<1024x2048xf32>
    %get3A_4 = arith.constant 0 : index
    %get3A_5 = arith.constant 0 : index
    %get3A_6 = vector.load %arg2[%get3A_4, %get3A_5] : memref<2048x8xf32, #tpu.memory_space<vmem>>, vector<2048x8xf32>
    %dot_general3A = arith.constant dense<0.000000e+00> : vector<1024x8xf32>
    %dot_general3A_7 = tpu.matmul %get3A_3, %get3A_6, %dot_general3A {dimension_numbers = #tpu.dot_dimension_numbers<[1], [0], [0], [1], [0, 0, 1, 1], [], []>, transpose_lhs_hint = false} : vector<1024x2048xf32>, vector<2048x8xf32>, vector<1024x8xf32> -> vector<1024x8xf32>
    %reduce_max3A = arith.constant dense<0xFF800000> : vector<1024xf32>
    %reduce_max3A_8 = vector.multi_reduction <maximumf>, %dot_general3A_7, %reduce_max3A [1] : vector<1024x8xf32> to vector<1024xf32>
    %broadcast_in_dim3A = vector.shape_cast %reduce_max3A_8 : vector<1024xf32> to vector<1024x1xf32>
    %sub3A = vector.broadcast %broadcast_in_dim3A : vector<1024x1xf32> to vector<1024x8xf32>
    %sub3A_9 = arith.subf %dot_general3A_7, %sub3A : vector<1024x8xf32>
    %exp3A = math.exp %sub3A_9 : vector<1024x8xf32>
    %reduce_sum3A = arith.constant dense<0.000000e+00> : vector<1024xf32>
    %reduce_sum3A_10 = vector.multi_reduction <add>, %exp3A, %reduce_sum3A [1] : vector<1024x8xf32> to vector<1024xf32>
    %broadcast_in_dim3A_11 = vector.shape_cast %reduce_sum3A_10 : vector<1024xf32> to vector<1024x1xf32>
    %div3A = vector.broadcast %broadcast_in_dim3A_11 : vector<1024x1xf32> to vector<1024x8xf32>
    %div3A_12 = arith.divf %exp3A, %div3A : vector<1024x8xf32>
    %reduce_max3A_13 = arith.constant dense<0xFF800000> : vector<1024xf32>
    %reduce_max3A_14 = vector.multi_reduction <maximumf>, %div3A_12, %reduce_max3A_13 [1] : vector<1024x8xf32> to vector<1024xf32>
    %broadcast_in_dim3A_15 = vector.shape_cast %reduce_max3A_14 : vector<1024xf32> to vector<1024x1xf32>
    %iota3A = tpu.iota {dimensions = array<i32: 1>} : vector<1024x8xi32>
    %eq3A_16 = vector.broadcast %broadcast_in_dim3A_15 : vector<1024x1xf32> to vector<1024x8xf32>
    %eq3A_17 = arith.cmpf oeq, %div3A_12, %eq3A_16 : vector<1024x8xf32>
    %jit3A = arith.constant 8 : i32
    %broadcast_in_dim3A_18 = vector.broadcast %jit3A : i32 to vector<1024x8xi32>
    %select_n3A = arith.select %eq3A_17, %iota3A, %broadcast_in_dim3A_18 : vector<1024x8xi1>, vector<1024x8xi32>
    %reduce_min3A = arith.constant dense<2147483647> : vector<1024xi32>
    %reduce_min3A_19 = vector.multi_reduction <minsi>, %select_n3A, %reduce_min3A [1] : vector<1024x8xi32> to vector<1024xi32>
    %broadcast_in_dim3A_20 = vector.shape_cast %reduce_min3A_19 : vector<1024xi32> to vector<1024x1xi32>
    %eq3A_21 = vector.broadcast %broadcast_in_dim3A_20 : vector<1024x1xi32> to vector<1024x8xi32>
    %eq3A_22 = arith.cmpi eq, %iota3A, %eq3A_21 : vector<1024x8xi32>
    %convert_element_type3A_23 = arith.extui %eq3A_22 : vector<1024x8xi1> to vector<1024x8xi32>
    %convert_element_type3A_24 = arith.sitofp %convert_element_type3A_23 : vector<1024x8xi32> to vector<1024x8xf32>
    %get3A_25 = arith.constant 0 : index
    %get3A_26 = arith.constant 0 : index
    %get3A_27 = vector.load %arg7[%get3A_25, %get3A_26] : memref<1x8xf32, #tpu.memory_space<vmem>>, vector<1x8xf32>
    %reduce_sum3A_28 = arith.constant dense<0.000000e+00> : vector<8xf32>
    %reduce_sum3A_29 = vector.multi_reduction <add>, %div3A_12, %reduce_sum3A_28 [0] : vector<1024x8xf32> to vector<8xf32>
    %broadcast_in_dim3A_30 = vector.shape_cast %reduce_sum3A_29 : vector<8xf32> to vector<1x8xf32>
    %add3A = arith.addf %get3A_27, %broadcast_in_dim3A_30 : vector<1x8xf32>
    %swap3A = arith.constant 0 : index
    %swap3A_31 = arith.constant 0 : index
    %swap3A_32 = vector.load %arg7[%swap3A, %swap3A_31] : memref<1x8xf32, #tpu.memory_space<vmem>>, vector<1x8xf32>
    tpu.vector_store %arg7[%swap3A, %swap3A_31], %add3A {strides = array<i32>} : memref<1x8xf32, #tpu.memory_space<vmem>>, vector<1x8xf32>,
    %get3A_33 = arith.constant 0 : index
    %get3A_34 = arith.constant 0 : index
    %get3A_35 = vector.load %arg8[%get3A_33, %get3A_34] : memref<1x8xf32, #tpu.memory_space<vmem>>, vector<1x8xf32>
    %reduce_sum3A_36 = arith.constant dense<0.000000e+00> : vector<8xf32>
    %reduce_sum3A_37 = vector.multi_reduction <add>, %convert_element_type3A_24, %reduce_sum3A_36 [0] : vector<1024x8xf32> to vector<8xf32>
    %broadcast_in_dim3A_38 = vector.shape_cast %reduce_sum3A_37 : vector<8xf32> to vector<1x8xf32>
    %add3A_39 = arith.addf %get3A_35, %broadcast_in_dim3A_38 : vector<1x8xf32>
    %swap3A_40 = arith.constant 0 : index
    %swap3A_41 = arith.constant 0 : index
    %swap3A_42 = vector.load %arg8[%swap3A_40, %swap3A_41] : memref<1x8xf32, #tpu.memory_space<vmem>>, vector<1x8xf32>
    tpu.vector_store %arg8[%swap3A_40, %swap3A_41], %add3A_39 {strides = array<i32>} : memref<1x8xf32, #tpu.memory_space<vmem>>, vector<1x8xf32>,
    %get3A_43 = arith.constant 0 : index
    %get3A_44 = arith.constant 0 : index
    %get3A_45 = vector.load %arg9[%get3A_43, %get3A_44] : memref<1024x1024xf32, #tpu.memory_space<vmem>>, vector<1024x1024xf32>
    %dot_general3A_46 = arith.constant dense<0.000000e+00> : vector<1024x8xf32>
    %dot_general3A_47 = tpu.matmul %get3A_45, %convert_element_type3A_24, %dot_general3A_46 {dimension_numbers = #tpu.dot_dimension_numbers<[1], [0], [0], [1], [0, 0, 1, 1], [], []>, transpose_lhs_hint = false} : vector<1024x1024xf32>, vector<1024x8xf32>, vector<1024x8xf32> -> vector<1024x8xf32>
    %sub3A_48 = arith.constant 1.000000e+00 : f32
    %sub3A_49 = vector.broadcast %sub3A_48 : f32 to vector<1024x8xf32>
    %sub3A_50 = arith.subf %dot_general3A_47, %sub3A_49 : vector<1024x8xf32>
    %get3A_51 = arith.constant 0 : index
    %get3A_52 = arith.constant 0 : index
    %get3A_53 = vector.load %arg6[%get3A_51, %get3A_52] : memref<1x8xf32, #tpu.memory_space<vmem>>, vector<1x8xf32>
    %add3A_54 = vector.broadcast %get3A_53 : vector<1x8xf32> to vector<1024x8xf32>
    %add3A_55 = arith.addf %sub3A_50, %add3A_54 : vector<1024x8xf32>
    %get3A_56 = arith.constant 0 : index
    %get3A_57 = arith.constant 0 : index
    %get3A_58 = vector.load %arg6[%get3A_56, %get3A_57] : memref<1x8xf32, #tpu.memory_space<vmem>>, vector<1x8xf32>
    %reduce_sum3A_59 = arith.constant dense<0.000000e+00> : vector<8xf32>
    %reduce_sum3A_60 = vector.multi_reduction <add>, %convert_element_type3A_24, %reduce_sum3A_59 [0] : vector<1024x8xf32> to vector<8xf32>
    %broadcast_in_dim3A_61 = vector.shape_cast %reduce_sum3A_60 : vector<8xf32> to vector<1x8xf32>
    %add3A_62 = arith.addf %get3A_58, %broadcast_in_dim3A_61 : vector<1x8xf32>
    %swap3A_63 = arith.constant 0 : index
    %swap3A_64 = arith.constant 0 : index
    %swap3A_65 = vector.load %arg6[%swap3A_63, %swap3A_64] : memref<1x8xf32, #tpu.memory_space<vmem>>, vector<1x8xf32>
    tpu.vector_store %arg6[%swap3A_63, %swap3A_64], %add3A_62 {strides = array<i32>} : memref<1x8xf32, #tpu.memory_space<vmem>>, vector<1x8xf32>,
    %lt3A = arith.constant 5.120000e+02 : f32
    %lt3A_66 = vector.broadcast %lt3A : f32 to vector<1024x8xf32>
    %lt3A_67 = arith.cmpf olt, %add3A_55, %lt3A_66 : vector<1024x8xf32>
    %convert_element_type3A_68 = arith.extui %lt3A_67 : vector<1024x8xi1> to vector<1024x8xi32>
    %convert_element_type3A_69 = arith.sitofp %convert_element_type3A_68 : vector<1024x8xi32> to vector<1024x8xf32>
    %mul3A = arith.mulf %convert_element_type3A_24, %convert_element_type3A_69 : vector<1024x8xf32>
    %reduce_sum3A_70 = arith.constant dense<0.000000e+00> : vector<1024xf32>
    %reduce_sum3A_71 = vector.multi_reduction <add>, %mul3A, %reduce_sum3A_70 [1] : vector<1024x8xf32> to vector<1024xf32>
    %broadcast_in_dim3A_72 = vector.shape_cast %reduce_sum3A_71 : vector<1024xf32> to vector<1024x1xf32>
    %mul3A_73 = arith.mulf %add3A_55, %mul3A : vector<1024x8xf32>
    %reduce_sum3A_74 = arith.constant dense<0.000000e+00> : vector<1024xf32>
    %reduce_sum3A_75 = vector.multi_reduction <add>, %mul3A_73, %reduce_sum3A_74 [1] : vector<1024x8xf32> to vector<1024xf32>
    %broadcast_in_dim3A_76 = vector.shape_cast %reduce_sum3A_75 : vector<1024xf32> to vector<1024x1xf32>
    %convert_element_type3A_77 = arith.fptosi %broadcast_in_dim3A_76 : vector<1024x1xf32> to vector<1024x1xi32>
    %mul3A_78 = arith.mulf %div3A_12, %mul3A : vector<1024x8xf32>
    %reduce_sum3A_79 = arith.constant dense<0.000000e+00> : vector<1024xf32>
    %reduce_sum3A_80 = vector.multi_reduction <add>, %mul3A_78, %reduce_sum3A_79 [1] : vector<1024x8xf32> to vector<1024xf32>
    %broadcast_in_dim3A_81 = vector.shape_cast %reduce_sum3A_80 : vector<1024xf32> to vector<1024x1xf32>
    %swap3A_82 = arith.constant 0 : index
    %swap3A_83 = arith.constant 0 : index
    %swap3A_84 = vector.load %arg4[%swap3A_82, %swap3A_83] : memref<1024x1xf32, #tpu.memory_space<vmem>>, vector<1024x1xf32>
    tpu.vector_store %arg4[%swap3A_82, %swap3A_83], %broadcast_in_dim3A_81 {strides = array<i32>} : memref<1024x1xf32, #tpu.memory_space<vmem>>, vector<1024x1xf32>,
    %gt3A = arith.constant 0.000000e+00 : f32
    %gt3A_85 = vector.broadcast %gt3A : f32 to vector<1024x1xf32>
    %gt3A_86 = arith.cmpf ogt, %broadcast_in_dim3A_72, %gt3A_85 : vector<1024x1xf32>
    %mul3A_87 = arith.constant 520 : i32
    %mul3A_88 = vector.broadcast %mul3A_87 : i32 to vector<1024x1xi32>
    %mul3A_89 = arith.muli %broadcast_in_dim3A_20, %mul3A_88 : vector<1024x1xi32>
    %add3A_90 = arith.addi %mul3A_89, %convert_element_type3A_77 : vector<1024x1xi32>
    %jit3A_91 = arith.constant 512 : i32
    %broadcast_in_dim3A_92 = vector.broadcast %jit3A_91 : i32 to vector<1024x1xi32>
    %select_n3A_93 = arith.select %gt3A_86, %add3A_90, %broadcast_in_dim3A_92 : vector<1024x1xi1>, vector<1024x1xi32>
    %swap3A_94 = arith.constant 0 : index
    %swap3A_95 = arith.constant 0 : index
    %swap3A_96 = vector.load %arg3[%swap3A_94, %swap3A_95] : memref<1024x1xi32, #tpu.memory_space<vmem>>, vector<1024x1xi32>
    tpu.vector_store %arg3[%swap3A_94, %swap3A_95], %select_n3A_93 {strides = array<i32>} : memref<1024x1xi32, #tpu.memory_space<vmem>>, vector<1024x1xi32>,
    %eq3A_97 = arith.constant 3 : i32
    %eq3A_98 = arith.cmpi eq, %arg0, %eq3A_97 : i32
    %convert_element_type3A_99 = arith.extui %eq3A_98 : i1 to i32
    %cond3A_100 = arith.constant 0 : i32
    %cond3A_101 = arith.cmpi ne, %convert_element_type3A_99, %cond3A_100 : i32
    scf.if %cond3A_101 {
      %get3A_102 = arith.constant 0 : index
      %get3A_103 = arith.constant 0 : index
      %get3A_104 = vector.load %arg7[%get3A_102, %get3A_103] : memref<1x8xf32, #tpu.memory_space<vmem>>, vector<1x8xf32>
      %div3A_105 = arith.constant 4.096000e+03 : f32
      %div3A_106 = vector.broadcast %div3A_105 : f32 to vector<1x8xf32>
      %div3A_107 = arith.divf %get3A_104, %div3A_106 : vector<1x8xf32>
      %get3A_108 = arith.constant 0 : index
      %get3A_109 = arith.constant 0 : index
      %get3A_110 = vector.load %arg8[%get3A_108, %get3A_109] : memref<1x8xf32, #tpu.memory_space<vmem>>, vector<1x8xf32>
      %div3A_111 = arith.constant 4.096000e+03 : f32
      %div3A_112 = vector.broadcast %div3A_111 : f32 to vector<1x8xf32>
      %div3A_113 = arith.divf %get3A_110, %div3A_112 : vector<1x8xf32>
      %mul3A_114 = arith.mulf %div3A_107, %div3A_113 : vector<1x8xf32>
      %reduce_sum3A_115 = arith.constant dense<0.000000e+00> : vector<1xf32>
      %reduce_sum3A_116 = vector.multi_reduction <add>, %mul3A_114, %reduce_sum3A_115 [1] : vector<1x8xf32> to vector<1xf32>
      %broadcast_in_dim3A_117 = vector.shape_cast %reduce_sum3A_116 : vector<1xf32> to vector<1x1xf32>
      %mul3A_118 = arith.constant 8.000000e+00 : f32
      %mul3A_119 = vector.broadcast %mul3A_118 : f32 to vector<1x1xf32>
      %mul3A_120 = arith.mulf %broadcast_in_dim3A_117, %mul3A_119 : vector<1x1xf32>
      %swap3A_121 = arith.constant 0 : index
      %swap3A_122 = arith.constant 0 : index
      %swap3A_123 = vector.load %arg5[%swap3A_121, %swap3A_122] : memref<1x1xf32, #tpu.memory_space<vmem>>, vector<1x1xf32>
      tpu.vector_store %arg5[%swap3A_121, %swap3A_122], %mul3A_120 {strides = array<i32>} : memref<1x1xf32, #tpu.memory_space<vmem>>, vector<1x1xf32>,
    } else {
    }
    return
  }
  func.func @transform_0(%arg0: i32) -> (i32, i32) {
    %c0_i32 = arith.constant 0 : i32
    %c0_i32_0 = arith.constant 0 : i32
    return %arg0, %c0_i32 : i32, i32
  }
  func.func @transform_1(%arg0: i32) -> (i32, i32) {
    %c0_i32 = arith.constant 0 : i32
    %c0_i32_0 = arith.constant 0 : i32
    %c0_i32_1 = arith.constant 0 : i32
    return %c0_i32, %c0_i32_0 : i32, i32
  }
  func.func @transform_2(%arg0: i32) -> (i32, i32) {
    %c0_i32 = arith.constant 0 : i32
    %c0_i32_0 = arith.constant 0 : i32
    return %arg0, %c0_i32 : i32, i32
  }
  func.func @transform_3(%arg0: i32) -> (i32, i32) {
    %c0_i32 = arith.constant 0 : i32
    %c0_i32_0 = arith.constant 0 : i32
    return %arg0, %c0_i32 : i32, i32
  }
  func.func @transform_4(%arg0: i32) -> (i32, i32) {
    %c0_i32 = arith.constant 0 : i32
    %c0_i32_0 = arith.constant 0 : i32
    %c0_i32_1 = arith.constant 0 : i32
    return %c0_i32, %c0_i32_0 : i32, i32
  }
}

module attributes {stable_mosaic.version = 14 : i64} {
  func.func @_mlp_body(%arg0: i32, %arg1: i32, %arg2: memref<520x2048xf32, #tpu.memory_space<vmem>>, %arg3: memref<1x2048x1024xf32, #tpu.memory_space<vmem>>, %arg4: memref<1x1x1024xf32, #tpu.memory_space<vmem>>, %arg5: memref<1x1024x2048xf32, #tpu.memory_space<vmem>>, %arg6: memref<1x1x2048xf32, #tpu.memory_space<vmem>>, %arg7: memref<520x128xf32, #tpu.memory_space<vmem>>, %arg8: memref<520x2048xf32, #tpu.memory_space<vmem>>) attributes {dimension_semantics = [#tpu.dimension_semantics<parallel>, #tpu.dimension_semantics<arbitrary>], iteration_bounds = array<i64: 8, 8>, scalar_prefetch = 0 : i64, scratch_operands = 0 : i64, tpu.core_type = #tpu.core_type<tc>, window_params = [{transform_indices = @transform_0, window_bounds = array<i64: 520, 2048>}, {transform_indices = @transform_1, window_bounds = array<i64: 1, 2048, 1024>}, {transform_indices = @transform_2, window_bounds = array<i64: 1, 1, 1024>}, {transform_indices = @transform_3, window_bounds = array<i64: 1, 1024, 2048>}, {transform_indices = @transform_4, window_bounds = array<i64: 1, 1, 2048>}, {transform_indices = @transform_5, window_bounds = array<i64: 520, 128>}, {transform_indices = @transform_6, window_bounds = array<i64: 520, 2048>}]} {
    %get3A = arith.constant 0 : index
    %get3A_0 = arith.constant 0 : index
    %get3A_1 = vector.load %arg2[%get3A, %get3A_0] : memref<520x2048xf32, #tpu.memory_space<vmem>>, vector<520x2048xf32>
    %convert_element_type3A = arith.truncf %get3A_1 : vector<520x2048xf32> to vector<520x2048xbf16>
    %get3A_2 = arith.constant 0 : index
    %get3A_3 = arith.constant 0 : index
    %get3A_4 = arith.constant 0 : index
    %get3A_5 = vector.load %arg3[%get3A_2, %get3A_3, %get3A_4] : memref<1x2048x1024xf32, #tpu.memory_space<vmem>>, vector<1x2048x1024xf32>
    %get3A_6 = vector.shape_cast %get3A_5 : vector<1x2048x1024xf32> to vector<2048x1024xf32>
    %convert_element_type3A_7 = arith.truncf %get3A_6 : vector<2048x1024xf32> to vector<2048x1024xbf16>
    %dot_general3A = arith.constant dense<0.000000e+00> : vector<520x1024xf32>
    %dot_general3A_8 = tpu.matmul %convert_element_type3A, %convert_element_type3A_7, %dot_general3A {dimension_numbers = #tpu.dot_dimension_numbers<[1], [0], [0], [1], [0, 0, 1, 1], [], []>, transpose_lhs_hint = false} : vector<520x2048xbf16>, vector<2048x1024xbf16>, vector<520x1024xf32> -> vector<520x1024xf32>
    %get3A_9 = arith.constant 0 : index
    %get3A_10 = arith.constant 0 : index
    %get3A_11 = arith.constant 0 : index
    %get3A_12 = vector.load %arg4[%get3A_9, %get3A_10, %get3A_11] : memref<1x1x1024xf32, #tpu.memory_space<vmem>>, vector<1x1x1024xf32>
    %get3A_13 = vector.shape_cast %get3A_12 : vector<1x1x1024xf32> to vector<1x1024xf32>
    %add3A = vector.broadcast %get3A_13 : vector<1x1024xf32> to vector<520x1024xf32>
    %add3A_14 = arith.addf %dot_general3A_8, %add3A : vector<520x1024xf32>
    %max3A = arith.constant 0.000000e+00 : f32
    %max3A_15 = vector.broadcast %max3A : f32 to vector<520x1024xf32>
    %max3A_16 = arith.maximumf %add3A_14, %max3A_15 : vector<520x1024xf32>
    %get3A_17 = arith.constant 0 : index
    %get3A_18 = arith.constant 0 : index
    %get3A_19 = arith.constant 0 : index
    %get3A_20 = vector.load %arg5[%get3A_17, %get3A_18, %get3A_19] : memref<1x1024x2048xf32, #tpu.memory_space<vmem>>, vector<1x1024x2048xf32>
    %get3A_21 = vector.shape_cast %get3A_20 : vector<1x1024x2048xf32> to vector<1024x2048xf32>
    %convert_element_type3A_22 = arith.truncf %get3A_21 : vector<1024x2048xf32> to vector<1024x2048xbf16>
    %convert_element_type3A_23 = arith.truncf %max3A_16 : vector<520x1024xf32> to vector<520x1024xbf16>
    %dot_general3A_24 = arith.constant dense<0.000000e+00> : vector<520x2048xf32>
    %dot_general3A_25 = tpu.matmul %convert_element_type3A_23, %convert_element_type3A_22, %dot_general3A_24 {dimension_numbers = #tpu.dot_dimension_numbers<[1], [0], [0], [1], [0, 0, 1, 1], [], []>, transpose_lhs_hint = false} : vector<520x1024xbf16>, vector<1024x2048xbf16>, vector<520x2048xf32> -> vector<520x2048xf32>
    %eq3A = arith.constant 0 : i32
    %eq3A_26 = arith.cmpi eq, %arg1, %eq3A : i32
    %convert_element_type3A_27 = arith.extui %eq3A_26 : i1 to i32
    %cond3A = arith.constant 0 : i32
    %cond3A_28 = arith.cmpi ne, %convert_element_type3A_27, %cond3A : i32
    scf.if %cond3A_28 {
      %swap3A = arith.constant 0 : index
      %swap3A_38 = arith.constant 0 : index
      %swap3A_39 = vector.load %arg8[%swap3A, %swap3A_38] : memref<520x2048xf32, #tpu.memory_space<vmem>>, vector<520x2048xf32>
      tpu.vector_store %arg8[%swap3A, %swap3A_38], %dot_general3A_25 {strides = array<i32>} : memref<520x2048xf32, #tpu.memory_space<vmem>>, vector<520x2048xf32>,
    } else {
    }
    %gt3A = arith.constant 0 : i32
    %gt3A_29 = arith.cmpi sgt, %arg1, %gt3A : i32
    %convert_element_type3A_30 = arith.extui %gt3A_29 : i1 to i32
    %cond3A_31 = arith.constant 0 : i32
    %cond3A_32 = arith.cmpi ne, %convert_element_type3A_30, %cond3A_31 : i32
    scf.if %cond3A_32 {
      %get3A_38 = arith.constant 0 : index
      %get3A_39 = arith.constant 0 : index
      %get3A_40 = vector.load %arg8[%get3A_38, %get3A_39] : memref<520x2048xf32, #tpu.memory_space<vmem>>, vector<520x2048xf32>
      %add3A_41 = arith.addf %get3A_40, %dot_general3A_25 : vector<520x2048xf32>
      %swap3A = arith.constant 0 : index
      %swap3A_42 = arith.constant 0 : index
      %swap3A_43 = vector.load %arg8[%swap3A, %swap3A_42] : memref<520x2048xf32, #tpu.memory_space<vmem>>, vector<520x2048xf32>
      tpu.vector_store %arg8[%swap3A, %swap3A_42], %add3A_41 {strides = array<i32>} : memref<520x2048xf32, #tpu.memory_space<vmem>>, vector<520x2048xf32>,
    } else {
    }
    %eq3A_33 = arith.constant 7 : i32
    %eq3A_34 = arith.cmpi eq, %arg1, %eq3A_33 : i32
    %convert_element_type3A_35 = arith.extui %eq3A_34 : i1 to i32
    %cond3A_36 = arith.constant 0 : i32
    %cond3A_37 = arith.cmpi ne, %convert_element_type3A_35, %cond3A_36 : i32
    scf.if %cond3A_37 {
      %get3A_38 = arith.constant 0 : index
      %get3A_39 = arith.constant 0 : index
      %get3A_40 = vector.load %arg8[%get3A_38, %get3A_39] : memref<520x2048xf32, #tpu.memory_space<vmem>>, vector<520x2048xf32>
      %get3A_41 = arith.constant 0 : index
      %get3A_42 = arith.constant 0 : index
      %get3A_43 = arith.constant 0 : index
      %get3A_44 = vector.load %arg6[%get3A_41, %get3A_42, %get3A_43] : memref<1x1x2048xf32, #tpu.memory_space<vmem>>, vector<1x1x2048xf32>
      %get3A_45 = vector.shape_cast %get3A_44 : vector<1x1x2048xf32> to vector<1x2048xf32>
      %add3A_46 = vector.broadcast %get3A_45 : vector<1x2048xf32> to vector<520x2048xf32>
      %add3A_47 = arith.addf %get3A_40, %add3A_46 : vector<520x2048xf32>
      %get3A_48 = arith.constant 0 : index
      %get3A_49 = arith.constant 0 : index
      %get3A_50 = vector.load %arg7[%get3A_48, %get3A_49] : memref<520x128xf32, #tpu.memory_space<vmem>>, vector<520x1xf32>
      %mul3A = vector.broadcast %get3A_50 : vector<520x1xf32> to vector<520x2048xf32>
      %mul3A_51 = arith.mulf %add3A_47, %mul3A : vector<520x2048xf32>
      %swap3A = arith.constant 0 : index
      %swap3A_52 = arith.constant 0 : index
      %swap3A_53 = vector.load %arg8[%swap3A, %swap3A_52] : memref<520x2048xf32, #tpu.memory_space<vmem>>, vector<520x2048xf32>
      tpu.vector_store %arg8[%swap3A, %swap3A_52], %mul3A_51 {strides = array<i32>} : memref<520x2048xf32, #tpu.memory_space<vmem>>, vector<520x2048xf32>,
      %broadcast_in_dim3A = arith.constant 0.000000e+00 : f32
      %broadcast_in_dim3A_54 = vector.broadcast %broadcast_in_dim3A : f32 to vector<8x2048xf32>
      %swap3A_55 = arith.constant 512 : index
      %swap3A_56 = arith.constant 0 : index
      %swap3A_57 = vector.load %arg8[%swap3A_55, %swap3A_56] : memref<520x2048xf32, #tpu.memory_space<vmem>>, vector<8x2048xf32>
      tpu.vector_store %arg8[%swap3A_55, %swap3A_56], %broadcast_in_dim3A_54 {strides = array<i32>} : memref<520x2048xf32, #tpu.memory_space<vmem>>, vector<8x2048xf32>,
    } else {
    }
    return
  }
  func.func @transform_0(%arg0: i32, %arg1: i32) -> (i32, i32) {
    %c0_i32 = arith.constant 0 : i32
    %c0_i32_0 = arith.constant 0 : i32
    return %arg0, %c0_i32 : i32, i32
  }
  func.func @transform_1(%arg0: i32, %arg1: i32) -> (i32, i32, i32) {
    %c0_i32 = arith.constant 0 : i32
    %c0_i32_0 = arith.constant 0 : i32
    return %arg0, %c0_i32, %arg1 : i32, i32, i32
  }
  func.func @transform_2(%arg0: i32, %arg1: i32) -> (i32, i32, i32) {
    %c0_i32 = arith.constant 0 : i32
    %c0_i32_0 = arith.constant 0 : i32
    return %arg0, %c0_i32, %arg1 : i32, i32, i32
  }
  func.func @transform_3(%arg0: i32, %arg1: i32) -> (i32, i32, i32) {
    %c0_i32 = arith.constant 0 : i32
    %c0_i32_0 = arith.constant 0 : i32
    return %arg0, %arg1, %c0_i32 : i32, i32, i32
  }
  func.func @transform_4(%arg0: i32, %arg1: i32) -> (i32, i32, i32) {
    %c0_i32 = arith.constant 0 : i32
    %c0_i32_0 = arith.constant 0 : i32
    %c0_i32_1 = arith.constant 0 : i32
    return %arg0, %c0_i32, %c0_i32_0 : i32, i32, i32
  }
  func.func @transform_5(%arg0: i32, %arg1: i32) -> (i32, i32) {
    %c0_i32 = arith.constant 0 : i32
    %c0_i32_0 = arith.constant 0 : i32
    return %arg0, %c0_i32 : i32, i32
  }
  func.func @transform_6(%arg0: i32, %arg1: i32) -> (i32, i32) {
    %c0_i32 = arith.constant 0 : i32
    %c0_i32_0 = arith.constant 0 : i32
    return %arg0, %c0_i32 : i32, i32
  }
}

</mosaic_0001>

<sc_bundles>
// kernel: kernel.6.cloned.1.call-start
scs
__scs_entry_jumppad:
0x0: {  	(pc) =	sbr.rel $0x88, $3  }
0x1: {  	(tag) =	ssettag $0x0;
	lr =	simm.s32 $0x1  }
0x2: {  	[smem:$0x3F9B] =	sst lr;
	_ =	strace $0xD0000000  }
0x3: {  	_ = 	snop  }
0x4: {  	_ = 	snop  }
0x5: {  	_ = 	snop  }
0x6: {  	_ = 	snop  }
0x7: {  	_ = 	snop  }
__scs_overlays_trampoline_lowered:
0x8: {  	[smem:$0x3FAA] =	sst s0  }
0x9: {  	[smem:$0x3FAB] =	sst s1  }
0xa: {  	[smem:$0x3FAC] =	sst s2  }
0xb: {  	[smem:$0x3FAD] =	sst s3  }
0xc: {  	[smem:$0x3FAE] =	sst s4  }
0xd: {  	[smem:$0x3FAF] =	sst s5  }
0xe: {  	[smem:$0x3FB0] =	sst s6  }
0xf: {  	[smem:$0x3FB1] =	sst s7  }
0x10: {  	[smem:$0x3FB2] =	sst s8  }
0x11: {  	[smem:$0x3FB3] =	sst s9;
	s0 =	simm.s32 @!p0 $0x0  }
0x12: {  	s1 =	sld [smem:$0x3F99];
	s0 =	simm.s32 @p0 $0x1  }
0x13: {  	[smem:$0x3FB4] =	sst s0;
	s0 =	simm.s32 @!p1 $0x0  }
0x14: {  	s2 =	sld [smem:$0x3F98];
	s0 =	simm.s32 @p1 $0x1  }
0x15: {  	[smem:$0x3FB5] =	sst s0;
	s0 =	simm.s32 @!p2 $0x0  }
0x16: {  	s3 =	sld [smem:$0x3FDB];
	s0 =	simm.s32 @p2 $0x1  }
0x17: {  	s4 =	simm.s32 $0x1BF5;
	[smem:$0x3FB7] =	sst s0  }
0x18: {  	s0 =	sld [smem:$0x3F9A];
	_ =	swait.ge [sflag:s4], $0x0  }
0x19: {  	s7 =	sld [smem:$0x3F9B]  }
0x1a: {  	s8 =	sadd.s32 $0xFFFFE003, lr  }
0x1b: {  	s9 =	sadd.s32 $0xFFFFFEF7, lr;
	s5 =	simm.s32 $0xFFFFFFFF;
	p2 =	slt.u32 s8, $0xFFFFF086  }
0x1c: {  	p1 =	slt.u32 s9, $0xF7A;
	s5 =	simm.s32 @!p2 $0x0  }
0x1d: {  	s5 =	simm.s32 @p1 $0x1;
	p0 =	seq.s32 s7, s2  }
0x1e: {  	s7 =	smul.u32 @!p0 $0xF7A, s2;
	p2 =	seq.s32 @!p0 s5, $0x0  }
0x1f: {  	s9 =	smul.u32 $0xF7A, s1;
	s8 =	simm.s32 @!p0 $0x1BF5;
	p2 =	por !p2, p0  }
0x20: {  	[sflag:s8] =	ssyncset.s32 @!p0 $0xFFFFF086;
	s6 =	sadd.s32 @!p0 s3, s7;
	s7 =	simm.s32 @!p0 $0x108  }
0x21: {  	s3 =	sadd.s32 s3, s9;
	s6 =	sadd.s32 @!p0 $0x88, s6;
	s7 =	simm.s32 @p2 $0x1082  }
0x22: {  	[simem:s7], [sflag:s8] =	dma.local @!p0 [hbm:s6], $0xF7A  }
0x23: {  	s9 =	sor.u32 $0xD0000000, s2;
	s6 =	simm.s32 $0x108;
	_ =	swait.ge @!p0 [sflag:s8], $0x0  }
0x24: {  	s3 =	sadd.s32 $0x88, s3;
	s6 =	simm.s32 @!p1 $0x1082;
	[sflag:s4] =	ssyncset.s32 $0xFFFFF086  }
0x25: {  	[simem:s6], [sflag:s4] =	dma.local [hbm:s3], $0xF7A  }
0x26: {  	[smem:$0x3F9B] =	sst s1;
	(tag) =	ssettag s2;
	_ =	strace s9  }
0x27: {  	s1 =	sld [smem:$0x3FAB]  }
0x28: {  	s2 =	sld [smem:$0x3FAC]  }
0x29: {  	s4 =	sld [smem:$0x3FAE]  }
0x2a: {  	p0 =	seq.s32 s5, $0x0;
	s5 =	sld [smem:$0x3FAF]  }
0x2b: {  	s6 =	sld [smem:$0x3FB0]  }
0x2c: {  	s7 =	sld [smem:$0x3FB1]  }
0x2d: {  	s3 =	simm.s32 $0x108;
	s8 =	sld [smem:$0x3FB2]  }
0x2e: {  	s3 =	simm.s32 @!p0 $0x1082;
	s9 =	sld [smem:$0x3FB3]  }
0x2f: {  	lr =	sadd.s32 s0, s3;
	s0 =	sld [smem:$0x3FAA]  }
0x30: {  	s3 =	sld [smem:$0x3FAD]  }
0x31: {  	[smem:$0x3FB6] =	sst s10  }
0x32: {  	s10 =	sld [smem:$0x3FB4];
	_ =	sdelay $0x3  }
0x33: {  	p0 =	seq.s32 s10, $0x1;
	s10 =	sld [smem:$0x3FB6];
	_ =	sdelay $0x3  }
0x34: {  	[smem:$0x3FB6] =	sst s10  }
0x35: {  	s10 =	sld [smem:$0x3FB5];
	_ =	sdelay $0x3  }
0x36: {  	p1 =	seq.s32 s10, $0x1;
	s10 =	sld [smem:$0x3FB6];
	_ =	sdelay $0x3  }
0x37: {  	[smem:$0x3FB6] =	sst s10  }
0x38: {  	s10 =	sld [smem:$0x3FB7]  }
0x39: {  	_ = 	snop;
	(pc) =	sbr.ind lr, $3  }
0x3a: {  	_ = 	snop  }
0x3b: {  	_ = 	snop  }
0x3c: {  	p2 =	seq.s32 s10, $0x1;
	s10 =	sld [smem:$0x3FB6]  }
0x3d: {  	_ =	shalt  }
0x3e: {  	_ =	shalt  }
0x3f: {  	_ =	shalt  }
0x40: {  	_ =	shalt  }
0x41: {  	_ =	shalt  }
0x42: {  	_ =	shalt  }
0x43: {  	_ =	shalt  }
0x44: {  	_ =	shalt  }
0x45: {  	_ =	shalt  }
0x46: {  	_ =	shalt  }
0x47: {  	_ =	shalt  }
0x48: {  	_ =	shalt  }
0x49: {  	_ =	shalt  }
0x4a: {  	_ =	shalt  }
0x4b: {  	_ =	shalt  }
0x4c: {  	_ =	shalt  }
0x4d: {  	_ =	shalt  }
0x4e: {  	_ =	shalt  }
0x4f: {  	_ =	shalt  }
0x50: {  	_ =	shalt  }
0x51: {  	_ =	shalt  }
0x52: {  	_ =	shalt  }
0x53: {  	_ =	shalt  }
0x54: {  	_ =	shalt  }
0x55: {  	_ =	shalt  }
0x56: {  	_ =	shalt  }
0x57: {  	_ =	shalt  }
0x58: {  	_ =	shalt  }
0x59: {  	_ =	shalt  }
0x5a: {  	_ =	shalt  }
0x5b: {  	_ =	shalt  }
0x5c: {  	_ =	shalt  }
0x5d: {  	_ =	shalt  }
0x5e: {  	_ =	shalt  }
0x5f: {  	_ =	shalt  }
0x60: {  	_ =	shalt  }
0x61: {  	_ =	shalt  }
0x62: {  	_ =	shalt  }
0x63: {  	_ =	shalt  }
0x64: {  	_ =	shalt  }
0x65: {  	_ =	shalt  }
0x66: {  	_ =	shalt  }
0x67: {  	_ =	shalt  }
0x68: {  	_ =	shalt  }
0x69: {  	_ =	shalt  }
0x6a: {  	_ =	shalt  }
0x6b: {  	_ =	shalt  }
0x6c: {  	_ =	shalt  }
0x6d: {  	_ =	shalt  }
0x6e: {  	_ =	shalt  }
0x6f: {  	_ =	shalt  }
0x70: {  	_ =	shalt  }
0x71: {  	_ =	shalt  }
0x72: {  	_ =	shalt  }
0x73: {  	_ =	shalt  }
0x74: {  	_ =	shalt  }
0x75: {  	_ =	shalt  }
0x76: {  	_ =	shalt  }
0x77: {  	_ =	shalt  }
0x78: {  	_ =	shalt  }
0x79: {  	_ =	shalt  }
0x7a: {  	_ =	shalt  }
0x7b: {  	_ =	shalt  }
0x7c: {  	_ =	shalt  }
0x7d: {  	_ =	shalt  }
0x7e: {  	_ =	shalt  }
0x7f: {  	_ =	shalt  }
0x80: {  	_ =	shalt  }
0x81: {  	_ =	shalt  }
0x82: {  	_ =	shalt  }
0x83: {  	_ =	shalt  }
0x84: {  	_ =	shalt  }
0x85: {  	_ =	shalt  }
0x86: {  	_ =	shalt  }
0x87: {  	_ =	shalt  }
.Lfunc_end0:
.L_simem_size_0:
called_computation_lowered:
.L_overlay_start_0:
0x88: {  	s2 =	sld [smem:$0x3FD9]  }
0x89: {  	s3 =	sld [smem:$0x3FFE];
	_ =	sdelay $0x1  }
0x8a: {  	s1 =	srdreg.scid  }
0x8b: {  	s0 =	sand.u32 $0x1, s1  }
0x8c: {  	s14 =	sshll.u32 s0, $0xA;
	s2 =	sadd.s32 s3, s2  }
0x8d: {  	s2 =	sadd.s32 s2, s14  }
0x8e: {  	[smem:$0x3FC2] =	sst s2  }
0x8f: {  	_ = 	snop  }
0x90: {  	s2 =	sld [smem:$0x3FD0];
	_ =	sdelay $0x2  }
0x91: {  	s4 =	simm.s32 $0xA;
	s5 =	simm.s32 $0x10;
	s15 =	sld [smem:$0x3FC9]  }
0x92: {  	[smem:s5], [sflag:s4] =	dma.local [hbm:s2], $0x1  }
0x93: {  	_ =	swait.eq [sflag:s4], $0x1  }
0x94: {  	[sflag:s4] =	ssyncset.done $0x0  }
0x95: {  	[sflag:s4] =	ssyncadd.s32 $0xFFFFFFFF  }
0x96: {  	s16 =	sld [smem:$0x10];
	(tm) =	ssettm $0x1  }
0x97: {  	s17 =	sld [smem:$0x3FFB];
	_ =	sdelay $0x3  }
0x98: {  	_ =	strace s17  }
0x99: {  	s4 =	sld [smem:$0x3FFC];
	_ =	sdelay $0x3  }
0x9a: {  	_ =	strace s4  }
0x9b: {  	s4 =	sld [smem:$0x3FFD];
	_ =	sdelay $0x3  }
0x9c: {  	_ =	strace s4  }
0x9d: {  	_ =	strace $0x8FFFFFFF  }
0x9e: {  	s18 =	sld [smem:$0x3FDB];
	_ =	sdelay $0x1  }
0x9f: {  	s19 =	simm.s32 $_scs_section_size  }
0xa0: {  	s6 =	simm.s32 $_size__tile_overlayer_lowered;
	s7 =	simm.s32 $_tile_overlayer_lowered  }
0xa1: {  	s22 =	simm.s32 $0x1BFF;
	s21 =	sshll.u32 s7, $0x1;
	s4 =	sadd.s32 s19, s18  }
0xa2: {  	s8 =	simm.s32 $0x0;
	s20 =	sshll.u32 s6, $0x1;
	s6 =	sadd.s32 s21, s4  }
0xa3: {  	[timem:s8], [sflag:s22] =	dma.local [hbm:s6], s20  }
0xa4: {  	_ =	swait.ge [sflag:s22], s20  }
0xa5: {  	s5 =	ssub.s32 $0x0, s20;
	[sflag:s22] =	ssyncset.done $0x0  }
0xa6: {  	[sflag:s22] =	ssyncadd.s32 s5;
	_ =	sdelay $0x1  }
0xa7: {  	s23 =	simm.s32 $0x1B8B  }
0xa8: {  	_ =	swait.ge [sflag:s23], $0x1  }
0xa9: {  	[sflag:s23] =	ssyncset.done $0x0  }
0xaa: {  	s25 =	simm.s32 $0x1B8E;
	s24 =	sld [smem:$0x3FFE];
	[sflag:s23] =	ssyncadd.s32 $0xFFFFFFFF  }
0xab: {  	s26 =	simm.s32 $execute0_lowered;
	[smem:$0x3FD2] =	sst s25  }
0xac: {  	s6 =	sshll.u32 s26, $0x1;
	_ =	strace $0x80000046;
	[dreg:$0x1] =	wrdreg $0xFFFFFFFF  }
0xad: {  	s28 =	simm.s32 $_size_execute0_lowered;
	s4 =	sadd.s32 s4, s6;
	[dreg:$0x0] =	wrdreg $0x0  }
0xae: {  	s6 =	sshll.u32 s28, $0x1;
	[dreg:$0x2] =	wrdreg s4  }
0xaf: {  	[dreg:$0x3] =	wrdreg s6  }
0xb0: {  	[dreg:$0x4] =	wrdreg $0xC0  }
0xb1: {  	_ =	task [dreg:s8], $0x5FFFF  }
0xb2: {  	[dreg:$0x1] =	wrdreg $0xFFFFFFFF  }
0xb3: {  	[dreg:$0x0] =	wrdreg $0x60  }
0xb4: {  	[dreg:$0x2] =	wrdreg s15  }
0xb5: {  	[dreg:$0x3] =	wrdreg s24  }
0xb6: {  	[dreg:$0x4] =	wrdreg s16  }
0xb7: {  	[dreg:$0x5] =	wrdreg $0x9  }
0xb8: {  	_ =	task.clear_ibuf [dreg:s8], $0x6FFFF;
	_ =	strace $0x90000046  }
0xb9: {  	s29 =	simm.s32 $0x9;
	_ =	strace $0x80000048  }
0xba: {  	_ =	swait.ge [sflag:s29], $0x1  }
0xbb: {  	[sflag:s29] =	ssyncadd.s32 $0xFFFFFFFF  }
0xbc: {  	_ =	strace $0x90000048  }
0xbd: {  	_ =	sfence  }
0xbe: {  	s30 =	sld [smem:$0x0];
	_ =	sdelay $0x2  }
0xbf: {  	s31 =	sshll.u32 s1, $0xD;
	s1 =	sshrl.u32 s1, $0x2  }
0xc0: {  	s3 =	sand.u32 $0x4000, s31;
	s1 =	sadd.s32 s1, s30  }
0xc1: {  	s0 =	sor.u32 s3, s0;
	s1 =	sshll.u32 s1, $0x11  }
0xc2: {  	s0 =	sor.u32 s1, s0  }
0xc3: {  	s0 =	sadd.s32 $0x8F2B, s0  }
0xc4: {  	[sflag:s0] =	ssyncadd.remote.s32 $0x1  }
0xc5: {  	_ =	sfence.sel $0xFFFF  }
0xc6: {  	[dreg:$0x0] =	wrdreg $0xFFFFFFFF;
	(pc) =	sbr.abs _section_cstart, $3  }
0xc7: {  	[dreg:$0x1] =	wrdreg $0xFFFFFFFF  }
0xc8: {  	_ =	task.clear_ibuf [dreg:s8], $0x2FFFF;
	_ =	strace $0x9FFFFFFF  }
0xc9: {  	(tm) =	ssettm $0x7FFFFFFF  }
tec
execute0_lowered:
.L_overlay_start_1:
0x0: {  	(tag) =	ssettag $0x1  }
0x1: {  	s0 =	rddreg [dreg:$0x0];
	s2 =	srdreg.scid  }
0x2: {  	s1 =	rddreg [dreg:$0x1];
	s3 =	stileid.u32;
	s4 =	sand.u32 $0x1, s2  }
0x3: {  	s5 =	sshll.u32 s3, $0x8;
	s3 =	simm.s32 $0x0;
	s11 =	sadd.s32 $0x800, s1  }
0x4: {  	s12 =	sadd.s32 $0xA00, s1;
	s6 =	sshll.u32 s4, $0x7;
	[smem:$0x7FF] =	sst s3  }
0x5: {  	s10 =	sor.u32 s6, s5;
	_ =	strace $0x80000047;
	s6 =	sadd.s32 $0xE00, s1  }
0x6: {  	s5 =	sshrl.u32 s10, $0x3;
	s19 =	sshll.u32 s10, $0x8;
	s7 =	sor.u32 $0x10, s10  }
0x7: {  	s25 =	sor.u32 $0x20, s10;
	s2 =	sor.u32 $0x30, s10;
	s18 =	sadd.s32 s11, s5  }
0x8: {  	s16 =	sor.u32 $0x40, s10;
	s5 =	sadd.s32 s12, s5;
	[dreg:$0x4] =	wrdreg s18  }
0x9: {  	s20 =	sadd.s32 s0, s19;
	s21 =	sshrl.u32 s7, $0x3;
	[dreg:$0x5] =	wrdreg s5  }
0xa: {  	s24 =	sshll.u32 s7, $0x8;
	[dreg:$0x6] =	wrdreg s20;
	s22 =	sadd.s32 s11, s21  }
0xb: {  	s28 =	sshrl.u32 s25, $0x3;
	s23 =	sadd.s32 s12, s21;
	[dreg:$0x7] =	wrdreg s22  }
0xc: {  	s31 =	sshll.u32 s25, $0x8;
	s26 =	sadd.s32 s0, s24;
	[dreg:$0x8] =	wrdreg s23  }
0xd: {  	s9 =	sshrl.u32 s2, $0x3;
	s29 =	sadd.s32 s11, s28;
	[dreg:$0x9] =	wrdreg s26  }
0xe: {  	s15 =	sshll.u32 s2, $0x8;
	s30 =	sadd.s32 s12, s28;
	[dreg:$0xa] =	wrdreg s29  }
0xf: {  	s8 =	sadd.s32 s0, s31;
	s13 =	sadd.s32 s11, s9;
	[dreg:$0xb] =	wrdreg s30  }
0x10: {  	s14 =	sadd.s32 s12, s9;
	s17 =	sadd.s32 s0, s15;
	[dreg:$0xc] =	wrdreg s8  }
0x11: {  	s18 =	sshrl.u32 s16, $0x3;
	s21 =	sshll.u32 s16, $0x8;
	[dreg:$0xd] =	wrdreg s13  }
0x12: {  	s5 =	sadd.s32 $0xD00, s1;
	[dreg:$0xe] =	wrdreg s14;
	s8 =	ssub.s32 $0x2, s4  }
0x13: {  	[dreg:$0xf] =	wrdreg s17;
	s19 =	sadd.s32 s11, s18;
	s4 =	sadd.s32 $0xC00, s1  }
0x14: {  	s20 =	sadd.s32 s12, s18;
	s22 =	sor.u32 $0x50, s10;
	s23 =	sadd.s32 s0, s21  }
0x15: {  	s26 =	sor.u32 $0x60, s10;
	s29 =	sor.u32 $0x70, s10;
	[dreg:$0x10] =	wrdreg s19  }
0x16: {  	s10 =	sadd.s32 $0x1200, s1;
	s18 =	simm.s32 $0x80;
	[dreg:$0x11] =	wrdreg s20  }
0x17: {  	s9 =	sshrl.u32 s8, $0x1;
	s13 =	sshrl.u32 s22, $0x3;
	[dreg:$0x12] =	wrdreg s23  }
0x18: {  	s7 =	sshll.u32 s22, $0x8;
	s15 =	sshrl.u32 s26, $0x3;
	s30 =	sshrl.u32 s29, $0x3  }
0x19: {  	s31 =	sshll.u32 s29, $0x8;
	s22 =	simm.s32 $0x1;
	s23 =	simm.s32 $0x3  }
0x1a: {  	s19 =	simm.s32 $0x8200;
	s14 =	ssub.s32 s8, s9;
	s24 =	sadd.s32 s11, s13  }
0x1b: {  	s25 =	sadd.s32 s12, s13;
	s28 =	sadd.s32 s0, s7;
	[dreg:$0x13] =	wrdreg s24  }
0x1c: {  	s7 =	sadd.s32 $0xF00, s1;
	s16 =	sadd.s32 s11, s15;
	[dreg:$0x14] =	wrdreg s25  }
0x1d: {  	s8 =	sadd.s32 $0x1000, s1;
	s9 =	sadd.s32 $0x1100, s1;
	[dreg:$0x15] =	wrdreg s28  }
0x1e: {  	s15 =	sadd.s32 s12, s15;
	s13 =	sshll.u32 s26, $0x8;
	[dreg:$0x16] =	wrdreg s16  }
0x1f: {  	s11 =	sadd.s32 s11, s30;
	s12 =	sadd.s32 s12, s30;
	[dreg:$0x17] =	wrdreg s15  }
0x20: {  	s13 =	sadd.s32 s0, s13;
	[dreg:$0x19] =	wrdreg s11;
	s11 =	sadd.s32 $0x1300, s1  }
0x21: {  	v3 =	vlaneseq.u32;
	[dreg:$0x1a] =	wrdreg s12;
	s0 =	sadd.s32 s0, s31;
	s12 =	smax.u32 s14, $0x1  }
0x22: {  	vm0 =	vmmov $0xffff;
	v0 =	vmul.u32 $0x80, v3;
	v2 =	vshrl.u32 v3, $0x3;
	s24 =	simm.s32 $0x2;
	s25 =	simm.s32 $0x4;
	[dreg:$0x18] =	wrdreg s13  }
0x23: {  	v1 =	vand.u32 $0x7, v3;
	v3 =	vor.u32 $0x8, v3;
	v2 =	vmul.u32 $0x8, v2;
	s14 =	simm.s32 $0x10;
	[dreg:$0x1b] =	wrdreg s0;
	s13 =	simm.s32 $0x5  }
.LBB2_1:
0x24: {  	s26 =	rddreg [dreg:$0x4]  }
0x25: {  	[tilespmem:s3], [sflag:$0x5] =	stream.linear.gather [hbm4b:s26+s3], $0x10, $0x38;
	[tilespmem:$0x11200] =	vst v63  }
0x26: {  	_ =	swait.ge [sflag:s13], $0x10  }
0x27: {  	[sflag:s13] =	ssyncset.done $0x0  }
0x28: {  	s1 =	simm.s32 $0x100;
	s20 =	rddreg [dreg:$0x5];
	[sflag:s13] =	ssyncadd.s32 $0xFFFFFFF0  }
0x29: {  	[tilespmem:s1], [sflag:$0x5] =	stream.linear.gather [hbm4b:s20+s3], $0x10, $0x38;
	[tilespmem:$0x11200] =	vst v63  }
0x2a: {  	_ =	swait.ge [sflag:s13], $0x10  }
0x2b: {  	[sflag:s13] =	ssyncset.done $0x0  }
0x2c: {  	s16 =	simm.s32 $0x200;
	s21 =	rddreg [dreg:$0x6];
	[sflag:s13] =	ssyncadd.s32 $0xFFFFFFF0  }
0x2d: {  	[tilespmem:s16], [sflag:$0x5] =	stream.linear.gather [hbm4b:s21+s3], $0x8000, $0x38;
	[tilespmem:$0x11200] =	vst v63  }
0x2e: {  	_ =	swait.ge [sflag:s13], $0x8000  }
0x2f: {  	[sflag:s13] =	ssyncset.done $0x0  }
0x30: {  	[sflag:s13] =	ssyncadd.s32 $0xFFFF8000  }
0x31: {  	v4 =	vld [tilespmem:$0x100];
	_ =	sdelay $0x3  }
0x32: {  	s0 =	simm.s32 $0x10200  }
0x33: {  	[tilespmem:v0+s0+$0x0] =	vst.idx.msk $0xffff, v4  }
0x34: {  	v4 =	vld [tilespmem:$0x0];
	_ =	sdelay $0x4  }
0x35: {  	v5 =	vshll.u32 v4, $0x4  }
0x36: {  	v4 =	vand.u32 $0x7, v4;
	v5 =	vand.u32 $0xFFFFFF80, v5  }
0x37: {  	v4 =	vor.u32 v4, v5  }
0x38: {  	v5 =	vperm.xlane v4, v1;
	_ =	sdelay $0x1  }
0x39: {  	v5 =	vadd.s32 v2, v5;
	_ =	sdelay $0x4  }
0x3a: {  	[hbm4b:s4+s3] =	stream.indirect_vreg.scatter [tilespmem:s16], [sflag:$0x1], $0x80, v5, vm0, $0xb8;
	[tilespmem:$0x11200] =	vst v63  }
0x3b: {  	s26 =	simm.s32 $0xA00  }
0x3c: {  	[hbm4b:s5+s3] =	stream.indirect_vreg.scatter [tilespmem:s26], [sflag:$0x1], $0x80, v5, vm0, $0xb8;
	[tilespmem:$0x11200] =	vst v63  }
0x3d: {  	s28 =	simm.s32 $0x1200  }
0x3e: {  	[hbm4b:s6+s3] =	stream.indirect_vreg.scatter [tilespmem:s28], [sflag:$0x1], $0x80, v5, vm0, $0xb8;
	[tilespmem:$0x11200] =	vst v63  }
0x3f: {  	s29 =	simm.s32 $0x1A00  }
0x40: {  	[hbm4b:s7+s3] =	stream.indirect_vreg.scatter [tilespmem:s29], [sflag:$0x1], $0x80, v5, vm0, $0xb8;
	[tilespmem:$0x11200] =	vst v63  }
0x41: {  	s30 =	simm.s32 $0x2200  }
0x42: {  	[hbm4b:s8+s3] =	stream.indirect_vreg.scatter [tilespmem:s30], [sflag:$0x1], $0x80, v5, vm0, $0xb8;
	[tilespmem:$0x11200] =	vst v63  }
0x43: {  	s31 =	simm.s32 $0x2A00;
	v4 =	vperm.xlane v4, v3  }
0x44: {  	[hbm4b:s9+s3] =	stream.indirect_vreg.scatter [tilespmem:s31], [sflag:$0x1], $0x80, v5, vm0, $0xb8;
	[tilespmem:$0x11200] =	vst v63  }
0x45: {  	s2 =	simm.s32 $0x3200;
	v4 =	vadd.s32 v2, v4  }
0x46: {  	[hbm4b:s10+s3] =	stream.indirect_vreg.scatter [tilespmem:s2], [sflag:$0x1], $0x80, v5, vm0, $0xb8;
	[tilespmem:$0x11200] =	vst v63  }
0x47: {  	s15 =	simm.s32 $0x3A00  }
0x48: {  	[hbm4b:s11+s3] =	stream.indirect_vreg.scatter [tilespmem:s15], [sflag:$0x1], $0x80, v5, vm0, $0xb8;
	[tilespmem:$0x11200] =	vst v63  }
0x49: {  	s26 =	simm.s32 $0x4200  }
0x4a: {  	[hbm4b:s4+s3] =	stream.indirect_vreg.scatter [tilespmem:s26], [sflag:$0x1], $0x80, v4, vm0, $0xb8;
	[tilespmem:$0x11200] =	vst v63  }
0x4b: {  	s28 =	simm.s32 $0x4A00  }
0x4c: {  	[hbm4b:s5+s3] =	stream.indirect_vreg.scatter [tilespmem:s28], [sflag:$0x1], $0x80, v4, vm0, $0xb8;
	[tilespmem:$0x11200] =	vst v63  }
0x4d: {  	s29 =	simm.s32 $0x5200  }
0x4e: {  	[hbm4b:s6+s3] =	stream.indirect_vreg.scatter [tilespmem:s29], [sflag:$0x1], $0x80, v4, vm0, $0xb8;
	[tilespmem:$0x11200] =	vst v63  }
0x4f: {  	s30 =	simm.s32 $0x5A00  }
0x50: {  	[hbm4b:s7+s3] =	stream.indirect_vreg.scatter [tilespmem:s30], [sflag:$0x1], $0x80, v4, vm0, $0xb8;
	[tilespmem:$0x11200] =	vst v63  }
0x51: {  	s31 =	simm.s32 $0x6200  }
0x52: {  	[hbm4b:s8+s3] =	stream.indirect_vreg.scatter [tilespmem:s31], [sflag:$0x1], $0x80, v4, vm0, $0xb8;
	[tilespmem:$0x11200] =	vst v63  }
0x53: {  	s2 =	simm.s32 $0x6A00  }
0x54: {  	[hbm4b:s9+s3] =	stream.indirect_vreg.scatter [tilespmem:s2], [sflag:$0x1], $0x80, v4, vm0, $0xb8;
	[tilespmem:$0x11200] =	vst v63  }
0x55: {  	s15 =	simm.s32 $0x7200  }
0x56: {  	[hbm4b:s10+s3] =	stream.indirect_vreg.scatter [tilespmem:s15], [sflag:$0x1], $0x80, v4, vm0, $0xb8;
	[tilespmem:$0x11200] =	vst v63  }
0x57: {  	s26 =	simm.s32 $0x7A00  }
0x58: {  	[hbm4b:s11+s3] =	stream.indirect_vreg.scatter [tilespmem:s26], [sflag:$0x1], $0x80, v4, vm0, $0xb8;
	[tilespmem:$0x11200] =	vst v63  }
0x59: {  	s15 =	rddreg [dreg:$0x2]  }
0x5a: {  	[hbm4b:s15+s14] =	stream.indirect.scatter [tilespmem:s0], [sflag:$0x3], $0x80, s3, s14, $0xb8;
	[tilespmem:$0x11200] =	vst v63  }
0x5b: {  	s28 =	rddreg [dreg:$0x7]  }
0x5c: {  	[tilespmem:s18], [sflag:$0x5] =	stream.linear.gather [hbm4b:s28+s3], $0x10, $0x38;
	[tilespmem:$0x11200] =	vst v63  }
0x5d: {  	_ =	swait.ge [sflag:s13], $0x10  }
0x5e: {  	[sflag:s13] =	ssyncset.done $0x0  }
0x5f: {  	s2 =	simm.s32 $0x180;
	s29 =	rddreg [dreg:$0x8];
	[sflag:s13] =	ssyncadd.s32 $0xFFFFFFF0  }
0x60: {  	[tilespmem:s2], [sflag:$0x5] =	stream.linear.gather [hbm4b:s29+s3], $0x10, $0x38;
	[tilespmem:$0x11200] =	vst v63  }
0x61: {  	_ =	swait.ge [sflag:s13], $0x10  }
0x62: {  	[sflag:s13] =	ssyncset.done $0x0  }
0x63: {  	s30 =	rddreg [dreg:$0x9];
	[sflag:s13] =	ssyncadd.s32 $0xFFFFFFF0  }
0x64: {  	[tilespmem:s19], [sflag:$0x5] =	stream.linear.gather [hbm4b:s30+s3], $0x8000, $0x38;
	[tilespmem:$0x11200] =	vst v63  }
0x65: {  	_ =	swait.ge [sflag:s13], $0x8000  }
0x66: {  	[sflag:s13] =	ssyncset.done $0x0  }
0x67: {  	[sflag:s13] =	ssyncadd.s32 $0xFFFF8000  }
0x68: {  	v4 =	vld [tilespmem:$0x180];
	_ =	sdelay $0x3  }
0x69: {  	s1 =	simm.s32 $0x10A00  }
0x6a: {  	[tilespmem:v0+s1+$0x0] =	vst.idx.msk $0xffff, v4  }
0x6b: {  	v4 =	vld [tilespmem:$0x80];
	_ =	sdelay $0x4  }
0x6c: {  	v5 =	vshll.u32 v4, $0x4  }
0x6d: {  	v4 =	vand.u32 $0x7, v4;
	v5 =	vand.u32 $0xFFFFFF80, v5  }
0x6e: {  	v4 =	vor.u32 v4, v5  }
0x6f: {  	v5 =	vperm.xlane v4, v1;
	_ =	sdelay $0x1  }
0x70: {  	v5 =	vadd.s32 v2, v5;
	_ =	sdelay $0x4  }
0x71: {  	[hbm4b:s4+s3] =	stream.indirect_vreg.scatter [tilespmem:s19], [sflag:$0x2], $0x80, v5, vm0, $0xb8;
	[tilespmem:$0x11200] =	vst v63  }
0x72: {  	s31 =	simm.s32 $0x8A00  }
0x73: {  	[hbm4b:s5+s3] =	stream.indirect_vreg.scatter [tilespmem:s31], [sflag:$0x2], $0x80, v5, vm0, $0xb8;
	[tilespmem:$0x11200] =	vst v63  }
0x74: {  	s2 =	simm.s32 $0x9200  }
0x75: {  	[hbm4b:s6+s3] =	stream.indirect_vreg.scatter [tilespmem:s2], [sflag:$0x2], $0x80, v5, vm0, $0xb8;
	[tilespmem:$0x11200] =	vst v63  }
0x76: {  	s28 =	simm.s32 $0x9A00  }
0x77: {  	[hbm4b:s7+s3] =	stream.indirect_vreg.scatter [tilespmem:s28], [sflag:$0x2], $0x80, v5, vm0, $0xb8;
	[tilespmem:$0x11200] =	vst v63  }
0x78: {  	s29 =	simm.s32 $0xA200  }
0x79: {  	[hbm4b:s8+s3] =	stream.indirect_vreg.scatter [tilespmem:s29], [sflag:$0x2], $0x80, v5, vm0, $0xb8;
	[tilespmem:$0x11200] =	vst v63  }
0x7a: {  	s30 =	simm.s32 $0xAA00;
	v4 =	vperm.xlane v4, v3  }
0x7b: {  	[hbm4b:s9+s3] =	stream.indirect_vreg.scatter [tilespmem:s30], [sflag:$0x2], $0x80, v5, vm0, $0xb8;
	[tilespmem:$0x11200] =	vst v63  }
0x7c: {  	v4 =	vadd.s32 v2, v4;
	s31 =	simm.s32 $0xB200  }
0x7d: {  	[hbm4b:s10+s3] =	stream.indirect_vreg.scatter [tilespmem:s31], [sflag:$0x2], $0x80, v5, vm0, $0xb8;
	[tilespmem:$0x11200] =	vst v63  }
0x7e: {  	s2 =	simm.s32 $0xBA00  }
0x7f: {  	[hbm4b:s11+s3] =	stream.indirect_vreg.scatter [tilespmem:s2], [sflag:$0x2], $0x80, v5, vm0, $0xb8;
	[tilespmem:$0x11200] =	vst v63  }
0x80: {  	s28 =	simm.s32 $0xC200  }
0x81: {  	[hbm4b:s4+s3] =	stream.indirect_vreg.scatter [tilespmem:s28], [sflag:$0x2], $0x80, v4, vm0, $0xb8;
	[tilespmem:$0x11200] =	vst v63  }
0x82: {  	s29 =	simm.s32 $0xCA00  }
0x83: {  	[hbm4b:s5+s3] =	stream.indirect_vreg.scatter [tilespmem:s29], [sflag:$0x2], $0x80, v4, vm0, $0xb8;
	[tilespmem:$0x11200] =	vst v63  }
0x84: {  	s30 =	simm.s32 $0xD200  }
0x85: {  	[hbm4b:s6+s3] =	stream.indirect_vreg.scatter [tilespmem:s30], [sflag:$0x2], $0x80, v4, vm0, $0xb8;
	[tilespmem:$0x11200] =	vst v63  }
0x86: {  	s31 =	simm.s32 $0xDA00  }
0x87: {  	[hbm4b:s7+s3] =	stream.indirect_vreg.scatter [tilespmem:s31], [sflag:$0x2], $0x80, v4, vm0, $0xb8;
	[tilespmem:$0x11200] =	vst v63  }
0x88: {  	s2 =	simm.s32 $0xE200  }
0x89: {  	[hbm4b:s8+s3] =	stream.indirect_vreg.scatter [tilespmem:s2], [sflag:$0x2], $0x80, v4, vm0, $0xb8;
	[tilespmem:$0x11200] =	vst v63  }
0x8a: {  	s28 =	simm.s32 $0xEA00  }
0x8b: {  	[hbm4b:s9+s3] =	stream.indirect_vreg.scatter [tilespmem:s28], [sflag:$0x2], $0x80, v4, vm0, $0xb8;
	[tilespmem:$0x11200] =	vst v63  }
0x8c: {  	s29 =	simm.s32 $0xF200  }
0x8d: {  	[hbm4b:s10+s3] =	stream.indirect_vreg.scatter [tilespmem:s29], [sflag:$0x2], $0x80, v4, vm0, $0xb8;
	[tilespmem:$0x11200] =	vst v63  }
0x8e: {  	s30 =	simm.s32 $0xFA00  }
0x8f: {  	[hbm4b:s11+s3] =	stream.indirect_vreg.scatter [tilespmem:s30], [sflag:$0x2], $0x80, v4, vm0, $0xb8;
	[tilespmem:$0x11200] =	vst v63  }
0x90: {  	_ = 	snop  }
0x91: {  	[hbm4b:s15+s14] =	stream.indirect.scatter [tilespmem:s1], [sflag:$0x4], $0x80, s18, s14, $0xb8;
	[tilespmem:$0x11200] =	vst v63  }
0x92: {  	_ =	swait.ge [sflag:s22], $0x8000  }
0x93: {  	[sflag:s22] =	ssyncset.done $0x0  }
0x94: {  	[sflag:s22] =	ssyncadd.s32 $0xFFFF8000  }
0x95: {  	_ =	swait.ge [sflag:s23], $0x800  }
0x96: {  	[sflag:s23] =	ssyncset.done $0x0  }
0x97: {  	s31 =	rddreg [dreg:$0xa];
	[sflag:s23] =	ssyncadd.s32 $0xFFFFF800  }
0x98: {  	[tilespmem:s3], [sflag:$0x5] =	stream.linear.gather [hbm4b:s31+s3], $0x10, $0x38;
	[tilespmem:$0x11200] =	vst v63  }
0x99: {  	_ =	swait.ge [sflag:s13], $0x10  }
0x9a: {  	[sflag:s13] =	ssyncset.done $0x0  }
0x9b: {  	s17 =	simm.s32 $0x100;
	s2 =	rddreg [dreg:$0xb];
	[sflag:s13] =	ssyncadd.s32 $0xFFFFFFF0  }
0x9c: {  	[tilespmem:s17], [sflag:$0x5] =	stream.linear.gather [hbm4b:s2+s3], $0x10, $0x38;
	[tilespmem:$0x11200] =	vst v63  }
0x9d: {  	_ =	swait.ge [sflag:s13], $0x10  }
0x9e: {  	[sflag:s13] =	ssyncset.done $0x0  }
0x9f: {  	s17 =	rddreg [dreg:$0xc];
	[sflag:s13] =	ssyncadd.s32 $0xFFFFFFF0  }
0xa0: {  	[tilespmem:s16], [sflag:$0x5] =	stream.linear.gather [hbm4b:s17+s3], $0x8000, $0x38;
	[tilespmem:$0x11200] =	vst v63  }
0xa1: {  	_ =	swait.ge [sflag:s13], $0x8000  }
0xa2: {  	[sflag:s13] =	ssyncset.done $0x0  }
0xa3: {  	[sflag:s13] =	ssyncadd.s32 $0xFFFF8000  }
0xa4: {  	v4 =	vld [tilespmem:$0x100];
	_ =	sdelay $0x4  }
0xa5: {  	[tilespmem:v0+s0+$0x0] =	vst.idx.msk $0xffff, v4  }
0xa6: {  	v4 =	vld [tilespmem:$0x0];
	_ =	sdelay $0x4  }
0xa7: {  	v5 =	vshll.u32 v4, $0x4  }
0xa8: {  	v4 =	vand.u32 $0x7, v4;
	v5 =	vand.u32 $0xFFFFFF80, v5  }
0xa9: {  	v4 =	vor.u32 v4, v5  }
0xaa: {  	v5 =	vperm.xlane v4, v1;
	_ =	sdelay $0x1  }
0xab: {  	v5 =	vadd.s32 v2, v5;
	_ =	sdelay $0x4  }
0xac: {  	[hbm4b:s4+s3] =	stream.indirect_vreg.scatter [tilespmem:s16], [sflag:$0x1], $0x80, v5, vm0, $0xb8;
	[tilespmem:$0x11200] =	vst v63  }
0xad: {  	s17 =	simm.s32 $0xA00  }
0xae: {  	[hbm4b:s5+s3] =	stream.indirect_vreg.scatter [tilespmem:s17], [sflag:$0x1], $0x80, v5, vm0, $0xb8;
	[tilespmem:$0x11200] =	vst v63  }
0xaf: {  	s28 =	simm.s32 $0x1200  }
0xb0: {  	[hbm4b:s6+s3] =	stream.indirect_vreg.scatter [tilespmem:s28], [sflag:$0x1], $0x80, v5, vm0, $0xb8;
	[tilespmem:$0x11200] =	vst v63  }
0xb1: {  	s29 =	simm.s32 $0x1A00  }
0xb2: {  	[hbm4b:s7+s3] =	stream.indirect_vreg.scatter [tilespmem:s29], [sflag:$0x1], $0x80, v5, vm0, $0xb8;
	[tilespmem:$0x11200] =	vst v63  }
0xb3: {  	s20 =	simm.s32 $0x2200  }
0xb4: {  	[hbm4b:s8+s3] =	stream.indirect_vreg.scatter [tilespmem:s20], [sflag:$0x1], $0x80, v5, vm0, $0xb8;
	[tilespmem:$0x11200] =	vst v63  }
0xb5: {  	s21 =	simm.s32 $0x2A00;
	v4 =	vperm.xlane v4, v3  }
0xb6: {  	[hbm4b:s9+s3] =	stream.indirect_vreg.scatter [tilespmem:s21], [sflag:$0x1], $0x80, v5, vm0, $0xb8;
	[tilespmem:$0x11200] =	vst v63  }
0xb7: {  	s30 =	simm.s32 $0x3200;
	v4 =	vadd.s32 v2, v4  }
0xb8: {  	[hbm4b:s10+s3] =	stream.indirect_vreg.scatter [tilespmem:s30], [sflag:$0x1], $0x80, v5, vm0, $0xb8;
	[tilespmem:$0x11200] =	vst v63  }
0xb9: {  	s31 =	simm.s32 $0x3A00  }
0xba: {  	[hbm4b:s11+s3] =	stream.indirect_vreg.scatter [tilespmem:s31], [sflag:$0x1], $0x80, v5, vm0, $0xb8;
	[tilespmem:$0x11200] =	vst v63  }
0xbb: {  	s20 =	simm.s32 $0x4200  }
0xbc: {  	[hbm4b:s4+s3] =	stream.indirect_vreg.scatter [tilespmem:s20], [sflag:$0x1], $0x80, v4, vm0, $0xb8;
	[tilespmem:$0x11200] =	vst v63  }
0xbd: {  	s21 =	simm.s32 $0x4A00  }
0xbe: {  	[hbm4b:s5+s3] =	stream.indirect_vreg.scatter [tilespmem:s21], [sflag:$0x1], $0x80, v4, vm0, $0xb8;
	[tilespmem:$0x11200] =	vst v63  }
0xbf: {  	s26 =	simm.s32 $0x5200  }
0xc0: {  	[hbm4b:s6+s3] =	stream.indirect_vreg.scatter [tilespmem:s26], [sflag:$0x1], $0x80, v4, vm0, $0xb8;
	[tilespmem:$0x11200] =	vst v63  }
0xc1: {  	s26 =	simm.s32 $0x5A00  }
0xc2: {  	[hbm4b:s7+s3] =	stream.indirect_vreg.scatter [tilespmem:s26], [sflag:$0x1], $0x80, v4, vm0, $0xb8;
	[tilespmem:$0x11200] =	vst v63  }
0xc3: {  	s26 =	simm.s32 $0x6200  }
0xc4: {  	[hbm4b:s8+s3] =	stream.indirect_vreg.scatter [tilespmem:s26], [sflag:$0x1], $0x80, v4, vm0, $0xb8;
	[tilespmem:$0x11200] =	vst v63  }
0xc5: {  	s26 =	simm.s32 $0x6A00  }
0xc6: {  	[hbm4b:s9+s3] =	stream.indirect_vreg.scatter [tilespmem:s26], [sflag:$0x1], $0x80, v4, vm0, $0xb8;
	[tilespmem:$0x11200] =	vst v63  }
0xc7: {  	s26 =	simm.s32 $0x7200  }
0xc8: {  	[hbm4b:s10+s3] =	stream.indirect_vreg.scatter [tilespmem:s26], [sflag:$0x1], $0x80, v4, vm0, $0xb8;
	[tilespmem:$0x11200] =	vst v63  }
0xc9: {  	s26 =	simm.s32 $0x7A00  }
0xca: {  	[hbm4b:s11+s3] =	stream.indirect_vreg.scatter [tilespmem:s26], [sflag:$0x1], $0x80, v4, vm0, $0xb8;
	[tilespmem:$0x11200] =	vst v63  }
0xcb: {  	_ = 	snop  }
0xcc: {  	[hbm4b:s15+s14] =	stream.indirect.scatter [tilespmem:s0], [sflag:$0x3], $0x80, s3, s14, $0xb8;
	[tilespmem:$0x11200] =	vst v63  }
0xcd: {  	_ =	swait.ge [sflag:s24], $0x8000  }
0xce: {  	[sflag:s24] =	ssyncset.done $0x0  }
0xcf: {  	[sflag:s24] =	ssyncadd.s32 $0xFFFF8000  }
0xd0: {  	_ =	swait.ge [sflag:s25], $0x800  }
0xd1: {  	[sflag:s25] =	ssyncset.done $0x0  }
0xd2: {  	s2 =	rddreg [dreg:$0xd];
	[sflag:s25] =	ssyncadd.s32 $0xFFFFF800  }
0xd3: {  	[tilespmem:s18], [sflag:$0x5] =	stream.linear.gather [hbm4b:s2+s3], $0x10, $0x38;
	[tilespmem:$0x11200] =	vst v63  }
0xd4: {  	_ =	swait.ge [sflag:s13], $0x10  }
0xd5: {  	[sflag:s13] =	ssyncset.done $0x0  }
0xd6: {  	s2 =	simm.s32 $0x180;
	s26 =	rddreg [dreg:$0xe];
	[sflag:s13] =	ssyncadd.s32 $0xFFFFFFF0  }
0xd7: {  	[tilespmem:s2], [sflag:$0x5] =	stream.linear.gather [hbm4b:s26+s3], $0x10, $0x38;
	[tilespmem:$0x11200] =	vst v63  }
0xd8: {  	_ =	swait.ge [sflag:s13], $0x10  }
0xd9: {  	[sflag:s13] =	ssyncset.done $0x0  }
0xda: {  	s2 =	rddreg [dreg:$0xf];
	[sflag:s13] =	ssyncadd.s32 $0xFFFFFFF0  }
0xdb: {  	[tilespmem:s19], [sflag:$0x5] =	stream.linear.gather [hbm4b:s2+s3], $0x8000, $0x38;
	[tilespmem:$0x11200] =	vst v63  }
0xdc: {  	_ =	swait.ge [sflag:s13], $0x8000  }
0xdd: {  	[sflag:s13] =	ssyncset.done $0x0  }
0xde: {  	[sflag:s13] =	ssyncadd.s32 $0xFFFF8000  }
0xdf: {  	v4 =	vld [tilespmem:$0x180];
	_ =	sdelay $0x4  }
0xe0: {  	[tilespmem:v0+s1+$0x0] =	vst.idx.msk $0xffff, v4  }
0xe1: {  	v4 =	vld [tilespmem:$0x80];
	_ =	sdelay $0x4  }
0xe2: {  	v5 =	vshll.u32 v4, $0x4  }
0xe3: {  	v4 =	vand.u32 $0x7, v4;
	v5 =	vand.u32 $0xFFFFFF80, v5  }
0xe4: {  	v4 =	vor.u32 v4, v5  }
0xe5: {  	v5 =	vperm.xlane v4, v1;
	_ =	sdelay $0x1  }
0xe6: {  	v5 =	vadd.s32 v2, v5;
	_ =	sdelay $0x4  }
0xe7: {  	[hbm4b:s4+s3] =	stream.indirect_vreg.scatter [tilespmem:s19], [sflag:$0x2], $0x80, v5, vm0, $0xb8;
	[tilespmem:$0x11200] =	vst v63  }
0xe8: {  	s26 =	simm.s32 $0x8A00  }
0xe9: {  	[hbm4b:s5+s3] =	stream.indirect_vreg.scatter [tilespmem:s26], [sflag:$0x2], $0x80, v5, vm0, $0xb8;
	[tilespmem:$0x11200] =	vst v63  }
0xea: {  	s26 =	simm.s32 $0x9200  }
0xeb: {  	[hbm4b:s6+s3] =	stream.indirect_vreg.scatter [tilespmem:s26], [sflag:$0x2], $0x80, v5, vm0, $0xb8;
	[tilespmem:$0x11200] =	vst v63  }
0xec: {  	s26 =	simm.s32 $0x9A00  }
0xed: {  	[hbm4b:s7+s3] =	stream.indirect_vreg.scatter [tilespmem:s26], [sflag:$0x2], $0x80, v5, vm0, $0xb8;
	[tilespmem:$0x11200] =	vst v63  }
0xee: {  	s26 =	simm.s32 $0xA200  }
0xef: {  	[hbm4b:s8+s3] =	stream.indirect_vreg.scatter [tilespmem:s26], [sflag:$0x2], $0x80, v5, vm0, $0xb8;
	[tilespmem:$0x11200] =	vst v63  }
0xf0: {  	v4 =	vperm.xlane v4, v3;
	s26 =	simm.s32 $0xAA00  }
0xf1: {  	[hbm4b:s9+s3] =	stream.indirect_vreg.scatter [tilespmem:s26], [sflag:$0x2], $0x80, v5, vm0, $0xb8;
	[tilespmem:$0x11200] =	vst v63  }
0xf2: {  	v4 =	vadd.s32 v2, v4;
	s26 =	simm.s32 $0xB200  }
0xf3: {  	[hbm4b:s10+s3] =	stream.indirect_vreg.scatter [tilespmem:s26], [sflag:$0x2], $0x80, v5, vm0, $0xb8;
	[tilespmem:$0x11200] =	vst v63  }
0xf4: {  	s26 =	simm.s32 $0xBA00  }
0xf5: {  	[hbm4b:s11+s3] =	stream.indirect_vreg.scatter [tilespmem:s26], [sflag:$0x2], $0x80, v5, vm0, $0xb8;
	[tilespmem:$0x11200] =	vst v63  }
0xf6: {  	s26 =	simm.s32 $0xC200  }
0xf7: {  	[hbm4b:s4+s3] =	stream.indirect_vreg.scatter [tilespmem:s26], [sflag:$0x2], $0x80, v4, vm0, $0xb8;
	[tilespmem:$0x11200] =	vst v63  }
0xf8: {  	s26 =	simm.s32 $0xCA00  }
0xf9: {  	[hbm4b:s5+s3] =	stream.indirect_vreg.scatter [tilespmem:s26], [sflag:$0x2], $0x80, v4, vm0, $0xb8;
	[tilespmem:$0x11200] =	vst v63  }
0xfa: {  	s26 =	simm.s32 $0xD200  }
0xfb: {  	[hbm4b:s6+s3] =	stream.indirect_vreg.scatter [tilespmem:s26], [sflag:$0x2], $0x80, v4, vm0, $0xb8;
	[tilespmem:$0x11200] =	vst v63  }
0xfc: {  	s26 =	simm.s32 $0xDA00  }
0xfd: {  	[hbm4b:s7+s3] =	stream.indirect_vreg.scatter [tilespmem:s26], [sflag:$0x2], $0x80, v4, vm0, $0xb8;
	[tilespmem:$0x11200] =	vst v63  }
0xfe: {  	s26 =	simm.s32 $0xE200  }
0xff: {  	[hbm4b:s8+s3] =	stream.indirect_vreg.scatter [tilespmem:s26], [sflag:$0x2], $0x80, v4, vm0, $0xb8;
	[tilespmem:$0x11200] =	vst v63  }
0x100: {  	s26 =	simm.s32 $0xEA00  }
0x101: {  	[hbm4b:s9+s3] =	stream.indirect_vreg.scatter [tilespmem:s26], [sflag:$0x2], $0x80, v4, vm0, $0xb8;
	[tilespmem:$0x11200] =	vst v63  }
0x102: {  	s26 =	simm.s32 $0xF200  }
0x103: {  	[hbm4b:s10+s3] =	stream.indirect_vreg.scatter [tilespmem:s26], [sflag:$0x2], $0x80, v4, vm0, $0xb8;
	[tilespmem:$0x11200] =	vst v63  }
0x104: {  	s26 =	simm.s32 $0xFA00  }
0x105: {  	[hbm4b:s11+s3] =	stream.indirect_vreg.scatter [tilespmem:s26], [sflag:$0x2], $0x80, v4, vm0, $0xb8;
	[tilespmem:$0x11200] =	vst v63  }
0x106: {  	_ = 	snop  }
0x107: {  	[hbm4b:s15+s14] =	stream.indirect.scatter [tilespmem:s1], [sflag:$0x4], $0x80, s18, s14, $0xb8;
	[tilespmem:$0x11200] =	vst v63  }
0x108: {  	_ =	swait.ge [sflag:s22], $0x8000  }
0x109: {  	[sflag:s22] =	ssyncset.done $0x0  }
0x10a: {  	[sflag:s22] =	ssyncadd.s32 $0xFFFF8000  }
0x10b: {  	_ =	swait.ge [sflag:s23], $0x800  }
0x10c: {  	[sflag:s23] =	ssyncset.done $0x0  }
0x10d: {  	s2 =	rddreg [dreg:$0x10];
	[sflag:s23] =	ssyncadd.s32 $0xFFFFF800  }
0x10e: {  	[tilespmem:s3], [sflag:$0x5] =	stream.linear.gather [hbm4b:s2+s3], $0x10, $0x38;
	[tilespmem:$0x11200] =	vst v63  }
0x10f: {  	_ =	swait.ge [sflag:s13], $0x10  }
0x110: {  	[sflag:s13] =	ssyncset.done $0x0  }
0x111: {  	s2 =	simm.s32 $0x100;
	s26 =	rddreg [dreg:$0x11];
	[sflag:s13] =	ssyncadd.s32 $0xFFFFFFF0  }
0x112: {  	[tilespmem:s2], [sflag:$0x5] =	stream.linear.gather [hbm4b:s26+s3], $0x10, $0x38;
	[tilespmem:$0x11200] =	vst v63  }
0x113: {  	_ =	swait.ge [sflag:s13], $0x10  }
0x114: {  	[sflag:s13] =	ssyncset.done $0x0  }
0x115: {  	s2 =	rddreg [dreg:$0x12];
	[sflag:s13] =	ssyncadd.s32 $0xFFFFFFF0  }
0x116: {  	[tilespmem:s16], [sflag:$0x5] =	stream.linear.gather [hbm4b:s2+s3], $0x8000, $0x38;
	[tilespmem:$0x11200] =	vst v63  }
0x117: {  	_ =	swait.ge [sflag:s13], $0x8000  }
0x118: {  	[sflag:s13] =	ssyncset.done $0x0  }
0x119: {  	[sflag:s13] =	ssyncadd.s32 $0xFFFF8000  }
0x11a: {  	v4 =	vld [tilespmem:$0x100];
	_ =	sdelay $0x4  }
0x11b: {  	[tilespmem:v0+s0+$0x0] =	vst.idx.msk $0xffff, v4  }
0x11c: {  	v4 =	vld [tilespmem:$0x0];
	_ =	sdelay $0x4  }
0x11d: {  	v5 =	vshll.u32 v4, $0x4  }
0x11e: {  	v4 =	vand.u32 $0x7, v4;
	v5 =	vand.u32 $0xFFFFFF80, v5  }
0x11f: {  	v4 =	vor.u32 v4, v5  }
0x120: {  	v5 =	vperm.xlane v4, v1;
	_ =	sdelay $0x1  }
0x121: {  	v5 =	vadd.s32 v2, v5;
	_ =	sdelay $0x4  }
0x122: {  	[hbm4b:s4+s3] =	stream.indirect_vreg.scatter [tilespmem:s16], [sflag:$0x1], $0x80, v5, vm0, $0xb8;
	[tilespmem:$0x11200] =	vst v63  }
0x123: {  	_ = 	snop  }
0x124: {  	[hbm4b:s5+s3] =	stream.indirect_vreg.scatter [tilespmem:s17], [sflag:$0x1], $0x80, v5, vm0, $0xb8;
	[tilespmem:$0x11200] =	vst v63  }
0x125: {  	_ = 	snop  }
0x126: {  	[hbm4b:s6+s3] =	stream.indirect_vreg.scatter [tilespmem:s28], [sflag:$0x1], $0x80, v5, vm0, $0xb8;
	[tilespmem:$0x11200] =	vst v63  }
0x127: {  	_ = 	snop  }
0x128: {  	[hbm4b:s7+s3] =	stream.indirect_vreg.scatter [tilespmem:s29], [sflag:$0x1], $0x80, v5, vm0, $0xb8;
	[tilespmem:$0x11200] =	vst v63  }
0x129: {  	s26 =	simm.s32 $0x2200  }
0x12a: {  	[hbm4b:s8+s3] =	stream.indirect_vreg.scatter [tilespmem:s26], [sflag:$0x1], $0x80, v5, vm0, $0xb8;
	[tilespmem:$0x11200] =	vst v63  }
0x12b: {  	v4 =	vperm.xlane v4, v3;
	s29 =	simm.s32 $0x2A00  }
0x12c: {  	[hbm4b:s9+s3] =	stream.indirect_vreg.scatter [tilespmem:s29], [sflag:$0x1], $0x80, v5, vm0, $0xb8;
	[tilespmem:$0x11200] =	vst v63  }
0x12d: {  	v4 =	vadd.s32 v2, v4  }
0x12e: {  	[hbm4b:s10+s3] =	stream.indirect_vreg.scatter [tilespmem:s30], [sflag:$0x1], $0x80, v5, vm0, $0xb8;
	[tilespmem:$0x11200] =	vst v63  }
0x12f: {  	_ = 	snop  }
0x130: {  	[hbm4b:s11+s3] =	stream.indirect_vreg.scatter [tilespmem:s31], [sflag:$0x1], $0x80, v5, vm0, $0xb8;
	[tilespmem:$0x11200] =	vst v63  }
0x131: {  	_ = 	snop  }
0x132: {  	[hbm4b:s4+s3] =	stream.indirect_vreg.scatter [tilespmem:s20], [sflag:$0x1], $0x80, v4, vm0, $0xb8;
	[tilespmem:$0x11200] =	vst v63  }
0x133: {  	_ = 	snop  }
0x134: {  	[hbm4b:s5+s3] =	stream.indirect_vreg.scatter [tilespmem:s21], [sflag:$0x1], $0x80, v4, vm0, $0xb8;
	[tilespmem:$0x11200] =	vst v63  }
0x135: {  	s31 =	simm.s32 $0x5200  }
0x136: {  	[hbm4b:s6+s3] =	stream.indirect_vreg.scatter [tilespmem:s31], [sflag:$0x1], $0x80, v4, vm0, $0xb8;
	[tilespmem:$0x11200] =	vst v63  }
0x137: {  	s2 =	simm.s32 $0x5A00  }
0x138: {  	[hbm4b:s7+s3] =	stream.indirect_vreg.scatter [tilespmem:s2], [sflag:$0x1], $0x80, v4, vm0, $0xb8;
	[tilespmem:$0x11200] =	vst v63  }
0x139: {  	s2 =	simm.s32 $0x6200  }
0x13a: {  	[hbm4b:s8+s3] =	stream.indirect_vreg.scatter [tilespmem:s2], [sflag:$0x1], $0x80, v4, vm0, $0xb8;
	[tilespmem:$0x11200] =	vst v63  }
0x13b: {  	s2 =	simm.s32 $0x6A00  }
0x13c: {  	[hbm4b:s9+s3] =	stream.indirect_vreg.scatter [tilespmem:s2], [sflag:$0x1], $0x80, v4, vm0, $0xb8;
	[tilespmem:$0x11200] =	vst v63  }
0x13d: {  	s2 =	simm.s32 $0x7200  }
0x13e: {  	[hbm4b:s10+s3] =	stream.indirect_vreg.scatter [tilespmem:s2], [sflag:$0x1], $0x80, v4, vm0, $0xb8;
	[tilespmem:$0x11200] =	vst v63  }
0x13f: {  	s2 =	simm.s32 $0x7A00  }
0x140: {  	[hbm4b:s11+s3] =	stream.indirect_vreg.scatter [tilespmem:s2], [sflag:$0x1], $0x80, v4, vm0, $0xb8;
	[tilespmem:$0x11200] =	vst v63  }
0x141: {  	_ = 	snop  }
0x142: {  	[hbm4b:s15+s14] =	stream.indirect.scatter [tilespmem:s0], [sflag:$0x3], $0x80, s3, s14, $0xb8;
	[tilespmem:$0x11200] =	vst v63  }
0x143: {  	_ =	swait.ge [sflag:s24], $0x8000  }
0x144: {  	[sflag:s24] =	ssyncset.done $0x0  }
0x145: {  	[sflag:s24] =	ssyncadd.s32 $0xFFFF8000  }
0x146: {  	_ =	swait.ge [sflag:s25], $0x800  }
0x147: {  	[sflag:s25] =	ssyncset.done $0x0  }
0x148: {  	s2 =	rddreg [dreg:$0x13];
	[sflag:s25] =	ssyncadd.s32 $0xFFFFF800  }
0x149: {  	[tilespmem:s18], [sflag:$0x5] =	stream.linear.gather [hbm4b:s2+s3], $0x10, $0x38;
	[tilespmem:$0x11200] =	vst v63  }
0x14a: {  	_ =	swait.ge [sflag:s13], $0x10  }
0x14b: {  	[sflag:s13] =	ssyncset.done $0x0  }
0x14c: {  	s2 =	simm.s32 $0x180;
	s26 =	rddreg [dreg:$0x14];
	[sflag:s13] =	ssyncadd.s32 $0xFFFFFFF0  }
0x14d: {  	[tilespmem:s2], [sflag:$0x5] =	stream.linear.gather [hbm4b:s26+s3], $0x10, $0x38;
	[tilespmem:$0x11200] =	vst v63  }
0x14e: {  	_ =	swait.ge [sflag:s13], $0x10  }
0x14f: {  	[sflag:s13] =	ssyncset.done $0x0  }
0x150: {  	s2 =	rddreg [dreg:$0x15];
	[sflag:s13] =	ssyncadd.s32 $0xFFFFFFF0  }
0x151: {  	[tilespmem:s19], [sflag:$0x5] =	stream.linear.gather [hbm4b:s2+s3], $0x8000, $0x38;
	[tilespmem:$0x11200] =	vst v63  }
0x152: {  	_ =	swait.ge [sflag:s13], $0x8000  }
0x153: {  	[sflag:s13] =	ssyncset.done $0x0  }
0x154: {  	[sflag:s13] =	ssyncadd.s32 $0xFFFF8000  }
0x155: {  	v4 =	vld [tilespmem:$0x180];
	_ =	sdelay $0x4  }
0x156: {  	[tilespmem:v0+s1+$0x0] =	vst.idx.msk $0xffff, v4  }
0x157: {  	v4 =	vld [tilespmem:$0x80];
	_ =	sdelay $0x4  }
0x158: {  	v5 =	vshll.u32 v4, $0x4  }
0x159: {  	v4 =	vand.u32 $0x7, v4;
	v5 =	vand.u32 $0xFFFFFF80, v5  }
0x15a: {  	v4 =	vor.u32 v4, v5  }
0x15b: {  	v5 =	vperm.xlane v4, v1;
	_ =	sdelay $0x1  }
0x15c: {  	v5 =	vadd.s32 v2, v5;
	_ =	sdelay $0x4  }
0x15d: {  	[hbm4b:s4+s3] =	stream.indirect_vreg.scatter [tilespmem:s19], [sflag:$0x2], $0x80, v5, vm0, $0xb8;
	[tilespmem:$0x11200] =	vst v63  }
0x15e: {  	s2 =	simm.s32 $0x8A00  }
0x15f: {  	[hbm4b:s5+s3] =	stream.indirect_vreg.scatter [tilespmem:s2], [sflag:$0x2], $0x80, v5, vm0, $0xb8;
	[tilespmem:$0x11200] =	vst v63  }
0x160: {  	s2 =	simm.s32 $0x9200  }
0x161: {  	[hbm4b:s6+s3] =	stream.indirect_vreg.scatter [tilespmem:s2], [sflag:$0x2], $0x80, v5, vm0, $0xb8;
	[tilespmem:$0x11200] =	vst v63  }
0x162: {  	s2 =	simm.s32 $0x9A00  }
0x163: {  	[hbm4b:s7+s3] =	stream.indirect_vreg.scatter [tilespmem:s2], [sflag:$0x2], $0x80, v5, vm0, $0xb8;
	[tilespmem:$0x11200] =	vst v63  }
0x164: {  	s2 =	simm.s32 $0xA200  }
0x165: {  	[hbm4b:s8+s3] =	stream.indirect_vreg.scatter [tilespmem:s2], [sflag:$0x2], $0x80, v5, vm0, $0xb8;
	[tilespmem:$0x11200] =	vst v63  }
0x166: {  	v4 =	vperm.xlane v4, v3;
	s2 =	simm.s32 $0xAA00  }
0x167: {  	[hbm4b:s9+s3] =	stream.indirect_vreg.scatter [tilespmem:s2], [sflag:$0x2], $0x80, v5, vm0, $0xb8;
	[tilespmem:$0x11200] =	vst v63  }
0x168: {  	v4 =	vadd.s32 v2, v4;
	s2 =	simm.s32 $0xB200  }
0x169: {  	[hbm4b:s10+s3] =	stream.indirect_vreg.scatter [tilespmem:s2], [sflag:$0x2], $0x80, v5, vm0, $0xb8;
	[tilespmem:$0x11200] =	vst v63  }
0x16a: {  	s2 =	simm.s32 $0xBA00  }
0x16b: {  	[hbm4b:s11+s3] =	stream.indirect_vreg.scatter [tilespmem:s2], [sflag:$0x2], $0x80, v5, vm0, $0xb8;
	[tilespmem:$0x11200] =	vst v63  }
0x16c: {  	s2 =	simm.s32 $0xC200  }
0x16d: {  	[hbm4b:s4+s3] =	stream.indirect_vreg.scatter [tilespmem:s2], [sflag:$0x2], $0x80, v4, vm0, $0xb8;
	[tilespmem:$0x11200] =	vst v63  }
0x16e: {  	s2 =	simm.s32 $0xCA00  }
0x16f: {  	[hbm4b:s5+s3] =	stream.indirect_vreg.scatter [tilespmem:s2], [sflag:$0x2], $0x80, v4, vm0, $0xb8;
	[tilespmem:$0x11200] =	vst v63  }
0x170: {  	s2 =	simm.s32 $0xD200  }
0x171: {  	[hbm4b:s6+s3] =	stream.indirect_vreg.scatter [tilespmem:s2], [sflag:$0x2], $0x80, v4, vm0, $0xb8;
	[tilespmem:$0x11200] =	vst v63  }
0x172: {  	s2 =	simm.s32 $0xDA00  }
0x173: {  	[hbm4b:s7+s3] =	stream.indirect_vreg.scatter [tilespmem:s2], [sflag:$0x2], $0x80, v4, vm0, $0xb8;
	[tilespmem:$0x11200] =	vst v63  }
0x174: {  	s2 =	simm.s32 $0xE200  }
0x175: {  	[hbm4b:s8+s3] =	stream.indirect_vreg.scatter [tilespmem:s2], [sflag:$0x2], $0x80, v4, vm0, $0xb8;
	[tilespmem:$0x11200] =	vst v63  }
0x176: {  	s2 =	simm.s32 $0xEA00  }
0x177: {  	[hbm4b:s9+s3] =	stream.indirect_vreg.scatter [tilespmem:s2], [sflag:$0x2], $0x80, v4, vm0, $0xb8;
	[tilespmem:$0x11200] =	vst v63  }
0x178: {  	s2 =	simm.s32 $0xF200  }
0x179: {  	[hbm4b:s10+s3] =	stream.indirect_vreg.scatter [tilespmem:s2], [sflag:$0x2], $0x80, v4, vm0, $0xb8;
	[tilespmem:$0x11200] =	vst v63  }
0x17a: {  	s2 =	simm.s32 $0xFA00  }
0x17b: {  	[hbm4b:s11+s3] =	stream.indirect_vreg.scatter [tilespmem:s2], [sflag:$0x2], $0x80, v4, vm0, $0xb8;
	[tilespmem:$0x11200] =	vst v63  }
0x17c: {  	_ = 	snop  }
0x17d: {  	[hbm4b:s15+s14] =	stream.indirect.scatter [tilespmem:s1], [sflag:$0x4], $0x80, s18, s14, $0xb8;
	[tilespmem:$0x11200] =	vst v63  }
0x17e: {  	_ =	swait.ge [sflag:s22], $0x8000  }
0x17f: {  	[sflag:s22] =	ssyncset.done $0x0  }
0x180: {  	[sflag:s22] =	ssyncadd.s32 $0xFFFF8000  }
0x181: {  	_ =	swait.ge [sflag:s23], $0x800  }
0x182: {  	[sflag:s23] =	ssyncset.done $0x0  }
0x183: {  	s2 =	rddreg [dreg:$0x16];
	[sflag:s23] =	ssyncadd.s32 $0xFFFFF800  }
0x184: {  	[tilespmem:s3], [sflag:$0x5] =	stream.linear.gather [hbm4b:s2+s3], $0x10, $0x38;
	[tilespmem:$0x11200] =	vst v63  }
0x185: {  	_ =	swait.ge [sflag:s13], $0x10  }
0x186: {  	[sflag:s13] =	ssyncset.done $0x0  }
0x187: {  	s2 =	simm.s32 $0x100;
	s26 =	rddreg [dreg:$0x17];
	[sflag:s13] =	ssyncadd.s32 $0xFFFFFFF0  }
0x188: {  	[tilespmem:s2], [sflag:$0x5] =	stream.linear.gather [hbm4b:s26+s3], $0x10, $0x38;
	[tilespmem:$0x11200] =	vst v63  }
0x189: {  	_ =	swait.ge [sflag:s13], $0x10  }
0x18a: {  	[sflag:s13] =	ssyncset.done $0x0  }
0x18b: {  	s2 =	rddreg [dreg:$0x18];
	[sflag:s13] =	ssyncadd.s32 $0xFFFFFFF0  }
0x18c: {  	[tilespmem:s16], [sflag:$0x5] =	stream.linear.gather [hbm4b:s2+s3], $0x8000, $0x38;
	[tilespmem:$0x11200] =	vst v63  }
0x18d: {  	_ =	swait.ge [sflag:s13], $0x8000  }
0x18e: {  	[sflag:s13] =	ssyncset.done $0x0  }
0x18f: {  	[sflag:s13] =	ssyncadd.s32 $0xFFFF8000  }
0x190: {  	v4 =	vld [tilespmem:$0x100];
	_ =	sdelay $0x4  }
0x191: {  	[tilespmem:v0+s0+$0x0] =	vst.idx.msk $0xffff, v4  }
0x192: {  	v4 =	vld [tilespmem:$0x0];
	_ =	sdelay $0x4  }
0x193: {  	v5 =	vshll.u32 v4, $0x4  }
0x194: {  	v4 =	vand.u32 $0x7, v4;
	v5 =	vand.u32 $0xFFFFFF80, v5  }
0x195: {  	v4 =	vor.u32 v4, v5  }
0x196: {  	v5 =	vperm.xlane v4, v1;
	_ =	sdelay $0x1  }
0x197: {  	v5 =	vadd.s32 v2, v5;
	_ =	sdelay $0x4  }
0x198: {  	[hbm4b:s4+s3] =	stream.indirect_vreg.scatter [tilespmem:s16], [sflag:$0x1], $0x80, v5, vm0, $0xb8;
	[tilespmem:$0x11200] =	vst v63  }
0x199: {  	s17 =	simm.s32 $0xA00  }
0x19a: {  	[hbm4b:s5+s3] =	stream.indirect_vreg.scatter [tilespmem:s17], [sflag:$0x1], $0x80, v5, vm0, $0xb8;
	[tilespmem:$0x11200] =	vst v63  }
0x19b: {  	s2 =	simm.s32 $0x1200  }
0x19c: {  	[hbm4b:s6+s3] =	stream.indirect_vreg.scatter [tilespmem:s2], [sflag:$0x1], $0x80, v5, vm0, $0xb8;
	[tilespmem:$0x11200] =	vst v63  }
0x19d: {  	s28 =	simm.s32 $0x1A00  }
0x19e: {  	[hbm4b:s7+s3] =	stream.indirect_vreg.scatter [tilespmem:s28], [sflag:$0x1], $0x80, v5, vm0, $0xb8;
	[tilespmem:$0x11200] =	vst v63  }
0x19f: {  	s17 =	simm.s32 $0x2200  }
0x1a0: {  	[hbm4b:s8+s3] =	stream.indirect_vreg.scatter [tilespmem:s17], [sflag:$0x1], $0x80, v5, vm0, $0xb8;
	[tilespmem:$0x11200] =	vst v63  }
0x1a1: {  	s26 =	simm.s32 $0x2A00;
	v4 =	vperm.xlane v4, v3  }
0x1a2: {  	[hbm4b:s9+s3] =	stream.indirect_vreg.scatter [tilespmem:s26], [sflag:$0x1], $0x80, v5, vm0, $0xb8;
	[tilespmem:$0x11200] =	vst v63  }
0x1a3: {  	s29 =	simm.s32 $0x3200;
	v4 =	vadd.s32 v2, v4  }
0x1a4: {  	[hbm4b:s10+s3] =	stream.indirect_vreg.scatter [tilespmem:s29], [sflag:$0x1], $0x80, v5, vm0, $0xb8;
	[tilespmem:$0x11200] =	vst v63  }
0x1a5: {  	s30 =	simm.s32 $0x3A00  }
0x1a6: {  	[hbm4b:s11+s3] =	stream.indirect_vreg.scatter [tilespmem:s30], [sflag:$0x1], $0x80, v5, vm0, $0xb8;
	[tilespmem:$0x11200] =	vst v63  }
0x1a7: {  	s20 =	simm.s32 $0x4200  }
0x1a8: {  	[hbm4b:s4+s3] =	stream.indirect_vreg.scatter [tilespmem:s20], [sflag:$0x1], $0x80, v4, vm0, $0xb8;
	[tilespmem:$0x11200] =	vst v63  }
0x1a9: {  	s21 =	simm.s32 $0x4A00  }
0x1aa: {  	[hbm4b:s5+s3] =	stream.indirect_vreg.scatter [tilespmem:s21], [sflag:$0x1], $0x80, v4, vm0, $0xb8;
	[tilespmem:$0x11200] =	vst v63  }
0x1ab: {  	s31 =	simm.s32 $0x5200  }
0x1ac: {  	[hbm4b:s6+s3] =	stream.indirect_vreg.scatter [tilespmem:s31], [sflag:$0x1], $0x80, v4, vm0, $0xb8;
	[tilespmem:$0x11200] =	vst v63  }
0x1ad: {  	s28 =	simm.s32 $0x5A00  }
0x1ae: {  	[hbm4b:s7+s3] =	stream.indirect_vreg.scatter [tilespmem:s28], [sflag:$0x1], $0x80, v4, vm0, $0xb8;
	[tilespmem:$0x11200] =	vst v63  }
0x1af: {  	s29 =	simm.s32 $0x6200  }
0x1b0: {  	[hbm4b:s8+s3] =	stream.indirect_vreg.scatter [tilespmem:s29], [sflag:$0x1], $0x80, v4, vm0, $0xb8;
	[tilespmem:$0x11200] =	vst v63  }
0x1b1: {  	s30 =	simm.s32 $0x6A00  }
0x1b2: {  	[hbm4b:s9+s3] =	stream.indirect_vreg.scatter [tilespmem:s30], [sflag:$0x1], $0x80, v4, vm0, $0xb8;
	[tilespmem:$0x11200] =	vst v63  }
0x1b3: {  	s31 =	simm.s32 $0x7200  }
0x1b4: {  	[hbm4b:s10+s3] =	stream.indirect_vreg.scatter [tilespmem:s31], [sflag:$0x1], $0x80, v4, vm0, $0xb8;
	[tilespmem:$0x11200] =	vst v63  }
0x1b5: {  	s2 =	simm.s32 $0x7A00  }
0x1b6: {  	[hbm4b:s11+s3] =	stream.indirect_vreg.scatter [tilespmem:s2], [sflag:$0x1], $0x80, v4, vm0, $0xb8;
	[tilespmem:$0x11200] =	vst v63  }
0x1b7: {  	_ = 	snop  }
0x1b8: {  	[hbm4b:s15+s14] =	stream.indirect.scatter [tilespmem:s0], [sflag:$0x3], $0x80, s3, s14, $0xb8;
	[tilespmem:$0x11200] =	vst v63  }
0x1b9: {  	_ =	swait.ge [sflag:s24], $0x8000  }
0x1ba: {  	[sflag:s24] =	ssyncset.done $0x0  }
0x1bb: {  	[sflag:s24] =	ssyncadd.s32 $0xFFFF8000  }
0x1bc: {  	_ =	swait.ge [sflag:s25], $0x800  }
0x1bd: {  	[sflag:s25] =	ssyncset.done $0x0  }
0x1be: {  	s16 =	rddreg [dreg:$0x19];
	[sflag:s25] =	ssyncadd.s32 $0xFFFFF800  }
0x1bf: {  	[tilespmem:s18], [sflag:$0x5] =	stream.linear.gather [hbm4b:s16+s3], $0x10, $0x38;
	[tilespmem:$0x11200] =	vst v63  }
0x1c0: {  	_ =	swait.ge [sflag:s13], $0x10  }
0x1c1: {  	[sflag:s13] =	ssyncset.done $0x0  }
0x1c2: {  	s20 =	simm.s32 $0x180;
	s17 =	rddreg [dreg:$0x1a];
	[sflag:s13] =	ssyncadd.s32 $0xFFFFFFF0  }
0x1c3: {  	[tilespmem:s20], [sflag:$0x5] =	stream.linear.gather [hbm4b:s17+s3], $0x10, $0x38;
	[tilespmem:$0x11200] =	vst v63  }
0x1c4: {  	_ =	swait.ge [sflag:s13], $0x10  }
0x1c5: {  	[sflag:s13] =	ssyncset.done $0x0  }
0x1c6: {  	s21 =	rddreg [dreg:$0x1b];
	[sflag:s13] =	ssyncadd.s32 $0xFFFFFFF0  }
0x1c7: {  	[tilespmem:s19], [sflag:$0x5] =	stream.linear.gather [hbm4b:s21+s3], $0x8000, $0x38;
	[tilespmem:$0x11200] =	vst v63  }
0x1c8: {  	_ =	swait.ge [sflag:s13], $0x8000  }
0x1c9: {  	[sflag:s13] =	ssyncset.done $0x0  }
0x1ca: {  	[sflag:s13] =	ssyncadd.s32 $0xFFFF8000  }
0x1cb: {  	v4 =	vld [tilespmem:$0x180];
	_ =	sdelay $0x4  }
0x1cc: {  	[tilespmem:v0+s1+$0x0] =	vst.idx.msk $0xffff, v4  }
0x1cd: {  	v4 =	vld [tilespmem:$0x80];
	_ =	sdelay $0x4  }
0x1ce: {  	v5 =	vshll.u32 v4, $0x4  }
0x1cf: {  	v4 =	vand.u32 $0x7, v4;
	v5 =	vand.u32 $0xFFFFFF80, v5  }
0x1d0: {  	v4 =	vor.u32 v4, v5  }
0x1d1: {  	v5 =	vperm.xlane v4, v1;
	_ =	sdelay $0x1  }
0x1d2: {  	v5 =	vadd.s32 v2, v5;
	_ =	sdelay $0x4  }
0x1d3: {  	[hbm4b:s4+s3] =	stream.indirect_vreg.scatter [tilespmem:s19], [sflag:$0x2], $0x80, v5, vm0, $0xb8;
	[tilespmem:$0x11200] =	vst v63  }
0x1d4: {  	s26 =	simm.s32 $0x8A00  }
0x1d5: {  	[hbm4b:s5+s3] =	stream.indirect_vreg.scatter [tilespmem:s26], [sflag:$0x2], $0x80, v5, vm0, $0xb8;
	[tilespmem:$0x11200] =	vst v63  }
0x1d6: {  	s28 =	simm.s32 $0x9200  }
0x1d7: {  	[hbm4b:s6+s3] =	stream.indirect_vreg.scatter [tilespmem:s28], [sflag:$0x2], $0x80, v5, vm0, $0xb8;
	[tilespmem:$0x11200] =	vst v63  }
0x1d8: {  	s29 =	simm.s32 $0x9A00  }
0x1d9: {  	[hbm4b:s7+s3] =	stream.indirect_vreg.scatter [tilespmem:s29], [sflag:$0x2], $0x80, v5, vm0, $0xb8;
	[tilespmem:$0x11200] =	vst v63  }
0x1da: {  	s30 =	simm.s32 $0xA200  }
0x1db: {  	[hbm4b:s8+s3] =	stream.indirect_vreg.scatter [tilespmem:s30], [sflag:$0x2], $0x80, v5, vm0, $0xb8;
	[tilespmem:$0x11200] =	vst v63  }
0x1dc: {  	s31 =	simm.s32 $0xAA00;
	v4 =	vperm.xlane v4, v3  }
0x1dd: {  	[hbm4b:s9+s3] =	stream.indirect_vreg.scatter [tilespmem:s31], [sflag:$0x2], $0x80, v5, vm0, $0xb8;
	[tilespmem:$0x11200] =	vst v63  }
0x1de: {  	s2 =	simm.s32 $0xB200;
	v4 =	vadd.s32 v2, v4  }
0x1df: {  	[hbm4b:s10+s3] =	stream.indirect_vreg.scatter [tilespmem:s2], [sflag:$0x2], $0x80, v5, vm0, $0xb8;
	[tilespmem:$0x11200] =	vst v63  }
0x1e0: {  	s16 =	simm.s32 $0xBA00  }
0x1e1: {  	[hbm4b:s11+s3] =	stream.indirect_vreg.scatter [tilespmem:s16], [sflag:$0x2], $0x80, v5, vm0, $0xb8;
	[tilespmem:$0x11200] =	vst v63  }
0x1e2: {  	s17 =	simm.s32 $0xC200  }
0x1e3: {  	[hbm4b:s4+s3] =	stream.indirect_vreg.scatter [tilespmem:s17], [sflag:$0x2], $0x80, v4, vm0, $0xb8;
	[tilespmem:$0x11200] =	vst v63  }
0x1e4: {  	s20 =	simm.s32 $0xCA00  }
0x1e5: {  	[hbm4b:s5+s3] =	stream.indirect_vreg.scatter [tilespmem:s20], [sflag:$0x2], $0x80, v4, vm0, $0xb8;
	[tilespmem:$0x11200] =	vst v63  }
0x1e6: {  	s21 =	simm.s32 $0xD200  }
0x1e7: {  	[hbm4b:s6+s3] =	stream.indirect_vreg.scatter [tilespmem:s21], [sflag:$0x2], $0x80, v4, vm0, $0xb8;
	[tilespmem:$0x11200] =	vst v63  }
0x1e8: {  	s26 =	simm.s32 $0xDA00  }
0x1e9: {  	[hbm4b:s7+s3] =	stream.indirect_vreg.scatter [tilespmem:s26], [sflag:$0x2], $0x80, v4, vm0, $0xb8;
	[tilespmem:$0x11200] =	vst v63  }
0x1ea: {  	s28 =	simm.s32 $0xE200  }
0x1eb: {  	[hbm4b:s8+s3] =	stream.indirect_vreg.scatter [tilespmem:s28], [sflag:$0x2], $0x80, v4, vm0, $0xb8;
	[tilespmem:$0x11200] =	vst v63  }
0x1ec: {  	s29 =	simm.s32 $0xEA00  }
0x1ed: {  	[hbm4b:s9+s3] =	stream.indirect_vreg.scatter [tilespmem:s29], [sflag:$0x2], $0x80, v4, vm0, $0xb8;
	[tilespmem:$0x11200] =	vst v63  }
0x1ee: {  	s30 =	simm.s32 $0xF200  }
0x1ef: {  	[hbm4b:s10+s3] =	stream.indirect_vreg.scatter [tilespmem:s30], [sflag:$0x2], $0x80, v4, vm0, $0xb8;
	[tilespmem:$0x11200] =	vst v63  }
0x1f0: {  	s31 =	simm.s32 $0xFA00  }
0x1f1: {  	[hbm4b:s11+s3] =	stream.indirect_vreg.scatter [tilespmem:s31], [sflag:$0x2], $0x80, v4, vm0, $0xb8;
	[tilespmem:$0x11200] =	vst v63  }
0x1f2: {  	_ = 	snop  }
0x1f3: {  	[hbm4b:s15+s14] =	stream.indirect.scatter [tilespmem:s1], [sflag:$0x4], $0x80, s18, s14, $0xb8;
	[tilespmem:$0x11200] =	vst v63  }
0x1f4: {  	_ =	swait.ge [sflag:s22], $0x8000  }
0x1f5: {  	[sflag:s22] =	ssyncset.done $0x0  }
0x1f6: {  	[sflag:s22] =	ssyncadd.s32 $0xFFFF8000  }
0x1f7: {  	_ =	swait.ge [sflag:s23], $0x800  }
0x1f8: {  	[sflag:s23] =	ssyncset.done $0x0  }
0x1f9: {  	[sflag:s23] =	ssyncadd.s32 $0xFFFFF800  }
0x1fa: {  	p0 =	sne.s32 s12, $0x1;
	_ =	swait.ge [sflag:s24], $0x8000  }
.Ltmp0:
0x1fb: {  	[sflag:s24] =	ssyncset.done $0x0;
	(pc) =	sbr.rel @p0 .LBB2_1-.Ltmp0, $4  }
0x1fc: {  	[sflag:s24] =	ssyncadd.s32 $0xFFFF8000  }
0x1fd: {  	_ =	swait.ge [sflag:s25], $0x800  }
0x1fe: {  	[sflag:s25] =	ssyncset.done $0x0  }
0x1ff: {  	s12 =	sadd.s32 $0xFFFFFFFF, s12;
	[sflag:s25] =	ssyncadd.s32 $0xFFFFF800  }
0x200: {  	_ =	sfence.sel $0x180000  }
0x201: {  	[bflag:$0x0] =	sbarrier.arrive $0xFFFF  }
0x202: {  	_ =	strace $0x90000047  }
0x203: {  	s0 =	stileid.u32;
	[bflag:$0x2] =	sbarrier.arrive $0xFFFF  }
0x204: {  	p0 =	sne.s32 s0, $0x0;
	s0 =	rddreg [dreg:$0x3]  }
0x205: {  	s0 =	sadd.s32 @!p0 $0x100000, s0  }
0x206: {  	[sflag:s0] =	ssyncadd.tile.s32 @!p0 $0x1;
	_ =	shalt  }
.Lfunc_end2:
_tile_overlayer_lowered:
.L_overlay_start_2:
0x207: {  	(tag) =	ssettag $0x2  }
0x208: {  	s0 =	rddreg [dreg:$0x0];
	s2 =	stileid.u32  }
0x209: {  	s1 =	rddreg [dreg:$0x1];
	p0 =	sne.s32 s2, $0x0  }
0x20a: {  	s3 =	rddreg [dreg:$0x2];
	[bflag:$0x3] =	sbarrier.arrive $0xFFFF;
	s2 =	simm.s32 @!p0 $0x1C05  }
0x20b: {  	[timem:s3], [sflag:s2] =	dma.local @!p0 [hbm:s0], s1  }
0x20c: {  	s0 =	simm.s32 @!p0 $0x5  }
0x20d: {  	_ =	swait.ge @!p0 [sflag:s0], s1  }
0x20e: {  	s1 =	ssub.s32 @!p0 $0x0, s1;
	[sflag:s0] =	ssyncset.done @!p0 $0x0  }
0x20f: {  	[sflag:s0] =	ssyncadd.s32 @!p0 s1  }
0x210: {  	[bflag:$0x3] =	sbarrier.arrive $0xFFFF  }
0x211: {  	_ =	shalt  }

// kernel: kernel.9.cloned.1.call-start
scs
__scs_entry_jumppad:
0x0: {  	(pc) =	sbr.rel $0x88, $3  }
0x1: {  	(tag) =	ssettag $0x0;
	lr =	simm.s32 $0x1  }
0x2: {  	[smem:$0x3F9B] =	sst lr;
	_ =	strace $0xD0000000  }
0x3: {  	_ = 	snop  }
0x4: {  	_ = 	snop  }
0x5: {  	_ = 	snop  }
0x6: {  	_ = 	snop  }
0x7: {  	_ = 	snop  }
__scs_overlays_trampoline_lowered:
0x8: {  	[smem:$0x3FAA] =	sst s0  }
0x9: {  	[smem:$0x3FAB] =	sst s1  }
0xa: {  	[smem:$0x3FAC] =	sst s2  }
0xb: {  	[smem:$0x3FAD] =	sst s3  }
0xc: {  	[smem:$0x3FAE] =	sst s4  }
0xd: {  	[smem:$0x3FAF] =	sst s5  }
0xe: {  	[smem:$0x3FB0] =	sst s6  }
0xf: {  	[smem:$0x3FB1] =	sst s7  }
0x10: {  	[smem:$0x3FB2] =	sst s8  }
0x11: {  	[smem:$0x3FB3] =	sst s9;
	s0 =	simm.s32 @!p0 $0x0  }
0x12: {  	s1 =	sld [smem:$0x3F99];
	s0 =	simm.s32 @p0 $0x1  }
0x13: {  	[smem:$0x3FB4] =	sst s0;
	s0 =	simm.s32 @!p1 $0x0  }
0x14: {  	s2 =	sld [smem:$0x3F98];
	s0 =	simm.s32 @p1 $0x1  }
0x15: {  	[smem:$0x3FB5] =	sst s0;
	s0 =	simm.s32 @!p2 $0x0  }
0x16: {  	s3 =	sld [smem:$0x3FDB];
	s0 =	simm.s32 @p2 $0x1  }
0x17: {  	s4 =	simm.s32 $0x1BF5;
	[smem:$0x3FB7] =	sst s0  }
0x18: {  	s0 =	sld [smem:$0x3F9A];
	_ =	swait.ge [sflag:s4], $0x0  }
0x19: {  	s7 =	sld [smem:$0x3F9B]  }
0x1a: {  	s8 =	sadd.s32 $0xFFFFE003, lr  }
0x1b: {  	s9 =	sadd.s32 $0xFFFFFEF7, lr;
	s5 =	simm.s32 $0xFFFFFFFF;
	p2 =	slt.u32 s8, $0xFFFFF086  }
0x1c: {  	p1 =	slt.u32 s9, $0xF7A;
	s5 =	simm.s32 @!p2 $0x0  }
0x1d: {  	s5 =	simm.s32 @p1 $0x1;
	p0 =	seq.s32 s7, s2  }
0x1e: {  	s7 =	smul.u32 @!p0 $0xF7A, s2;
	p2 =	seq.s32 @!p0 s5, $0x0  }
0x1f: {  	s9 =	smul.u32 $0xF7A, s1;
	s8 =	simm.s32 @!p0 $0x1BF5;
	p2 =	por !p2, p0  }
0x20: {  	[sflag:s8] =	ssyncset.s32 @!p0 $0xFFFFF086;
	s6 =	sadd.s32 @!p0 s3, s7;
	s7 =	simm.s32 @!p0 $0x108  }
0x21: {  	s3 =	sadd.s32 s3, s9;
	s6 =	sadd.s32 @!p0 $0x88, s6;
	s7 =	simm.s32 @p2 $0x1082  }
0x22: {  	[simem:s7], [sflag:s8] =	dma.local @!p0 [hbm:s6], $0xF7A  }
0x23: {  	s9 =	sor.u32 $0xD0000000, s2;
	s6 =	simm.s32 $0x108;
	_ =	swait.ge @!p0 [sflag:s8], $0x0  }
0x24: {  	s3 =	sadd.s32 $0x88, s3;
	s6 =	simm.s32 @!p1 $0x1082;
	[sflag:s4] =	ssyncset.s32 $0xFFFFF086  }
0x25: {  	[simem:s6], [sflag:s4] =	dma.local [hbm:s3], $0xF7A  }
0x26: {  	[smem:$0x3F9B] =	sst s1;
	(tag) =	ssettag s2;
	_ =	strace s9  }
0x27: {  	s1 =	sld [smem:$0x3FAB]  }
0x28: {  	s2 =	sld [smem:$0x3FAC]  }
0x29: {  	s4 =	sld [smem:$0x3FAE]  }
0x2a: {  	p0 =	seq.s32 s5, $0x0;
	s5 =	sld [smem:$0x3FAF]  }
0x2b: {  	s6 =	sld [smem:$0x3FB0]  }
0x2c: {  	s7 =	sld [smem:$0x3FB1]  }
0x2d: {  	s3 =	simm.s32 $0x108;
	s8 =	sld [smem:$0x3FB2]  }
0x2e: {  	s3 =	simm.s32 @!p0 $0x1082;
	s9 =	sld [smem:$0x3FB3]  }
0x2f: {  	lr =	sadd.s32 s0, s3;
	s0 =	sld [smem:$0x3FAA]  }
0x30: {  	s3 =	sld [smem:$0x3FAD]  }
0x31: {  	[smem:$0x3FB6] =	sst s10  }
0x32: {  	s10 =	sld [smem:$0x3FB4];
	_ =	sdelay $0x3  }
0x33: {  	p0 =	seq.s32 s10, $0x1;
	s10 =	sld [smem:$0x3FB6];
	_ =	sdelay $0x3  }
0x34: {  	[smem:$0x3FB6] =	sst s10  }
0x35: {  	s10 =	sld [smem:$0x3FB5];
	_ =	sdelay $0x3  }
0x36: {  	p1 =	seq.s32 s10, $0x1;
	s10 =	sld [smem:$0x3FB6];
	_ =	sdelay $0x3  }
0x37: {  	[smem:$0x3FB6] =	sst s10  }
0x38: {  	s10 =	sld [smem:$0x3FB7]  }
0x39: {  	_ = 	snop;
	(pc) =	sbr.ind lr, $3  }
0x3a: {  	_ = 	snop  }
0x3b: {  	_ = 	snop  }
0x3c: {  	p2 =	seq.s32 s10, $0x1;
	s10 =	sld [smem:$0x3FB6]  }
0x3d: {  	_ =	shalt  }
0x3e: {  	_ =	shalt  }
0x3f: {  	_ =	shalt  }
0x40: {  	_ =	shalt  }
0x41: {  	_ =	shalt  }
0x42: {  	_ =	shalt  }
0x43: {  	_ =	shalt  }
0x44: {  	_ =	shalt  }
0x45: {  	_ =	shalt  }
0x46: {  	_ =	shalt  }
0x47: {  	_ =	shalt  }
0x48: {  	_ =	shalt  }
0x49: {  	_ =	shalt  }
0x4a: {  	_ =	shalt  }
0x4b: {  	_ =	shalt  }
0x4c: {  	_ =	shalt  }
0x4d: {  	_ =	shalt  }
0x4e: {  	_ =	shalt  }
0x4f: {  	_ =	shalt  }
0x50: {  	_ =	shalt  }
0x51: {  	_ =	shalt  }
0x52: {  	_ =	shalt  }
0x53: {  	_ =	shalt  }
0x54: {  	_ =	shalt  }
0x55: {  	_ =	shalt  }
0x56: {  	_ =	shalt  }
0x57: {  	_ =	shalt  }
0x58: {  	_ =	shalt  }
0x59: {  	_ =	shalt  }
0x5a: {  	_ =	shalt  }
0x5b: {  	_ =	shalt  }
0x5c: {  	_ =	shalt  }
0x5d: {  	_ =	shalt  }
0x5e: {  	_ =	shalt  }
0x5f: {  	_ =	shalt  }
0x60: {  	_ =	shalt  }
0x61: {  	_ =	shalt  }
0x62: {  	_ =	shalt  }
0x63: {  	_ =	shalt  }
0x64: {  	_ =	shalt  }
0x65: {  	_ =	shalt  }
0x66: {  	_ =	shalt  }
0x67: {  	_ =	shalt  }
0x68: {  	_ =	shalt  }
0x69: {  	_ =	shalt  }
0x6a: {  	_ =	shalt  }
0x6b: {  	_ =	shalt  }
0x6c: {  	_ =	shalt  }
0x6d: {  	_ =	shalt  }
0x6e: {  	_ =	shalt  }
0x6f: {  	_ =	shalt  }
0x70: {  	_ =	shalt  }
0x71: {  	_ =	shalt  }
0x72: {  	_ =	shalt  }
0x73: {  	_ =	shalt  }
0x74: {  	_ =	shalt  }
0x75: {  	_ =	shalt  }
0x76: {  	_ =	shalt  }
0x77: {  	_ =	shalt  }
0x78: {  	_ =	shalt  }
0x79: {  	_ =	shalt  }
0x7a: {  	_ =	shalt  }
0x7b: {  	_ =	shalt  }
0x7c: {  	_ =	shalt  }
0x7d: {  	_ =	shalt  }
0x7e: {  	_ =	shalt  }
0x7f: {  	_ =	shalt  }
0x80: {  	_ =	shalt  }
0x81: {  	_ =	shalt  }
0x82: {  	_ =	shalt  }
0x83: {  	_ =	shalt  }
0x84: {  	_ =	shalt  }
0x85: {  	_ =	shalt  }
0x86: {  	_ =	shalt  }
0x87: {  	_ =	shalt  }
.Lfunc_end0:
.L_simem_size_0:
called_computation.1_lowered:
.L_overlay_start_0:
0x88: {  	s2 =	sld [smem:$0x3FD9]  }
0x89: {  	s3 =	sld [smem:$0x3FFE];
	_ =	sdelay $0x1  }
0x8a: {  	s1 =	srdreg.scid  }
0x8b: {  	s0 =	sand.u32 $0x1, s1  }
0x8c: {  	s14 =	sshll.u32 s0, $0xA;
	s2 =	sadd.s32 s3, s2  }
0x8d: {  	s2 =	sadd.s32 s2, s14  }
0x8e: {  	[smem:$0x3FC2] =	sst s2  }
0x8f: {  	_ = 	snop  }
0x90: {  	s2 =	sld [smem:$0x3FD0];
	_ =	sdelay $0x2  }
0x91: {  	s15 =	simm.s32 $0xA;
	s4 =	simm.s32 $0x10  }
0x92: {  	[smem:s4], [sflag:s15] =	dma.local [hbm:s2], $0x1  }
0x93: {  	_ =	swait.eq [sflag:s15], $0x1  }
0x94: {  	[sflag:s15] =	ssyncset.done $0x0  }
0x95: {  	[sflag:s15] =	ssyncadd.s32 $0xFFFFFFFF  }
0x96: {  	s16 =	sld [smem:$0x10];
	(tm) =	ssettm $0x1  }
0x97: {  	s17 =	sld [smem:$0x3FFB];
	_ =	sdelay $0x3  }
0x98: {  	_ =	strace s17  }
0x99: {  	s3 =	sld [smem:$0x3FFC];
	_ =	sdelay $0x3  }
0x9a: {  	_ =	strace s3  }
0x9b: {  	s3 =	sld [smem:$0x3FFD];
	_ =	sdelay $0x3  }
0x9c: {  	_ =	strace s3  }
0x9d: {  	_ =	strace $0x8FFFFFFF  }
0x9e: {  	s18 =	sld [smem:$0x3FDB];
	_ =	sdelay $0x1  }
0x9f: {  	s19 =	simm.s32 $_scs_section_size  }
0xa0: {  	s5 =	simm.s32 $_size__tile_overlayer_lowered;
	s6 =	simm.s32 $_tile_overlayer_lowered  }
0xa1: {  	s22 =	simm.s32 $0x1BFF;
	s21 =	sshll.u32 s6, $0x1;
	s3 =	sadd.s32 s19, s18  }
0xa2: {  	s7 =	simm.s32 $0x0;
	s20 =	sshll.u32 s5, $0x1;
	s5 =	sadd.s32 s21, s3  }
0xa3: {  	[timem:s7], [sflag:s22] =	dma.local [hbm:s5], s20  }
0xa4: {  	_ =	swait.ge [sflag:s22], s20  }
0xa5: {  	s4 =	ssub.s32 $0x0, s20;
	[sflag:s22] =	ssyncset.done $0x0  }
0xa6: {  	[sflag:s22] =	ssyncadd.s32 s4;
	_ =	sdelay $0x1  }
0xa7: {  	s23 =	simm.s32 $0x1B8B  }
0xa8: {  	_ =	swait.ge [sflag:s23], $0x1  }
0xa9: {  	[sflag:s23] =	ssyncset.done $0x0  }
0xaa: {  	s25 =	simm.s32 $0x1B8E;
	s24 =	sld [smem:$0x3FFE];
	[sflag:s23] =	ssyncadd.s32 $0xFFFFFFFF  }
0xab: {  	s26 =	simm.s32 $execute0_lowered;
	[smem:$0x3FD2] =	sst s25  }
0xac: {  	s5 =	sshll.u32 s26, $0x1;
	_ =	strace $0x80000049;
	[dreg:$0x1] =	wrdreg $0xFFFFFFFF  }
0xad: {  	s28 =	simm.s32 $_size_execute0_lowered;
	s3 =	sadd.s32 s3, s5;
	[dreg:$0x0] =	wrdreg $0x0  }
0xae: {  	s5 =	sshll.u32 s28, $0x1;
	[dreg:$0x2] =	wrdreg s3  }
0xaf: {  	[dreg:$0x3] =	wrdreg s5  }
0xb0: {  	[dreg:$0x4] =	wrdreg $0xC0  }
0xb1: {  	_ =	task [dreg:s7], $0x5FFFF  }
0xb2: {  	[dreg:$0x1] =	wrdreg $0xFFFFFFFF  }
0xb3: {  	[dreg:$0x0] =	wrdreg $0x60  }
0xb4: {  	[dreg:$0x2] =	wrdreg s24  }
0xb5: {  	[dreg:$0x3] =	wrdreg s16  }
0xb6: {  	[dreg:$0x4] =	wrdreg $0x9  }
0xb7: {  	_ =	task.clear_ibuf [dreg:s7], $0x5FFFF;
	_ =	strace $0x90000049  }
0xb8: {  	s29 =	simm.s32 $0x9;
	_ =	strace $0x8000004B  }
0xb9: {  	_ =	swait.ge [sflag:s29], $0x1  }
0xba: {  	[sflag:s29] =	ssyncadd.s32 $0xFFFFFFFF  }
0xbb: {  	_ =	strace $0x9000004B  }
0xbc: {  	_ =	sfence  }
0xbd: {  	s30 =	sld [smem:$0x0];
	_ =	sdelay $0x2  }
0xbe: {  	s31 =	sshll.u32 s1, $0xD;
	s1 =	sshrl.u32 s1, $0x2  }
0xbf: {  	s3 =	sand.u32 $0x4000, s31;
	s1 =	sadd.s32 s1, s30  }
0xc0: {  	s0 =	sor.u32 s3, s0;
	s1 =	sshll.u32 s1, $0x11  }
0xc1: {  	s0 =	sor.u32 s1, s0  }
0xc2: {  	s0 =	sadd.s32 $0x8F2B, s0  }
0xc3: {  	[sflag:s0] =	ssyncadd.remote.s32 $0x1  }
0xc4: {  	_ =	sfence.sel $0xFFFF  }
0xc5: {  	[dreg:$0x0] =	wrdreg $0xFFFFFFFF;
	(pc) =	sbr.abs _section_cstart, $3  }
0xc6: {  	[dreg:$0x1] =	wrdreg $0xFFFFFFFF  }
0xc7: {  	_ =	task.clear_ibuf [dreg:s7], $0x2FFFF;
	_ =	strace $0x9FFFFFFF  }
0xc8: {  	(tm) =	ssettm $0x7FFFFFFF  }
0xc9: {  	_ =	shalt  }
tec
execute0_lowered:
.L_overlay_start_1:
0x0: {  	(tag) =	ssettag $0x1  }
0x1: {  	s0 =	rddreg [dreg:$0x0]  }
0x2: {  	s1 =	rddreg [dreg:$0x1]  }
0x3: {  	s2 =	simm.s32 $0x0;
	s3 =	srdreg.scid;
	s5 =	stileid.u32  }
0x4: {  	s28 =	simm.s32 $0x1;
	s29 =	simm.s32 $0x2;
	[smem:$0x7FF] =	sst s2  }
0x5: {  	s4 =	sand.u32 $0x1, s3;
	s5 =	sshll.u32 s5, $0x8;
	s3 =	sadd.s32 $0x107400, s0  }
0x6: {  	s10 =	sadd.s32 $0x800, s0;
	s6 =	sshll.u32 s4, $0x7;
	s4 =	ssub.s32 $0x2, s4  }
0x7: {  	_ =	strace $0x8000004A;
	s9 =	sor.u32 s6, s5;
	s7 =	sshrl.u32 s4, $0x1  }
0x8: {  	s5 =	sadd.s32 $0x107600, s0;
	s6 =	sshrl.u32 s9, $0x3;
	s11 =	ssub.s32 s4, s7  }
0x9: {  	s7 =	sor.u32 $0x10, s9;
	s4 =	sadd.s32 $0x107500, s0;
	s17 =	sor.u32 $0x40, s9  }
0xa: {  	s22 =	sor.u32 $0x60, s9;
	s8 =	sadd.s32 s10, s6;
	s12 =	sshrl.u32 s7, $0x3  }
0xb: {  	s7 =	sshll.u32 s7, $0x8;
	s18 =	sshrl.u32 s17, $0x3;
	s23 =	sshrl.u32 s22, $0x3  }
0xc: {  	s26 =	sshll.u32 s22, $0x8;
	s11 =	smax.u32 s11, $0x1;
	[dreg:$0x3] =	wrdreg s8  }
0xd: {  	s6 =	sadd.s32 s10, s12;
	s8 =	sshll.u32 s9, $0x8;
	s12 =	sor.u32 $0x20, s9  }
0xe: {  	s7 =	sadd.s32 s1, s7;
	s30 =	sadd.s32 s1, s26;
	[dreg:$0x4] =	wrdreg s6  }
0xf: {  	s8 =	sadd.s32 s1, s8;
	s6 =	sadd.s32 $0x107700, s0;
	[dreg:$0x7] =	wrdreg s7  }
0x10: {  	s13 =	sshrl.u32 s12, $0x3;
	s16 =	sshll.u32 s12, $0x8;
	[dreg:$0x11] =	wrdreg s30  }
0x11: {  	s12 =	sshll.u32 s17, $0x8;
	[dreg:$0x5] =	wrdreg s8;
	s8 =	sadd.s32 s10, s13  }
0x12: {  	s7 =	sadd.s32 $0x107800, s0;
	s12 =	sadd.s32 s1, s12;
	[dreg:$0x6] =	wrdreg s8  }
0x13: {  	s13 =	sor.u32 $0x30, s9;
	s8 =	sadd.s32 s1, s16;
	[dreg:$0xd] =	wrdreg s12  }
0x14: {  	s14 =	sshrl.u32 s13, $0x3;
	s12 =	sadd.s32 s10, s23;
	[dreg:$0x9] =	wrdreg s8  }
0x15: {  	s13 =	sshll.u32 s13, $0x8;
	s15 =	sadd.s32 s10, s14;
	[dreg:$0xe] =	wrdreg s12  }
0x16: {  	s8 =	sadd.s32 s10, s18;
	s14 =	sor.u32 $0x50, s9;
	[dreg:$0x8] =	wrdreg s15  }
0x17: {  	s19 =	sadd.s32 s1, s13;
	s9 =	sor.u32 $0x70, s9;
	[dreg:$0xa] =	wrdreg s8  }
0x18: {  	s12 =	simm.s32 $0x3;
	s20 =	sshrl.u32 s14, $0x3;
	[dreg:$0xb] =	wrdreg s19  }
0x19: {  	s8 =	sadd.s32 $0x107900, s0;
	s14 =	sshll.u32 s14, $0x8;
	s21 =	sadd.s32 s10, s20  }
0x1a: {  	s25 =	sshrl.u32 s9, $0x3;
	s24 =	sadd.s32 s1, s14;
	[dreg:$0xc] =	wrdreg s21  }
0x1b: {  	v2 =	vlaneseq.u32;
	s31 =	sshll.u32 s9, $0x8;
	s10 =	sadd.s32 s10, s25;
	[dreg:$0xf] =	wrdreg s24  }
0x1c: {  	vm0 =	vmmov $0xffff;
	v1 =	vshrl.u32 v2, $0x3;
	s9 =	sadd.s32 $0x107A00, s0;
	s1 =	sadd.s32 s1, s31;
	[dreg:$0x10] =	wrdreg s10  }
0x1d: {  	v0 =	vand.u32 $0x7, v2;
	v2 =	vor.u32 $0x8, v2;
	v1 =	vmul.u32 $0x8, v1;
	s10 =	sadd.s32 $0x107B00, s0;
	[dreg:$0x12] =	wrdreg s1;
	s1 =	simm.s32 $0x8100  }
.LBB2_1:
0x1e: {  	s30 =	rddreg [dreg:$0x3]  }
0x1f: {  	[tilespmem:s2], [sflag:$0x3] =	stream.linear.gather [hbm4b:s30+s2], $0x10, $0x38;
	[tilespmem:$0x10100] =	vst v63  }
0x20: {  	_ =	swait.ge [sflag:s12], $0x10  }
0x21: {  	[sflag:s12] =	ssyncset.done $0x0  }
0x22: {  	[sflag:s12] =	ssyncadd.s32 $0xFFFFFFF0  }
0x23: {  	v3 =	vld [tilespmem:$0x0];
	_ =	sdelay $0x4  }
0x24: {  	v4 =	vshll.u32 v3, $0x4  }
0x25: {  	v3 =	vand.u32 $0x7, v3;
	v4 =	vand.u32 $0xFFFFFF80, v4  }
0x26: {  	v3 =	vor.u32 v3, v4  }
0x27: {  	v4 =	vperm.xlane v3, v0;
	_ =	sdelay $0x1  }
0x28: {  	v4 =	vadd.s32 v1, v4;
	_ =	sdelay $0x3  }
0x29: {  	s0 =	simm.s32 $0x100  }
0x2a: {  	[tilespmem:s0], [sflag:$0x1] =	stream.indirect_vreg.gather [hbm4b:s3+s2], $0x80, v4, vm0, $0xb8;
	[tilespmem:$0x10100] =	vst v63  }
0x2b: {  	s26 =	simm.s32 $0x900  }
0x2c: {  	[tilespmem:s26], [sflag:$0x1] =	stream.indirect_vreg.gather [hbm4b:s4+s2], $0x80, v4, vm0, $0xb8;
	[tilespmem:$0x10100] =	vst v63  }
0x2d: {  	s30 =	simm.s32 $0x1100  }
0x2e: {  	[tilespmem:s30], [sflag:$0x1] =	stream.indirect_vreg.gather [hbm4b:s5+s2], $0x80, v4, vm0, $0xb8;
	[tilespmem:$0x10100] =	vst v63  }
0x2f: {  	s31 =	simm.s32 $0x1900  }
0x30: {  	[tilespmem:s31], [sflag:$0x1] =	stream.indirect_vreg.gather [hbm4b:s6+s2], $0x80, v4, vm0, $0xb8;
	[tilespmem:$0x10100] =	vst v63  }
0x31: {  	s13 =	simm.s32 $0x2100  }
0x32: {  	[tilespmem:s13], [sflag:$0x1] =	stream.indirect_vreg.gather [hbm4b:s7+s2], $0x80, v4, vm0, $0xb8;
	[tilespmem:$0x10100] =	vst v63  }
0x33: {  	s14 =	simm.s32 $0x2900;
	v3 =	vperm.xlane v3, v2  }
0x34: {  	[tilespmem:s14], [sflag:$0x1] =	stream.indirect_vreg.gather [hbm4b:s8+s2], $0x80, v4, vm0, $0xb8;
	[tilespmem:$0x10100] =	vst v63  }
0x35: {  	s15 =	simm.s32 $0x3100;
	v3 =	vadd.s32 v1, v3  }
0x36: {  	[tilespmem:s15], [sflag:$0x1] =	stream.indirect_vreg.gather [hbm4b:s9+s2], $0x80, v4, vm0, $0xb8;
	[tilespmem:$0x10100] =	vst v63  }
0x37: {  	s16 =	simm.s32 $0x3900  }
0x38: {  	[tilespmem:s16], [sflag:$0x1] =	stream.indirect_vreg.gather [hbm4b:s10+s2], $0x80, v4, vm0, $0xb8;
	[tilespmem:$0x10100] =	vst v63  }
0x39: {  	s17 =	simm.s32 $0x4100  }
0x3a: {  	[tilespmem:s17], [sflag:$0x1] =	stream.indirect_vreg.gather [hbm4b:s3+s2], $0x80, v3, vm0, $0xb8;
	[tilespmem:$0x10100] =	vst v63  }
0x3b: {  	s18 =	simm.s32 $0x4900  }
0x3c: {  	[tilespmem:s18], [sflag:$0x1] =	stream.indirect_vreg.gather [hbm4b:s4+s2], $0x80, v3, vm0, $0xb8;
	[tilespmem:$0x10100] =	vst v63  }
0x3d: {  	s19 =	simm.s32 $0x5100  }
0x3e: {  	[tilespmem:s19], [sflag:$0x1] =	stream.indirect_vreg.gather [hbm4b:s5+s2], $0x80, v3, vm0, $0xb8;
	[tilespmem:$0x10100] =	vst v63  }
0x3f: {  	s20 =	simm.s32 $0x5900  }
0x40: {  	[tilespmem:s20], [sflag:$0x1] =	stream.indirect_vreg.gather [hbm4b:s6+s2], $0x80, v3, vm0, $0xb8;
	[tilespmem:$0x10100] =	vst v63  }
0x41: {  	s21 =	simm.s32 $0x6100  }
0x42: {  	[tilespmem:s21], [sflag:$0x1] =	stream.indirect_vreg.gather [hbm4b:s7+s2], $0x80, v3, vm0, $0xb8;
	[tilespmem:$0x10100] =	vst v63  }
0x43: {  	s22 =	simm.s32 $0x6900  }
0x44: {  	[tilespmem:s22], [sflag:$0x1] =	stream.indirect_vreg.gather [hbm4b:s8+s2], $0x80, v3, vm0, $0xb8;
	[tilespmem:$0x10100] =	vst v63  }
0x45: {  	s23 =	simm.s32 $0x7100  }
0x46: {  	[tilespmem:s23], [sflag:$0x1] =	stream.indirect_vreg.gather [hbm4b:s9+s2], $0x80, v3, vm0, $0xb8;
	[tilespmem:$0x10100] =	vst v63  }
0x47: {  	s25 =	simm.s32 $0x7900  }
0x48: {  	[tilespmem:s25], [sflag:$0x1] =	stream.indirect_vreg.gather [hbm4b:s10+s2], $0x80, v3, vm0, $0xb8;
	[tilespmem:$0x10100] =	vst v63  }
0x49: {  	s24 =	rddreg [dreg:$0x4];
	s26 =	simm.s32 $0x80  }
0x4a: {  	[tilespmem:s26], [sflag:$0x3] =	stream.linear.gather [hbm4b:s24+s2], $0x10, $0x38;
	[tilespmem:$0x10100] =	vst v63  }
0x4b: {  	_ =	swait.ge [sflag:s12], $0x10  }
0x4c: {  	[sflag:s12] =	ssyncset.done $0x0  }
0x4d: {  	[sflag:s12] =	ssyncadd.s32 $0xFFFFFFF0  }
0x4e: {  	v3 =	vld [tilespmem:$0x80];
	_ =	sdelay $0x4  }
0x4f: {  	v57 =	vshll.u32 v3, $0x4  }
0x50: {  	v3 =	vand.u32 $0x7, v3;
	v4 =	vand.u32 $0xFFFFFF80, v57  }
0x51: {  	v3 =	vor.u32 v3, v4  }
0x52: {  	v4 =	vperm.xlane v3, v0;
	_ =	sdelay $0x1  }
0x53: {  	v4 =	vadd.s32 v1, v4;
	_ =	sdelay $0x4  }
0x54: {  	[tilespmem:s1], [sflag:$0x2] =	stream.indirect_vreg.gather [hbm4b:s3+s2], $0x80, v4, vm0, $0xb8;
	[tilespmem:$0x10100] =	vst v63  }
0x55: {  	s30 =	simm.s32 $0x8900  }
0x56: {  	[tilespmem:s30], [sflag:$0x2] =	stream.indirect_vreg.gather [hbm4b:s4+s2], $0x80, v4, vm0, $0xb8;
	[tilespmem:$0x10100] =	vst v63  }
0x57: {  	s31 =	simm.s32 $0x9100  }
0x58: {  	[tilespmem:s31], [sflag:$0x2] =	stream.indirect_vreg.gather [hbm4b:s5+s2], $0x80, v4, vm0, $0xb8;
	[tilespmem:$0x10100] =	vst v63  }
0x59: {  	s0 =	simm.s32 $0x9900  }
0x5a: {  	[tilespmem:s0], [sflag:$0x2] =	stream.indirect_vreg.gather [hbm4b:s6+s2], $0x80, v4, vm0, $0xb8;
	[tilespmem:$0x10100] =	vst v63  }
0x5b: {  	s13 =	simm.s32 $0xA100  }
0x5c: {  	[tilespmem:s13], [sflag:$0x2] =	stream.indirect_vreg.gather [hbm4b:s7+s2], $0x80, v4, vm0, $0xb8;
	[tilespmem:$0x10100] =	vst v63  }
0x5d: {  	s14 =	simm.s32 $0xA900;
	v3 =	vperm.xlane v3, v2  }
0x5e: {  	[tilespmem:s14], [sflag:$0x2] =	stream.indirect_vreg.gather [hbm4b:s8+s2], $0x80, v4, vm0, $0xb8;
	[tilespmem:$0x10100] =	vst v63  }
0x5f: {  	s15 =	simm.s32 $0xB100;
	v3 =	vadd.s32 v1, v3  }
0x60: {  	[tilespmem:s15], [sflag:$0x2] =	stream.indirect_vreg.gather [hbm4b:s9+s2], $0x80, v4, vm0, $0xb8;
	[tilespmem:$0x10100] =	vst v63  }
0x61: {  	s16 =	simm.s32 $0xB900  }
0x62: {  	[tilespmem:s16], [sflag:$0x2] =	stream.indirect_vreg.gather [hbm4b:s10+s2], $0x80, v4, vm0, $0xb8;
	[tilespmem:$0x10100] =	vst v63  }
0x63: {  	s17 =	simm.s32 $0xC100  }
0x64: {  	[tilespmem:s17], [sflag:$0x2] =	stream.indirect_vreg.gather [hbm4b:s3+s2], $0x80, v3, vm0, $0xb8;
	[tilespmem:$0x10100] =	vst v63  }
0x65: {  	s18 =	simm.s32 $0xC900  }
0x66: {  	[tilespmem:s18], [sflag:$0x2] =	stream.indirect_vreg.gather [hbm4b:s4+s2], $0x80, v3, vm0, $0xb8;
	[tilespmem:$0x10100] =	vst v63  }
0x67: {  	s19 =	simm.s32 $0xD100  }
0x68: {  	[tilespmem:s19], [sflag:$0x2] =	stream.indirect_vreg.gather [hbm4b:s5+s2], $0x80, v3, vm0, $0xb8;
	[tilespmem:$0x10100] =	vst v63  }
0x69: {  	s20 =	simm.s32 $0xD900  }
0x6a: {  	[tilespmem:s20], [sflag:$0x2] =	stream.indirect_vreg.gather [hbm4b:s6+s2], $0x80, v3, vm0, $0xb8;
	[tilespmem:$0x10100] =	vst v63  }
0x6b: {  	s21 =	simm.s32 $0xE100  }
0x6c: {  	[tilespmem:s21], [sflag:$0x2] =	stream.indirect_vreg.gather [hbm4b:s7+s2], $0x80, v3, vm0, $0xb8;
	[tilespmem:$0x10100] =	vst v63  }
0x6d: {  	s22 =	simm.s32 $0xE900  }
0x6e: {  	[tilespmem:s22], [sflag:$0x2] =	stream.indirect_vreg.gather [hbm4b:s8+s2], $0x80, v3, vm0, $0xb8;
	[tilespmem:$0x10100] =	vst v63  }
0x6f: {  	s23 =	simm.s32 $0xF100  }
0x70: {  	[tilespmem:s23], [sflag:$0x2] =	stream.indirect_vreg.gather [hbm4b:s9+s2], $0x80, v3, vm0, $0xb8;
	[tilespmem:$0x10100] =	vst v63  }
0x71: {  	s24 =	simm.s32 $0xF900  }
0x72: {  	[tilespmem:s24], [sflag:$0x2] =	stream.indirect_vreg.gather [hbm4b:s10+s2], $0x80, v3, vm0, $0xb8;
	[tilespmem:$0x10100] =	vst v63  }
0x73: {  	_ =	swait.ge [sflag:s28], $0x8000  }
0x74: {  	[sflag:s28] =	ssyncset.done $0x0  }
0x75: {  	s26 =	simm.s32 $0x100;
	s25 =	rddreg [dreg:$0x5];
	[sflag:s28] =	ssyncadd.s32 $0xFFFF8000  }
0x76: {  	[hbm4b:s25+s2] =	stream.linear.scatter [tilespmem:s26], [sflag:$0x3], $0x8000, $0x38;
	[tilespmem:$0x10100] =	vst v63  }
0x77: {  	_ =	swait.ge [sflag:s12], $0x8000  }
0x78: {  	[sflag:s12] =	ssyncset.done $0x0  }
0x79: {  	s31 =	rddreg [dreg:$0x6];
	[sflag:s12] =	ssyncadd.s32 $0xFFFF8000  }
0x7a: {  	[tilespmem:s2], [sflag:$0x3] =	stream.linear.gather [hbm4b:s31+s2], $0x10, $0x38;
	[tilespmem:$0x10100] =	vst v63  }
0x7b: {  	_ =	swait.ge [sflag:s12], $0x10  }
0x7c: {  	[sflag:s12] =	ssyncset.done $0x0  }
0x7d: {  	[sflag:s12] =	ssyncadd.s32 $0xFFFFFFF0  }
0x7e: {  	v3 =	vld [tilespmem:$0x0];
	_ =	sdelay $0x4  }
0x7f: {  	v58 =	vshll.u32 v3, $0x4  }
0x80: {  	v3 =	vand.u32 $0x7, v3;
	v4 =	vand.u32 $0xFFFFFF80, v58  }
0x81: {  	v3 =	vor.u32 v3, v4  }
0x82: {  	v4 =	vperm.xlane v3, v0;
	_ =	sdelay $0x1  }
0x83: {  	v4 =	vadd.s32 v1, v4;
	_ =	sdelay $0x4  }
0x84: {  	[tilespmem:s26], [sflag:$0x1] =	stream.indirect_vreg.gather [hbm4b:s3+s2], $0x80, v4, vm0, $0xb8;
	[tilespmem:$0x10100] =	vst v63  }
0x85: {  	s31 =	simm.s32 $0x900  }
0x86: {  	[tilespmem:s31], [sflag:$0x1] =	stream.indirect_vreg.gather [hbm4b:s4+s2], $0x80, v4, vm0, $0xb8;
	[tilespmem:$0x10100] =	vst v63  }
0x87: {  	s13 =	simm.s32 $0x1100  }
0x88: {  	[tilespmem:s13], [sflag:$0x1] =	stream.indirect_vreg.gather [hbm4b:s5+s2], $0x80, v4, vm0, $0xb8;
	[tilespmem:$0x10100] =	vst v63  }
0x89: {  	s14 =	simm.s32 $0x1900  }
0x8a: {  	[tilespmem:s14], [sflag:$0x1] =	stream.indirect_vreg.gather [hbm4b:s6+s2], $0x80, v4, vm0, $0xb8;
	[tilespmem:$0x10100] =	vst v63  }
0x8b: {  	s15 =	simm.s32 $0x2100  }
0x8c: {  	[tilespmem:s15], [sflag:$0x1] =	stream.indirect_vreg.gather [hbm4b:s7+s2], $0x80, v4, vm0, $0xb8;
	[tilespmem:$0x10100] =	vst v63  }
0x8d: {  	s16 =	simm.s32 $0x2900;
	v3 =	vperm.xlane v3, v2  }
0x8e: {  	[tilespmem:s16], [sflag:$0x1] =	stream.indirect_vreg.gather [hbm4b:s8+s2], $0x80, v4, vm0, $0xb8;
	[tilespmem:$0x10100] =	vst v63  }
0x8f: {  	s17 =	simm.s32 $0x3100;
	v3 =	vadd.s32 v1, v3  }
0x90: {  	[tilespmem:s17], [sflag:$0x1] =	stream.indirect_vreg.gather [hbm4b:s9+s2], $0x80, v4, vm0, $0xb8;
	[tilespmem:$0x10100] =	vst v63  }
0x91: {  	s18 =	simm.s32 $0x3900  }
0x92: {  	[tilespmem:s18], [sflag:$0x1] =	stream.indirect_vreg.gather [hbm4b:s10+s2], $0x80, v4, vm0, $0xb8;
	[tilespmem:$0x10100] =	vst v63  }
0x93: {  	s19 =	simm.s32 $0x4100  }
0x94: {  	[tilespmem:s19], [sflag:$0x1] =	stream.indirect_vreg.gather [hbm4b:s3+s2], $0x80, v3, vm0, $0xb8;
	[tilespmem:$0x10100] =	vst v63  }
0x95: {  	s20 =	simm.s32 $0x4900  }
0x96: {  	[tilespmem:s20], [sflag:$0x1] =	stream.indirect_vreg.gather [hbm4b:s4+s2], $0x80, v3, vm0, $0xb8;
	[tilespmem:$0x10100] =	vst v63  }
0x97: {  	s21 =	simm.s32 $0x5100  }
0x98: {  	[tilespmem:s21], [sflag:$0x1] =	stream.indirect_vreg.gather [hbm4b:s5+s2], $0x80, v3, vm0, $0xb8;
	[tilespmem:$0x10100] =	vst v63  }
0x99: {  	s22 =	simm.s32 $0x5900  }
0x9a: {  	[tilespmem:s22], [sflag:$0x1] =	stream.indirect_vreg.gather [hbm4b:s6+s2], $0x80, v3, vm0, $0xb8;
	[tilespmem:$0x10100] =	vst v63  }
0x9b: {  	s23 =	simm.s32 $0x6100  }
0x9c: {  	[tilespmem:s23], [sflag:$0x1] =	stream.indirect_vreg.gather [hbm4b:s7+s2], $0x80, v3, vm0, $0xb8;
	[tilespmem:$0x10100] =	vst v63  }
0x9d: {  	s24 =	simm.s32 $0x6900  }
0x9e: {  	[tilespmem:s24], [sflag:$0x1] =	stream.indirect_vreg.gather [hbm4b:s8+s2], $0x80, v3, vm0, $0xb8;
	[tilespmem:$0x10100] =	vst v63  }
0x9f: {  	s25 =	simm.s32 $0x7100  }
0xa0: {  	[tilespmem:s25], [sflag:$0x1] =	stream.indirect_vreg.gather [hbm4b:s9+s2], $0x80, v3, vm0, $0xb8;
	[tilespmem:$0x10100] =	vst v63  }
0xa1: {  	s26 =	simm.s32 $0x7900  }
0xa2: {  	[tilespmem:s26], [sflag:$0x1] =	stream.indirect_vreg.gather [hbm4b:s10+s2], $0x80, v3, vm0, $0xb8;
	[tilespmem:$0x10100] =	vst v63  }
0xa3: {  	_ =	swait.ge [sflag:s29], $0x8000  }
0xa4: {  	[sflag:s29] =	ssyncset.done $0x0  }
0xa5: {  	s0 =	rddreg [dreg:$0x7];
	[sflag:s29] =	ssyncadd.s32 $0xFFFF8000  }
0xa6: {  	[hbm4b:s0+s2] =	stream.linear.scatter [tilespmem:s1], [sflag:$0x3], $0x8000, $0x38;
	[tilespmem:$0x10100] =	vst v63  }
0xa7: {  	_ =	swait.ge [sflag:s12], $0x8000  }
0xa8: {  	[sflag:s12] =	ssyncset.done $0x0  }
0xa9: {  	s0 =	simm.s32 $0x80;
	s30 =	rddreg [dreg:$0x8];
	[sflag:s12] =	ssyncadd.s32 $0xFFFF8000  }
0xaa: {  	[tilespmem:s0], [sflag:$0x3] =	stream.linear.gather [hbm4b:s30+s2], $0x10, $0x38;
	[tilespmem:$0x10100] =	vst v63  }
0xab: {  	_ =	swait.ge [sflag:s12], $0x10  }
0xac: {  	[sflag:s12] =	ssyncset.done $0x0  }
0xad: {  	[sflag:s12] =	ssyncadd.s32 $0xFFFFFFF0  }
0xae: {  	v3 =	vld [tilespmem:$0x80];
	_ =	sdelay $0x4  }
0xaf: {  	v59 =	vshll.u32 v3, $0x4  }
0xb0: {  	v3 =	vand.u32 $0x7, v3;
	v4 =	vand.u32 $0xFFFFFF80, v59  }
0xb1: {  	v3 =	vor.u32 v3, v4  }
0xb2: {  	v4 =	vperm.xlane v3, v0;
	_ =	sdelay $0x1  }
0xb3: {  	v4 =	vadd.s32 v1, v4;
	_ =	sdelay $0x4  }
0xb4: {  	[tilespmem:s1], [sflag:$0x2] =	stream.indirect_vreg.gather [hbm4b:s3+s2], $0x80, v4, vm0, $0xb8;
	[tilespmem:$0x10100] =	vst v63  }
0xb5: {  	s30 =	simm.s32 $0x8900  }
0xb6: {  	[tilespmem:s30], [sflag:$0x2] =	stream.indirect_vreg.gather [hbm4b:s4+s2], $0x80, v4, vm0, $0xb8;
	[tilespmem:$0x10100] =	vst v63  }
0xb7: {  	s30 =	simm.s32 $0x9100  }
0xb8: {  	[tilespmem:s30], [sflag:$0x2] =	stream.indirect_vreg.gather [hbm4b:s5+s2], $0x80, v4, vm0, $0xb8;
	[tilespmem:$0x10100] =	vst v63  }
0xb9: {  	s30 =	simm.s32 $0x9900  }
0xba: {  	[tilespmem:s30], [sflag:$0x2] =	stream.indirect_vreg.gather [hbm4b:s6+s2], $0x80, v4, vm0, $0xb8;
	[tilespmem:$0x10100] =	vst v63  }
0xbb: {  	s30 =	simm.s32 $0xA100  }
0xbc: {  	[tilespmem:s30], [sflag:$0x2] =	stream.indirect_vreg.gather [hbm4b:s7+s2], $0x80, v4, vm0, $0xb8;
	[tilespmem:$0x10100] =	vst v63  }
0xbd: {  	v3 =	vperm.xlane v3, v2;
	s30 =	simm.s32 $0xA900  }
0xbe: {  	[tilespmem:s30], [sflag:$0x2] =	stream.indirect_vreg.gather [hbm4b:s8+s2], $0x80, v4, vm0, $0xb8;
	[tilespmem:$0x10100] =	vst v63  }
0xbf: {  	v3 =	vadd.s32 v1, v3;
	s30 =	simm.s32 $0xB100  }
0xc0: {  	[tilespmem:s30], [sflag:$0x2] =	stream.indirect_vreg.gather [hbm4b:s9+s2], $0x80, v4, vm0, $0xb8;
	[tilespmem:$0x10100] =	vst v63  }
0xc1: {  	s30 =	simm.s32 $0xB900  }
0xc2: {  	[tilespmem:s30], [sflag:$0x2] =	stream.indirect_vreg.gather [hbm4b:s10+s2], $0x80, v4, vm0, $0xb8;
	[tilespmem:$0x10100] =	vst v63  }
0xc3: {  	s30 =	simm.s32 $0xC100  }
0xc4: {  	[tilespmem:s30], [sflag:$0x2] =	stream.indirect_vreg.gather [hbm4b:s3+s2], $0x80, v3, vm0, $0xb8;
	[tilespmem:$0x10100] =	vst v63  }
0xc5: {  	s30 =	simm.s32 $0xC900  }
0xc6: {  	[tilespmem:s30], [sflag:$0x2] =	stream.indirect_vreg.gather [hbm4b:s4+s2], $0x80, v3, vm0, $0xb8;
	[tilespmem:$0x10100] =	vst v63  }
0xc7: {  	s30 =	simm.s32 $0xD100  }
0xc8: {  	[tilespmem:s30], [sflag:$0x2] =	stream.indirect_vreg.gather [hbm4b:s5+s2], $0x80, v3, vm0, $0xb8;
	[tilespmem:$0x10100] =	vst v63  }
0xc9: {  	s30 =	simm.s32 $0xD900  }
0xca: {  	[tilespmem:s30], [sflag:$0x2] =	stream.indirect_vreg.gather [hbm4b:s6+s2], $0x80, v3, vm0, $0xb8;
	[tilespmem:$0x10100] =	vst v63  }
0xcb: {  	s30 =	simm.s32 $0xE100  }
0xcc: {  	[tilespmem:s30], [sflag:$0x2] =	stream.indirect_vreg.gather [hbm4b:s7+s2], $0x80, v3, vm0, $0xb8;
	[tilespmem:$0x10100] =	vst v63  }
0xcd: {  	s30 =	simm.s32 $0xE900  }
0xce: {  	[tilespmem:s30], [sflag:$0x2] =	stream.indirect_vreg.gather [hbm4b:s8+s2], $0x80, v3, vm0, $0xb8;
	[tilespmem:$0x10100] =	vst v63  }
0xcf: {  	s30 =	simm.s32 $0xF100  }
0xd0: {  	[tilespmem:s30], [sflag:$0x2] =	stream.indirect_vreg.gather [hbm4b:s9+s2], $0x80, v3, vm0, $0xb8;
	[tilespmem:$0x10100] =	vst v63  }
0xd1: {  	s30 =	simm.s32 $0xF900  }
0xd2: {  	[tilespmem:s30], [sflag:$0x2] =	stream.indirect_vreg.gather [hbm4b:s10+s2], $0x80, v3, vm0, $0xb8;
	[tilespmem:$0x10100] =	vst v63  }
0xd3: {  	_ =	swait.ge [sflag:s28], $0x8000  }
0xd4: {  	[sflag:s28] =	ssyncset.done $0x0  }
0xd5: {  	s0 =	simm.s32 $0x100;
	s30 =	rddreg [dreg:$0x9];
	[sflag:s28] =	ssyncadd.s32 $0xFFFF8000  }
0xd6: {  	[hbm4b:s30+s2] =	stream.linear.scatter [tilespmem:s0], [sflag:$0x3], $0x8000, $0x38;
	[tilespmem:$0x10100] =	vst v63  }
0xd7: {  	_ =	swait.ge [sflag:s12], $0x8000  }
0xd8: {  	[sflag:s12] =	ssyncset.done $0x0  }
0xd9: {  	s30 =	rddreg [dreg:$0xa];
	[sflag:s12] =	ssyncadd.s32 $0xFFFF8000  }
0xda: {  	[tilespmem:s2], [sflag:$0x3] =	stream.linear.gather [hbm4b:s30+s2], $0x10, $0x38;
	[tilespmem:$0x10100] =	vst v63  }
0xdb: {  	_ =	swait.ge [sflag:s12], $0x10  }
0xdc: {  	[sflag:s12] =	ssyncset.done $0x0  }
0xdd: {  	[sflag:s12] =	ssyncadd.s32 $0xFFFFFFF0  }
0xde: {  	v3 =	vld [tilespmem:$0x0];
	_ =	sdelay $0x4  }
0xdf: {  	v60 =	vshll.u32 v3, $0x4  }
0xe0: {  	v3 =	vand.u32 $0x7, v3;
	v4 =	vand.u32 $0xFFFFFF80, v60  }
0xe1: {  	v3 =	vor.u32 v3, v4  }
0xe2: {  	v4 =	vperm.xlane v3, v0;
	_ =	sdelay $0x1  }
0xe3: {  	v4 =	vadd.s32 v1, v4;
	_ =	sdelay $0x4  }
0xe4: {  	[tilespmem:s0], [sflag:$0x1] =	stream.indirect_vreg.gather [hbm4b:s3+s2], $0x80, v4, vm0, $0xb8;
	[tilespmem:$0x10100] =	vst v63  }
0xe5: {  	_ = 	snop  }
0xe6: {  	[tilespmem:s31], [sflag:$0x1] =	stream.indirect_vreg.gather [hbm4b:s4+s2], $0x80, v4, vm0, $0xb8;
	[tilespmem:$0x10100] =	vst v63  }
0xe7: {  	_ = 	snop  }
0xe8: {  	[tilespmem:s13], [sflag:$0x1] =	stream.indirect_vreg.gather [hbm4b:s5+s2], $0x80, v4, vm0, $0xb8;
	[tilespmem:$0x10100] =	vst v63  }
0xe9: {  	_ = 	snop  }
0xea: {  	[tilespmem:s14], [sflag:$0x1] =	stream.indirect_vreg.gather [hbm4b:s6+s2], $0x80, v4, vm0, $0xb8;
	[tilespmem:$0x10100] =	vst v63  }
0xeb: {  	_ = 	snop  }
0xec: {  	[tilespmem:s15], [sflag:$0x1] =	stream.indirect_vreg.gather [hbm4b:s7+s2], $0x80, v4, vm0, $0xb8;
	[tilespmem:$0x10100] =	vst v63  }
0xed: {  	v3 =	vperm.xlane v3, v2  }
0xee: {  	[tilespmem:s16], [sflag:$0x1] =	stream.indirect_vreg.gather [hbm4b:s8+s2], $0x80, v4, vm0, $0xb8;
	[tilespmem:$0x10100] =	vst v63  }
0xef: {  	v3 =	vadd.s32 v1, v3  }
0xf0: {  	[tilespmem:s17], [sflag:$0x1] =	stream.indirect_vreg.gather [hbm4b:s9+s2], $0x80, v4, vm0, $0xb8;
	[tilespmem:$0x10100] =	vst v63  }
0xf1: {  	_ = 	snop  }
0xf2: {  	[tilespmem:s18], [sflag:$0x1] =	stream.indirect_vreg.gather [hbm4b:s10+s2], $0x80, v4, vm0, $0xb8;
	[tilespmem:$0x10100] =	vst v63  }
0xf3: {  	_ = 	snop  }
0xf4: {  	[tilespmem:s19], [sflag:$0x1] =	stream.indirect_vreg.gather [hbm4b:s3+s2], $0x80, v3, vm0, $0xb8;
	[tilespmem:$0x10100] =	vst v63  }
0xf5: {  	_ = 	snop  }
0xf6: {  	[tilespmem:s20], [sflag:$0x1] =	stream.indirect_vreg.gather [hbm4b:s4+s2], $0x80, v3, vm0, $0xb8;
	[tilespmem:$0x10100] =	vst v63  }
0xf7: {  	_ = 	snop  }
0xf8: {  	[tilespmem:s21], [sflag:$0x1] =	stream.indirect_vreg.gather [hbm4b:s5+s2], $0x80, v3, vm0, $0xb8;
	[tilespmem:$0x10100] =	vst v63  }
0xf9: {  	_ = 	snop  }
0xfa: {  	[tilespmem:s22], [sflag:$0x1] =	stream.indirect_vreg.gather [hbm4b:s6+s2], $0x80, v3, vm0, $0xb8;
	[tilespmem:$0x10100] =	vst v63  }
0xfb: {  	_ = 	snop  }
0xfc: {  	[tilespmem:s23], [sflag:$0x1] =	stream.indirect_vreg.gather [hbm4b:s7+s2], $0x80, v3, vm0, $0xb8;
	[tilespmem:$0x10100] =	vst v63  }
0xfd: {  	_ = 	snop  }
0xfe: {  	[tilespmem:s24], [sflag:$0x1] =	stream.indirect_vreg.gather [hbm4b:s8+s2], $0x80, v3, vm0, $0xb8;
	[tilespmem:$0x10100] =	vst v63  }
0xff: {  	_ = 	snop  }
0x100: {  	[tilespmem:s25], [sflag:$0x1] =	stream.indirect_vreg.gather [hbm4b:s9+s2], $0x80, v3, vm0, $0xb8;
	[tilespmem:$0x10100] =	vst v63  }
0x101: {  	_ = 	snop  }
0x102: {  	[tilespmem:s26], [sflag:$0x1] =	stream.indirect_vreg.gather [hbm4b:s10+s2], $0x80, v3, vm0, $0xb8;
	[tilespmem:$0x10100] =	vst v63  }
0x103: {  	_ =	swait.ge [sflag:s29], $0x8000  }
0x104: {  	[sflag:s29] =	ssyncset.done $0x0  }
0x105: {  	s13 =	rddreg [dreg:$0xb];
	[sflag:s29] =	ssyncadd.s32 $0xFFFF8000  }
0x106: {  	[hbm4b:s13+s2] =	stream.linear.scatter [tilespmem:s1], [sflag:$0x3], $0x8000, $0x38;
	[tilespmem:$0x10100] =	vst v63  }
0x107: {  	_ =	swait.ge [sflag:s12], $0x8000  }
0x108: {  	[sflag:s12] =	ssyncset.done $0x0  }
0x109: {  	s13 =	simm.s32 $0x80;
	s0 =	rddreg [dreg:$0xc];
	[sflag:s12] =	ssyncadd.s32 $0xFFFF8000  }
0x10a: {  	[tilespmem:s13], [sflag:$0x3] =	stream.linear.gather [hbm4b:s0+s2], $0x10, $0x38;
	[tilespmem:$0x10100] =	vst v63  }
0x10b: {  	_ =	swait.ge [sflag:s12], $0x10  }
0x10c: {  	[sflag:s12] =	ssyncset.done $0x0  }
0x10d: {  	[sflag:s12] =	ssyncadd.s32 $0xFFFFFFF0  }
0x10e: {  	v3 =	vld [tilespmem:$0x80];
	_ =	sdelay $0x4  }
0x10f: {  	v61 =	vshll.u32 v3, $0x4  }
0x110: {  	v3 =	vand.u32 $0x7, v3;
	v4 =	vand.u32 $0xFFFFFF80, v61  }
0x111: {  	v3 =	vor.u32 v3, v4  }
0x112: {  	v4 =	vperm.xlane v3, v0;
	_ =	sdelay $0x1  }
0x113: {  	v4 =	vadd.s32 v1, v4;
	_ =	sdelay $0x4  }
0x114: {  	[tilespmem:s1], [sflag:$0x2] =	stream.indirect_vreg.gather [hbm4b:s3+s2], $0x80, v4, vm0, $0xb8;
	[tilespmem:$0x10100] =	vst v63  }
0x115: {  	s30 =	simm.s32 $0x8900  }
0x116: {  	[tilespmem:s30], [sflag:$0x2] =	stream.indirect_vreg.gather [hbm4b:s4+s2], $0x80, v4, vm0, $0xb8;
	[tilespmem:$0x10100] =	vst v63  }
0x117: {  	s13 =	simm.s32 $0x9100  }
0x118: {  	[tilespmem:s13], [sflag:$0x2] =	stream.indirect_vreg.gather [hbm4b:s5+s2], $0x80, v4, vm0, $0xb8;
	[tilespmem:$0x10100] =	vst v63  }
0x119: {  	s0 =	simm.s32 $0x9900  }
0x11a: {  	[tilespmem:s0], [sflag:$0x2] =	stream.indirect_vreg.gather [hbm4b:s6+s2], $0x80, v4, vm0, $0xb8;
	[tilespmem:$0x10100] =	vst v63  }
0x11b: {  	s0 =	simm.s32 $0xA100  }
0x11c: {  	[tilespmem:s0], [sflag:$0x2] =	stream.indirect_vreg.gather [hbm4b:s7+s2], $0x80, v4, vm0, $0xb8;
	[tilespmem:$0x10100] =	vst v63  }
0x11d: {  	v3 =	vperm.xlane v3, v2;
	s0 =	simm.s32 $0xA900  }
0x11e: {  	[tilespmem:s0], [sflag:$0x2] =	stream.indirect_vreg.gather [hbm4b:s8+s2], $0x80, v4, vm0, $0xb8;
	[tilespmem:$0x10100] =	vst v63  }
0x11f: {  	v3 =	vadd.s32 v1, v3;
	s0 =	simm.s32 $0xB100  }
0x120: {  	[tilespmem:s0], [sflag:$0x2] =	stream.indirect_vreg.gather [hbm4b:s9+s2], $0x80, v4, vm0, $0xb8;
	[tilespmem:$0x10100] =	vst v63  }
0x121: {  	s0 =	simm.s32 $0xB900  }
0x122: {  	[tilespmem:s0], [sflag:$0x2] =	stream.indirect_vreg.gather [hbm4b:s10+s2], $0x80, v4, vm0, $0xb8;
	[tilespmem:$0x10100] =	vst v63  }
0x123: {  	s0 =	simm.s32 $0xC100  }
0x124: {  	[tilespmem:s0], [sflag:$0x2] =	stream.indirect_vreg.gather [hbm4b:s3+s2], $0x80, v3, vm0, $0xb8;
	[tilespmem:$0x10100] =	vst v63  }
0x125: {  	s0 =	simm.s32 $0xC900  }
0x126: {  	[tilespmem:s0], [sflag:$0x2] =	stream.indirect_vreg.gather [hbm4b:s4+s2], $0x80, v3, vm0, $0xb8;
	[tilespmem:$0x10100] =	vst v63  }
0x127: {  	s0 =	simm.s32 $0xD100  }
0x128: {  	[tilespmem:s0], [sflag:$0x2] =	stream.indirect_vreg.gather [hbm4b:s5+s2], $0x80, v3, vm0, $0xb8;
	[tilespmem:$0x10100] =	vst v63  }
0x129: {  	s0 =	simm.s32 $0xD900  }
0x12a: {  	[tilespmem:s0], [sflag:$0x2] =	stream.indirect_vreg.gather [hbm4b:s6+s2], $0x80, v3, vm0, $0xb8;
	[tilespmem:$0x10100] =	vst v63  }
0x12b: {  	s0 =	simm.s32 $0xE100  }
0x12c: {  	[tilespmem:s0], [sflag:$0x2] =	stream.indirect_vreg.gather [hbm4b:s7+s2], $0x80, v3, vm0, $0xb8;
	[tilespmem:$0x10100] =	vst v63  }
0x12d: {  	s0 =	simm.s32 $0xE900  }
0x12e: {  	[tilespmem:s0], [sflag:$0x2] =	stream.indirect_vreg.gather [hbm4b:s8+s2], $0x80, v3, vm0, $0xb8;
	[tilespmem:$0x10100] =	vst v63  }
0x12f: {  	s0 =	simm.s32 $0xF100  }
0x130: {  	[tilespmem:s0], [sflag:$0x2] =	stream.indirect_vreg.gather [hbm4b:s9+s2], $0x80, v3, vm0, $0xb8;
	[tilespmem:$0x10100] =	vst v63  }
0x131: {  	s0 =	simm.s32 $0xF900  }
0x132: {  	[tilespmem:s0], [sflag:$0x2] =	stream.indirect_vreg.gather [hbm4b:s10+s2], $0x80, v3, vm0, $0xb8;
	[tilespmem:$0x10100] =	vst v63  }
0x133: {  	_ =	swait.ge [sflag:s28], $0x8000  }
0x134: {  	[sflag:s28] =	ssyncset.done $0x0  }
0x135: {  	s0 =	simm.s32 $0x100;
	s30 =	rddreg [dreg:$0xd];
	[sflag:s28] =	ssyncadd.s32 $0xFFFF8000  }
0x136: {  	[hbm4b:s30+s2] =	stream.linear.scatter [tilespmem:s0], [sflag:$0x3], $0x8000, $0x38;
	[tilespmem:$0x10100] =	vst v63  }
0x137: {  	_ =	swait.ge [sflag:s12], $0x8000  }
0x138: {  	[sflag:s12] =	ssyncset.done $0x0  }
0x139: {  	s30 =	rddreg [dreg:$0xe];
	[sflag:s12] =	ssyncadd.s32 $0xFFFF8000  }
0x13a: {  	[tilespmem:s2], [sflag:$0x3] =	stream.linear.gather [hbm4b:s30+s2], $0x10, $0x38;
	[tilespmem:$0x10100] =	vst v63  }
0x13b: {  	_ =	swait.ge [sflag:s12], $0x10  }
0x13c: {  	[sflag:s12] =	ssyncset.done $0x0  }
0x13d: {  	[sflag:s12] =	ssyncadd.s32 $0xFFFFFFF0  }
0x13e: {  	v3 =	vld [tilespmem:$0x0];
	_ =	sdelay $0x4  }
0x13f: {  	v62 =	vshll.u32 v3, $0x4  }
0x140: {  	v3 =	vand.u32 $0x7, v3;
	v4 =	vand.u32 $0xFFFFFF80, v62  }
0x141: {  	v3 =	vor.u32 v3, v4  }
0x142: {  	v4 =	vperm.xlane v3, v0;
	_ =	sdelay $0x1  }
0x143: {  	v4 =	vadd.s32 v1, v4;
	_ =	sdelay $0x4  }
0x144: {  	[tilespmem:s0], [sflag:$0x1] =	stream.indirect_vreg.gather [hbm4b:s3+s2], $0x80, v4, vm0, $0xb8;
	[tilespmem:$0x10100] =	vst v63  }
0x145: {  	s31 =	simm.s32 $0x900  }
0x146: {  	[tilespmem:s31], [sflag:$0x1] =	stream.indirect_vreg.gather [hbm4b:s4+s2], $0x80, v4, vm0, $0xb8;
	[tilespmem:$0x10100] =	vst v63  }
0x147: {  	s31 =	simm.s32 $0x1100  }
0x148: {  	[tilespmem:s31], [sflag:$0x1] =	stream.indirect_vreg.gather [hbm4b:s5+s2], $0x80, v4, vm0, $0xb8;
	[tilespmem:$0x10100] =	vst v63  }
0x149: {  	s14 =	simm.s32 $0x1900  }
0x14a: {  	[tilespmem:s14], [sflag:$0x1] =	stream.indirect_vreg.gather [hbm4b:s6+s2], $0x80, v4, vm0, $0xb8;
	[tilespmem:$0x10100] =	vst v63  }
0x14b: {  	s15 =	simm.s32 $0x2100  }
0x14c: {  	[tilespmem:s15], [sflag:$0x1] =	stream.indirect_vreg.gather [hbm4b:s7+s2], $0x80, v4, vm0, $0xb8;
	[tilespmem:$0x10100] =	vst v63  }
0x14d: {  	s16 =	simm.s32 $0x2900;
	v3 =	vperm.xlane v3, v2  }
0x14e: {  	[tilespmem:s16], [sflag:$0x1] =	stream.indirect_vreg.gather [hbm4b:s8+s2], $0x80, v4, vm0, $0xb8;
	[tilespmem:$0x10100] =	vst v63  }
0x14f: {  	s17 =	simm.s32 $0x3100;
	v3 =	vadd.s32 v1, v3  }
0x150: {  	[tilespmem:s17], [sflag:$0x1] =	stream.indirect_vreg.gather [hbm4b:s9+s2], $0x80, v4, vm0, $0xb8;
	[tilespmem:$0x10100] =	vst v63  }
0x151: {  	s18 =	simm.s32 $0x3900  }
0x152: {  	[tilespmem:s18], [sflag:$0x1] =	stream.indirect_vreg.gather [hbm4b:s10+s2], $0x80, v4, vm0, $0xb8;
	[tilespmem:$0x10100] =	vst v63  }
0x153: {  	s19 =	simm.s32 $0x4100  }
0x154: {  	[tilespmem:s19], [sflag:$0x1] =	stream.indirect_vreg.gather [hbm4b:s3+s2], $0x80, v3, vm0, $0xb8;
	[tilespmem:$0x10100] =	vst v63  }
0x155: {  	s20 =	simm.s32 $0x4900  }
0x156: {  	[tilespmem:s20], [sflag:$0x1] =	stream.indirect_vreg.gather [hbm4b:s4+s2], $0x80, v3, vm0, $0xb8;
	[tilespmem:$0x10100] =	vst v63  }
0x157: {  	s21 =	simm.s32 $0x5100  }
0x158: {  	[tilespmem:s21], [sflag:$0x1] =	stream.indirect_vreg.gather [hbm4b:s5+s2], $0x80, v3, vm0, $0xb8;
	[tilespmem:$0x10100] =	vst v63  }
0x159: {  	s22 =	simm.s32 $0x5900  }
0x15a: {  	[tilespmem:s22], [sflag:$0x1] =	stream.indirect_vreg.gather [hbm4b:s6+s2], $0x80, v3, vm0, $0xb8;
	[tilespmem:$0x10100] =	vst v63  }
0x15b: {  	s23 =	simm.s32 $0x6100  }
0x15c: {  	[tilespmem:s23], [sflag:$0x1] =	stream.indirect_vreg.gather [hbm4b:s7+s2], $0x80, v3, vm0, $0xb8;
	[tilespmem:$0x10100] =	vst v63  }
0x15d: {  	s24 =	simm.s32 $0x6900  }
0x15e: {  	[tilespmem:s24], [sflag:$0x1] =	stream.indirect_vreg.gather [hbm4b:s8+s2], $0x80, v3, vm0, $0xb8;
	[tilespmem:$0x10100] =	vst v63  }
0x15f: {  	s25 =	simm.s32 $0x7100  }
0x160: {  	[tilespmem:s25], [sflag:$0x1] =	stream.indirect_vreg.gather [hbm4b:s9+s2], $0x80, v3, vm0, $0xb8;
	[tilespmem:$0x10100] =	vst v63  }
0x161: {  	s26 =	simm.s32 $0x7900  }
0x162: {  	[tilespmem:s26], [sflag:$0x1] =	stream.indirect_vreg.gather [hbm4b:s10+s2], $0x80, v3, vm0, $0xb8;
	[tilespmem:$0x10100] =	vst v63  }
0x163: {  	_ =	swait.ge [sflag:s29], $0x8000  }
0x164: {  	[sflag:s29] =	ssyncset.done $0x0  }
0x165: {  	s24 =	rddreg [dreg:$0xf];
	[sflag:s29] =	ssyncadd.s32 $0xFFFF8000  }
0x166: {  	[hbm4b:s24+s2] =	stream.linear.scatter [tilespmem:s1], [sflag:$0x3], $0x8000, $0x38;
	[tilespmem:$0x10100] =	vst v63  }
0x167: {  	_ =	swait.ge [sflag:s12], $0x8000  }
0x168: {  	[sflag:s12] =	ssyncset.done $0x0  }
0x169: {  	s26 =	simm.s32 $0x80;
	s25 =	rddreg [dreg:$0x10];
	[sflag:s12] =	ssyncadd.s32 $0xFFFF8000  }
0x16a: {  	[tilespmem:s26], [sflag:$0x3] =	stream.linear.gather [hbm4b:s25+s2], $0x10, $0x38;
	[tilespmem:$0x10100] =	vst v63  }
0x16b: {  	_ =	swait.ge [sflag:s12], $0x10  }
0x16c: {  	[sflag:s12] =	ssyncset.done $0x0  }
0x16d: {  	[sflag:s12] =	ssyncadd.s32 $0xFFFFFFF0  }
0x16e: {  	v3 =	vld [tilespmem:$0x80];
	_ =	sdelay $0x4  }
0x16f: {  	v63 =	vshll.u32 v3, $0x4  }
0x170: {  	v3 =	vand.u32 $0x7, v3;
	v4 =	vand.u32 $0xFFFFFF80, v63  }
0x171: {  	v3 =	vor.u32 v3, v4  }
0x172: {  	v4 =	vperm.xlane v3, v0;
	_ =	sdelay $0x1  }
0x173: {  	v4 =	vadd.s32 v1, v4;
	_ =	sdelay $0x4  }
0x174: {  	[tilespmem:s1], [sflag:$0x2] =	stream.indirect_vreg.gather [hbm4b:s3+s2], $0x80, v4, vm0, $0xb8;
	[tilespmem:$0x10100] =	vst v63  }
0x175: {  	s30 =	simm.s32 $0x8900  }
0x176: {  	[tilespmem:s30], [sflag:$0x2] =	stream.indirect_vreg.gather [hbm4b:s4+s2], $0x80, v4, vm0, $0xb8;
	[tilespmem:$0x10100] =	vst v63  }
0x177: {  	_ = 	snop  }
0x178: {  	[tilespmem:s13], [sflag:$0x2] =	stream.indirect_vreg.gather [hbm4b:s5+s2], $0x80, v4, vm0, $0xb8;
	[tilespmem:$0x10100] =	vst v63  }
0x179: {  	s31 =	simm.s32 $0x9900  }
0x17a: {  	[tilespmem:s31], [sflag:$0x2] =	stream.indirect_vreg.gather [hbm4b:s6+s2], $0x80, v4, vm0, $0xb8;
	[tilespmem:$0x10100] =	vst v63  }
0x17b: {  	s14 =	simm.s32 $0xA100  }
0x17c: {  	[tilespmem:s14], [sflag:$0x2] =	stream.indirect_vreg.gather [hbm4b:s7+s2], $0x80, v4, vm0, $0xb8;
	[tilespmem:$0x10100] =	vst v63  }
0x17d: {  	s15 =	simm.s32 $0xA900;
	v3 =	vperm.xlane v3, v2  }
0x17e: {  	[tilespmem:s15], [sflag:$0x2] =	stream.indirect_vreg.gather [hbm4b:s8+s2], $0x80, v4, vm0, $0xb8;
	[tilespmem:$0x10100] =	vst v63  }
0x17f: {  	s16 =	simm.s32 $0xB100;
	v3 =	vadd.s32 v1, v3  }
0x180: {  	[tilespmem:s16], [sflag:$0x2] =	stream.indirect_vreg.gather [hbm4b:s9+s2], $0x80, v4, vm0, $0xb8;
	[tilespmem:$0x10100] =	vst v63  }
0x181: {  	s17 =	simm.s32 $0xB900  }
0x182: {  	[tilespmem:s17], [sflag:$0x2] =	stream.indirect_vreg.gather [hbm4b:s10+s2], $0x80, v4, vm0, $0xb8;
	[tilespmem:$0x10100] =	vst v63  }
0x183: {  	s18 =	simm.s32 $0xC100  }
0x184: {  	[tilespmem:s18], [sflag:$0x2] =	stream.indirect_vreg.gather [hbm4b:s3+s2], $0x80, v3, vm0, $0xb8;
	[tilespmem:$0x10100] =	vst v63  }
0x185: {  	s19 =	simm.s32 $0xC900  }
0x186: {  	[tilespmem:s19], [sflag:$0x2] =	stream.indirect_vreg.gather [hbm4b:s4+s2], $0x80, v3, vm0, $0xb8;
	[tilespmem:$0x10100] =	vst v63  }
0x187: {  	s20 =	simm.s32 $0xD100  }
0x188: {  	[tilespmem:s20], [sflag:$0x2] =	stream.indirect_vreg.gather [hbm4b:s5+s2], $0x80, v3, vm0, $0xb8;
	[tilespmem:$0x10100] =	vst v63  }
0x189: {  	s21 =	simm.s32 $0xD900  }
0x18a: {  	[tilespmem:s21], [sflag:$0x2] =	stream.indirect_vreg.gather [hbm4b:s6+s2], $0x80, v3, vm0, $0xb8;
	[tilespmem:$0x10100] =	vst v63  }
0x18b: {  	s22 =	simm.s32 $0xE100  }
0x18c: {  	[tilespmem:s22], [sflag:$0x2] =	stream.indirect_vreg.gather [hbm4b:s7+s2], $0x80, v3, vm0, $0xb8;
	[tilespmem:$0x10100] =	vst v63  }
0x18d: {  	s23 =	simm.s32 $0xE900  }
0x18e: {  	[tilespmem:s23], [sflag:$0x2] =	stream.indirect_vreg.gather [hbm4b:s8+s2], $0x80, v3, vm0, $0xb8;
	[tilespmem:$0x10100] =	vst v63  }
0x18f: {  	s24 =	simm.s32 $0xF100  }
0x190: {  	[tilespmem:s24], [sflag:$0x2] =	stream.indirect_vreg.gather [hbm4b:s9+s2], $0x80, v3, vm0, $0xb8;
	[tilespmem:$0x10100] =	vst v63  }
0x191: {  	s25 =	simm.s32 $0xF900  }
0x192: {  	[tilespmem:s25], [sflag:$0x2] =	stream.indirect_vreg.gather [hbm4b:s10+s2], $0x80, v3, vm0, $0xb8;
	[tilespmem:$0x10100] =	vst v63  }
0x193: {  	_ =	swait.ge [sflag:s28], $0x8000  }
0x194: {  	[sflag:s28] =	ssyncset.done $0x0  }
0x195: {  	s0 =	simm.s32 $0x100;
	s26 =	rddreg [dreg:$0x11];
	[sflag:s28] =	ssyncadd.s32 $0xFFFF8000  }
0x196: {  	[hbm4b:s26+s2] =	stream.linear.scatter [tilespmem:s0], [sflag:$0x3], $0x8000, $0x38;
	[tilespmem:$0x10100] =	vst v63  }
0x197: {  	_ =	swait.ge [sflag:s12], $0x8000  }
0x198: {  	[sflag:s12] =	ssyncset.done $0x0  }
0x199: {  	[sflag:s12] =	ssyncadd.s32 $0xFFFF8000  }
0x19a: {  	_ =	swait.ge [sflag:s29], $0x8000  }
0x19b: {  	p0 =	sne.s32 s11, $0x1;
	[sflag:s29] =	ssyncset.done $0x0  }
.Ltmp0:
0x19c: {  	s31 =	rddreg [dreg:$0x12];
	[sflag:s29] =	ssyncadd.s32 $0xFFFF8000;
	(pc) =	sbr.rel @p0 .LBB2_1-.Ltmp0, $4  }
0x19d: {  	[hbm4b:s31+s2] =	stream.linear.scatter [tilespmem:s1], [sflag:$0x3], $0x8000, $0x38;
	[tilespmem:$0x10100] =	vst v63  }
0x19e: {  	_ =	swait.ge [sflag:s12], $0x8000  }
0x19f: {  	[sflag:s12] =	ssyncset.done $0x0  }
0x1a0: {  	s11 =	sadd.s32 $0xFFFFFFFF, s11;
	[sflag:s12] =	ssyncadd.s32 $0xFFFF8000  }
0x1a1: {  	_ =	sfence.sel $0x180000  }
0x1a2: {  	[bflag:$0x0] =	sbarrier.arrive $0xFFFF  }
0x1a3: {  	_ =	strace $0x9000004A  }
0x1a4: {  	s0 =	stileid.u32;
	[bflag:$0x2] =	sbarrier.arrive $0xFFFF  }
0x1a5: {  	p0 =	sne.s32 s0, $0x0;
	s0 =	rddreg [dreg:$0x2]  }
0x1a6: {  	s0 =	sadd.s32 @!p0 $0x100000, s0  }
0x1a7: {  	[sflag:s0] =	ssyncadd.tile.s32 @!p0 $0x1;
	_ =	shalt  }
.Lfunc_end2:
_tile_overlayer_lowered:
.L_overlay_start_2:
0x1a8: {  	(tag) =	ssettag $0x2  }
0x1a9: {  	s0 =	rddreg [dreg:$0x0];
	s2 =	stileid.u32  }
0x1aa: {  	s1 =	rddreg [dreg:$0x1];
	p0 =	sne.s32 s2, $0x0  }
0x1ab: {  	s3 =	rddreg [dreg:$0x2];
	[bflag:$0x3] =	sbarrier.arrive $0xFFFF;
	s2 =	simm.s32 @!p0 $0x1C03  }
0x1ac: {  	[timem:s3], [sflag:s2] =	dma.local @!p0 [hbm:s0], s1  }
0x1ad: {  	s0 =	simm.s32 @!p0 $0x3  }
0x1ae: {  	_ =	swait.ge @!p0 [sflag:s0], s1  }
0x1af: {  	s1 =	ssub.s32 @!p0 $0x0, s1;
	[sflag:s0] =	ssyncset.done @!p0 $0x0  }
0x1b0: {  	[sflag:s0] =	ssyncadd.s32 @!p0 s1  }
0x1b1: {  	[bflag:$0x3] =	sbarrier.arrive $0xFFFF  }
0x1b2: {  	_ =	shalt  }

</sc_bundles>
